<compile_context>
chip_gen: v7x
topology: tpu7x:2x2x1
jax: 0.10.2.dev20260603
libtpu: 0.0.44.dev20260713+nightly
codegen_flags: <defaults>
</compile_context>

<pallas_src>
import jax
import jax.numpy as jnp
from jax import lax
from jax.experimental import pallas as pl
from jax.experimental.pallas import tpu as pltpu
from jax.experimental.pallas import tpu_sc as plsc

N_NODES = 10000
N_EDGES = 320000
D = 128

NC = 2
NS = 16
NW = NC * NS
K = 128
CHUNKS = 80
EPT = CHUNKS * K
HALFC = CHUNKS // 2
QC = CHUNKS // 5
E_PAD = NW * EPT
N_PAD = 10240
ROWS_PER_TILE = N_PAD // NS


def _sc_bincount_body(src_hbm, dst_hbm, deg_hbm, src_v, dst_v, ones_v, zero_v,
                      deg_src_sh, deg_dst_sh, bsem_s, bsem_d):
    c = lax.axis_index("c")
    s = lax.axis_index("s")
    wid = c * NS + s

    for i in range(ROWS_PER_TILE // 16):
        zero_v[pl.ds(i * 16, 16)] = jnp.zeros((16,), jnp.float32)
    for i in range(K // 16):
        ones_v[pl.ds(i * 16, 16)] = jnp.ones((16,), jnp.float32)
    pltpu.sync_copy(zero_v, deg_src_sh.at[pl.ds(s * ROWS_PER_TILE, ROWS_PER_TILE)])
    pltpu.sync_copy(zero_v, deg_dst_sh.at[pl.ds(s * ROWS_PER_TILE, ROWS_PER_TILE)])

    plsc.subcore_barrier()

    def body(j, carry):
        pltpu.async_copy(ones_v, deg_src_sh.at[src_v.at[j]], bsem_s, add=True)
        pltpu.async_copy(ones_v, deg_dst_sh.at[dst_v.at[j]], bsem_d, add=True)
        pltpu.make_async_copy(ones_v, deg_src_sh.at[src_v.at[j]], bsem_s).wait()
        pltpu.make_async_copy(ones_v, deg_dst_sh.at[dst_v.at[j]], bsem_d).wait()
        return carry

    for phase in range(2):
        pltpu.sync_copy(src_hbm.at[wid, pl.ds(phase * HALFC, HALFC)], src_v)
        pltpu.sync_copy(dst_hbm.at[wid, pl.ds(phase * HALFC, HALFC)], dst_v)
        lax.fori_loop(0, HALFC, body, 0)
    plsc.subcore_barrier()

    sl = pl.ds(s * ROWS_PER_TILE, ROWS_PER_TILE)
    pltpu.sync_copy(deg_src_sh.at[sl], deg_hbm.at[c, 0, sl])
    pltpu.sync_copy(deg_dst_sh.at[sl], deg_hbm.at[c, 1, sl])


def _sc_scatter_body(xs_hbm, src_hbm, dst_hbm, out_hbm, src_q0, dst_q0,
                     src_q1, dst_q1, rows_a, rows_b, acc_sh,
                     gsem_a, gsem_b, ssem_a, ssem_b, isem_s, isem_d):
    c = lax.axis_index("c")
    s = lax.axis_index("s")
    wid = c * NS + s

    def zrow(i, carry):
        for t in range(D // 16):
            rows_a[i, pl.ds(t * 16, 16)] = jnp.zeros((16,), jnp.float32)
        return carry

    lax.fori_loop(0, K, zrow, 0)
    for t in range(ROWS_PER_TILE // K):
        pltpu.async_copy(rows_a,
                         acc_sh.at[pl.ds(s * ROWS_PER_TILE + t * K, K)],
                         ssem_a)
    pltpu.async_copy(src_hbm.at[wid, pl.ds(0, QC)], src_q0, isem_s)
    pltpu.async_copy(dst_hbm.at[wid, pl.ds(0, QC)], dst_q0, isem_d)
    for t in range(ROWS_PER_TILE // K):
        pltpu.make_async_copy(rows_a,
                              acc_sh.at[pl.ds(s * ROWS_PER_TILE + t * K, K)],
                              ssem_a).wait()
    plsc.subcore_barrier()

    bufs = (rows_a, rows_b)
    gsems = (gsem_a, gsem_b)
    ssems = (ssem_a, ssem_b)
    slabs = ((src_q0, dst_q0), (src_q1, dst_q1))

    def slab_fetch(q, p):
        sl = pl.ds(q * QC, QC)
        pltpu.async_copy(src_hbm.at[wid, sl], slabs[p][0], isem_s)
        pltpu.async_copy(dst_hbm.at[wid, sl], slabs[p][1], isem_d)

    def slab_wait(q, p):
        sl = pl.ds(q * QC, QC)
        pltpu.make_async_copy(src_hbm.at[wid, sl], slabs[p][0], isem_s).wait()
        pltpu.make_async_copy(dst_hbm.at[wid, sl], slabs[p][1], isem_d).wait()

    for q in range(5):
        p = q % 2
        src_v, dst_v = slabs[p]
        slab_wait(q, p)
        if q < 4:
            slab_fetch(q + 1, 1 - p)

        def gather(j, b):
            pltpu.async_copy(xs_hbm.at[src_v.at[j]], bufs[b], gsems[b])

        def gather_wait(j, b):
            pltpu.make_async_copy(xs_hbm.at[src_v.at[j]], bufs[b],
                                  gsems[b]).wait()

        def scat(j, b):
            pltpu.async_copy(bufs[b], acc_sh.at[dst_v.at[j]], ssems[b],
                             add=True)

        def scat_wait(j, b):
            pltpu.make_async_copy(bufs[b], acc_sh.at[dst_v.at[j]],
                                  ssems[b]).wait()

        gather(0, 0)
        gather(1, 1)

        def body(i, carry):
            j = 2 * i
            gather_wait(j, 0)
            scat(j, 0)
            gather_wait(j + 1, 1)
            scat_wait(j, 0)
            gather(j + 2, 0)
            scat(j + 1, 1)
            scat_wait(j + 1, 1)
            gather(j + 3, 1)
            return carry

        lax.fori_loop(0, QC // 2 - 1, body, 0)
        j = QC - 2
        gather_wait(j, 0)
        scat(j, 0)
        gather_wait(j + 1, 1)
        scat_wait(j, 0)
        scat(j + 1, 1)
        scat_wait(j + 1, 1)
    plsc.subcore_barrier()

    sl = pl.ds(s * ROWS_PER_TILE, ROWS_PER_TILE)
    pltpu.sync_copy(acc_sh.at[sl], out_hbm.at[c, sl])


def _tc_prep_body(emb_ref, degt_ref, xs_ref):
    deg_out = degt_ref[:, 0:1] + degt_ref[:, 2:3]
    norm_out = lax.rsqrt(jnp.maximum(deg_out, 1.0))
    xs_ref[...] = emb_ref[...] * norm_out


def _tc_final_body(part_ref, degt_ref, out_ref):
    deg_in = degt_ref[:, 1:2] + degt_ref[:, 3:4]
    norm_in = lax.rsqrt(jnp.maximum(deg_in, 1.0))
    out_ref[...] = (part_ref[0] + part_ref[1]) * norm_in


def kernel(embeddings, edge_index):
    pad = jnp.arange(E_PAD - N_EDGES, dtype=jnp.int32) % (N_PAD - N_NODES) \
        + N_NODES
    ei = jnp.concatenate([edge_index, jnp.stack([pad, pad])], axis=1)
    src_r = ei[0].reshape(NW, CHUNKS, K)
    dst_r = ei[1].reshape(NW, CHUNKS, K)

    mesh = plsc.VectorSubcoreMesh(core_axis_name="c", subcore_axis_name="s")

    bincount = pl.kernel(
        _sc_bincount_body,
        out_type=jax.ShapeDtypeStruct((NC, 2, N_PAD), jnp.float32),
        mesh=mesh,
        scratch_types=[
            pltpu.VMEM((HALFC, K), jnp.int32),
            pltpu.VMEM((HALFC, K), jnp.int32),
            pltpu.VMEM((K,), jnp.float32),
            pltpu.VMEM((ROWS_PER_TILE,), jnp.float32),
            pltpu.VMEM_SHARED((N_PAD,), jnp.float32),
            pltpu.VMEM_SHARED((N_PAD,), jnp.float32),
            pltpu.SemaphoreType.DMA,
            pltpu.SemaphoreType.DMA,
        ],
    )
    deg_part = bincount(src_r, dst_r)
    degt = deg_part.transpose(2, 0, 1).reshape(N_PAD, 4)

    blk = 1000
    grid = N_NODES // blk
    xs = pl.pallas_call(
        _tc_prep_body,
        out_shape=jax.ShapeDtypeStruct((N_PAD, D), jnp.float32),
        grid=(grid,),
        in_specs=[
            pl.BlockSpec((blk, D), lambda i: (i, 0)),
            pl.BlockSpec((blk, 4), lambda i: (i, 0)),
        ],
        out_specs=pl.BlockSpec((blk, D), lambda i: (i, 0)),
    )(embeddings, degt)

    scatter = pl.kernel(
        _sc_scatter_body,
        out_type=jax.ShapeDtypeStruct((NC, N_PAD, D), jnp.float32),
        mesh=mesh,
        scratch_types=[
            pltpu.VMEM((QC, K), jnp.int32),
            pltpu.VMEM((QC, K), jnp.int32),
            pltpu.VMEM((QC, K), jnp.int32),
            pltpu.VMEM((QC, K), jnp.int32),
            pltpu.VMEM((K, D), jnp.float32),
            pltpu.VMEM((K, D), jnp.float32),
            pltpu.VMEM_SHARED((N_PAD, D), jnp.float32),
            pltpu.SemaphoreType.DMA,
            pltpu.SemaphoreType.DMA,
            pltpu.SemaphoreType.DMA,
            pltpu.SemaphoreType.DMA,
            pltpu.SemaphoreType.DMA,
            pltpu.SemaphoreType.DMA,
        ],
    )
    partials = scatter(xs, src_r, dst_r)

    out = pl.pallas_call(
        _tc_final_body,
        out_shape=jax.ShapeDtypeStruct((N_NODES, D), jnp.float32),
        grid=(grid,),
        in_specs=[
            pl.BlockSpec((NC, blk, D), lambda i: (0, i, 0)),
            pl.BlockSpec((blk, 4), lambda i: (i, 0)),
        ],
        out_specs=pl.BlockSpec((blk, D), lambda i: (i, 0)),
    )(partials, degt)

    return out

# --- scband reference (transcript-rebuilt; emitter-appended) ---
"""Pipeline reference for scband-smooth-filter-90031104459322 (READ-ONLY COPY).

The authoritative reference and input builder live on the scoring server;
editing this copy changes nothing except your own understanding.
"""

import jax, jax.numpy as jnp
import numpy as np

N_NODES = 10000
N_EDGES = 320000
D_FEAT = 128


def setup_inputs(seed: int = 0) -> dict:
    key = jax.random.key(seed)
    k1, k2 = jax.random.split(key)
    embeddings = jax.random.normal(k1, (N_NODES, D_FEAT), dtype=jnp.float32)
    edge_index = jax.random.randint(k2, (2, N_EDGES), 0, N_NODES, dtype=jnp.int32)
    return {"embeddings": embeddings, "edge_index": edge_index}


def reference(embeddings, edge_index):
    # SmoothFilter with norm='both':
    # Y = D_in^{-1/2} A D_out^{-1/2} X  (symmetric-normalized label propagation step)
    src = edge_index[0]
    dst = edge_index[1]
    n = embeddings.shape[0]

    # out-degrees (edges leaving each node), clamp(min=1)
    deg_out = jnp.bincount(src, length=n).astype(jnp.float32)
    deg_out = jnp.maximum(deg_out, 1.0)
    norm_out = jnp.power(deg_out, -0.5)
    x = embeddings * norm_out[:, None]

    # message passing: copy_src + sum reduce == scatter-add of x[src] into dst
    msg = jnp.take(x, src, axis=0)
    rst = jnp.zeros_like(embeddings).at[dst].add(msg)

    # in-degrees, clamp(min=1), right normalization with -0.5 power
    deg_in = jnp.bincount(dst, length=n).astype(jnp.float32)
    deg_in = jnp.maximum(deg_in, 1.0)
    norm_in = jnp.power(deg_in, -0.5)
    rst = rst * norm_in[:, None]
    return rst

if __name__ == "__main__":
    import jax
    _d = setup_inputs()
    print(jax.jit(kernel)(*tuple(_d.values())))

</pallas_src>

<mosaic_0001>
#map = affine_map<(d0, d1) -> (0, 0)>
#map1 = affine_map<(d0, d1) -> (0, 0, 0)>
module attributes {stable_mosaic.version = 14 : i64} {
  func.func @_sc_scatter_body(%arg0: i32, %arg1: i32, %arg2: memref<10240x128xf32, #tpu.memory_space<hbm>>, %arg3: memref<32x80x128xi32, #tpu.memory_space<hbm>>, %arg4: memref<32x80x128xi32, #tpu.memory_space<hbm>>, %arg5: memref<2x10240x128xf32, #tpu.memory_space<hbm>>, %arg6: memref<16x128xi32, #tpu.memory_space<vmem>>, %arg7: memref<16x128xi32, #tpu.memory_space<vmem>>, %arg8: memref<16x128xi32, #tpu.memory_space<vmem>>, %arg9: memref<16x128xi32, #tpu.memory_space<vmem>>, %arg10: memref<128x128xf32, #tpu.memory_space<vmem>>, %arg11: memref<128x128xf32, #tpu.memory_space<vmem>>, %arg12: memref<10240x128xf32, #tpu.memory_space<vmem_shared>>, %arg13: memref<!tpu.dma_semaphore, #tpu.memory_space<semaphore_mem>>, %arg14: memref<!tpu.dma_semaphore, #tpu.memory_space<semaphore_mem>>, %arg15: memref<!tpu.dma_semaphore, #tpu.memory_space<semaphore_mem>>, %arg16: memref<!tpu.dma_semaphore, #tpu.memory_space<semaphore_mem>>, %arg17: memref<!tpu.dma_semaphore, #tpu.memory_space<semaphore_mem>>, %arg18: memref<!tpu.dma_semaphore, #tpu.memory_space<semaphore_mem>>) attributes {dimension_semantics = [#tpu.dimension_semantics<core_parallel>, #tpu.dimension_semantics<subcore_parallel>], iteration_bounds = array<i64: 2, 16>, scalar_prefetch = 0 : i64, scratch_operands = 13 : i64, tpu.core_type = #tpu.core_type<sc_vector_subcore>, window_params = [{transform_indices = #map}, {transform_indices = #map1}, {transform_indices = #map1}, {transform_indices = #map1}]} {
    %mul3A = arith.constant 16 : i32
    %mul3A_0 = arith.muli %arg0, %mul3A : i32
    %add3A = arith.addi %mul3A_0, %arg1 : i32
    %scan3A = arith.constant 0 : i32
    %scan3A_1 = arith.constant 0 : i32
    %scan3A_2 = arith.constant 128 : i32
    %scan3A_3 = arith.addi %scan3A_1, %scan3A_2 : i32
    %scan3A_4 = arith.constant 1 : i32
    scf.for %scan3A_557 = %scan3A_1 to %scan3A_3 step %scan3A_4  : i32 {
      %broadcast_in_dim3A = arith.constant 0.000000e+00 : f32
      %broadcast_in_dim3A_558 = vector.broadcast %broadcast_in_dim3A : f32 to vector<16xf32>
      %swap3A = arith.index_cast %scan3A_557 : i32 to index
      %swap3A_559 = arith.constant 0 : index
      %swap3A_560 = tpu.vector_load %arg10[%swap3A, %swap3A_559] {strides = array<i32>} : memref<128x128xf32, #tpu.memory_space<vmem>>, vector<1x16xf32>,
      %swap3A_561 = vector.shape_cast %swap3A_560 : vector<1x16xf32> to vector<16xf32>
      %swap3A_562 = vector.shape_cast %broadcast_in_dim3A_558 : vector<16xf32> to vector<1x16xf32>
      tpu.vector_store %arg10[%swap3A, %swap3A_559], %swap3A_562 {strides = array<i32>} : memref<128x128xf32, #tpu.memory_space<vmem>>, vector<1x16xf32>,
      %broadcast_in_dim3A_563 = arith.constant 0.000000e+00 : f32
      %broadcast_in_dim3A_564 = vector.broadcast %broadcast_in_dim3A_563 : f32 to vector<16xf32>
      %swap3A_565 = arith.index_cast %scan3A_557 : i32 to index
      %swap3A_566 = arith.constant 16 : index
      %swap3A_567 = tpu.vector_load %arg10[%swap3A_565, %swap3A_566] {strides = array<i32>} : memref<128x128xf32, #tpu.memory_space<vmem>>, vector<1x16xf32>,
      %swap3A_568 = vector.shape_cast %swap3A_567 : vector<1x16xf32> to vector<16xf32>
      %swap3A_569 = vector.shape_cast %broadcast_in_dim3A_564 : vector<16xf32> to vector<1x16xf32>
      tpu.vector_store %arg10[%swap3A_565, %swap3A_566], %swap3A_569 {strides = array<i32>} : memref<128x128xf32, #tpu.memory_space<vmem>>, vector<1x16xf32>,
      %broadcast_in_dim3A_570 = arith.constant 0.000000e+00 : f32
      %broadcast_in_dim3A_571 = vector.broadcast %broadcast_in_dim3A_570 : f32 to vector<16xf32>
      %swap3A_572 = arith.index_cast %scan3A_557 : i32 to index
      %swap3A_573 = arith.constant 32 : index
      %swap3A_574 = tpu.vector_load %arg10[%swap3A_572, %swap3A_573] {strides = array<i32>} : memref<128x128xf32, #tpu.memory_space<vmem>>, vector<1x16xf32>,
      %swap3A_575 = vector.shape_cast %swap3A_574 : vector<1x16xf32> to vector<16xf32>
      %swap3A_576 = vector.shape_cast %broadcast_in_dim3A_571 : vector<16xf32> to vector<1x16xf32>
      tpu.vector_store %arg10[%swap3A_572, %swap3A_573], %swap3A_576 {strides = array<i32>} : memref<128x128xf32, #tpu.memory_space<vmem>>, vector<1x16xf32>,
      %broadcast_in_dim3A_577 = arith.constant 0.000000e+00 : f32
      %broadcast_in_dim3A_578 = vector.broadcast %broadcast_in_dim3A_577 : f32 to vector<16xf32>
      %swap3A_579 = arith.index_cast %scan3A_557 : i32 to index
      %swap3A_580 = arith.constant 48 : index
      %swap3A_581 = tpu.vector_load %arg10[%swap3A_579, %swap3A_580] {strides = array<i32>} : memref<128x128xf32, #tpu.memory_space<vmem>>, vector<1x16xf32>,
      %swap3A_582 = vector.shape_cast %swap3A_581 : vector<1x16xf32> to vector<16xf32>
      %swap3A_583 = vector.shape_cast %broadcast_in_dim3A_578 : vector<16xf32> to vector<1x16xf32>
      tpu.vector_store %arg10[%swap3A_579, %swap3A_580], %swap3A_583 {strides = array<i32>} : memref<128x128xf32, #tpu.memory_space<vmem>>, vector<1x16xf32>,
      %broadcast_in_dim3A_584 = arith.constant 0.000000e+00 : f32
      %broadcast_in_dim3A_585 = vector.broadcast %broadcast_in_dim3A_584 : f32 to vector<16xf32>
      %swap3A_586 = arith.index_cast %scan3A_557 : i32 to index
      %swap3A_587 = arith.constant 64 : index
      %swap3A_588 = tpu.vector_load %arg10[%swap3A_586, %swap3A_587] {strides = array<i32>} : memref<128x128xf32, #tpu.memory_space<vmem>>, vector<1x16xf32>,
      %swap3A_589 = vector.shape_cast %swap3A_588 : vector<1x16xf32> to vector<16xf32>
      %swap3A_590 = vector.shape_cast %broadcast_in_dim3A_585 : vector<16xf32> to vector<1x16xf32>
      tpu.vector_store %arg10[%swap3A_586, %swap3A_587], %swap3A_590 {strides = array<i32>} : memref<128x128xf32, #tpu.memory_space<vmem>>, vector<1x16xf32>,
      %broadcast_in_dim3A_591 = arith.constant 0.000000e+00 : f32
      %broadcast_in_dim3A_592 = vector.broadcast %broadcast_in_dim3A_591 : f32 to vector<16xf32>
      %swap3A_593 = arith.index_cast %scan3A_557 : i32 to index
      %swap3A_594 = arith.constant 80 : index
      %swap3A_595 = tpu.vector_load %arg10[%swap3A_593, %swap3A_594] {strides = array<i32>} : memref<128x128xf32, #tpu.memory_space<vmem>>, vector<1x16xf32>,
      %swap3A_596 = vector.shape_cast %swap3A_595 : vector<1x16xf32> to vector<16xf32>
      %swap3A_597 = vector.shape_cast %broadcast_in_dim3A_592 : vector<16xf32> to vector<1x16xf32>
      tpu.vector_store %arg10[%swap3A_593, %swap3A_594], %swap3A_597 {strides = array<i32>} : memref<128x128xf32, #tpu.memory_space<vmem>>, vector<1x16xf32>,
      %broadcast_in_dim3A_598 = arith.constant 0.000000e+00 : f32
      %broadcast_in_dim3A_599 = vector.broadcast %broadcast_in_dim3A_598 : f32 to vector<16xf32>
      %swap3A_600 = arith.index_cast %scan3A_557 : i32 to index
      %swap3A_601 = arith.constant 96 : index
      %swap3A_602 = tpu.vector_load %arg10[%swap3A_600, %swap3A_601] {strides = array<i32>} : memref<128x128xf32, #tpu.memory_space<vmem>>, vector<1x16xf32>,
      %swap3A_603 = vector.shape_cast %swap3A_602 : vector<1x16xf32> to vector<16xf32>
      %swap3A_604 = vector.shape_cast %broadcast_in_dim3A_599 : vector<16xf32> to vector<1x16xf32>
      tpu.vector_store %arg10[%swap3A_600, %swap3A_601], %swap3A_604 {strides = array<i32>} : memref<128x128xf32, #tpu.memory_space<vmem>>, vector<1x16xf32>,
      %broadcast_in_dim3A_605 = arith.constant 0.000000e+00 : f32
      %broadcast_in_dim3A_606 = vector.broadcast %broadcast_in_dim3A_605 : f32 to vector<16xf32>
      %swap3A_607 = arith.index_cast %scan3A_557 : i32 to index
      %swap3A_608 = arith.constant 112 : index
      %swap3A_609 = tpu.vector_load %arg10[%swap3A_607, %swap3A_608] {strides = array<i32>} : memref<128x128xf32, #tpu.memory_space<vmem>>, vector<1x16xf32>,
      %swap3A_610 = vector.shape_cast %swap3A_609 : vector<1x16xf32> to vector<16xf32>
      %swap3A_611 = vector.shape_cast %broadcast_in_dim3A_606 : vector<16xf32> to vector<1x16xf32>
      tpu.vector_store %arg10[%swap3A_607, %swap3A_608], %swap3A_611 {strides = array<i32>} : memref<128x128xf32, #tpu.memory_space<vmem>>, vector<1x16xf32>,
    }
    %scan3A_5 = arith.constant 128 : i32
    %mul3A_6 = arith.constant 640 : i32
    %mul3A_7 = arith.muli %arg1, %mul3A_6 : i32
    %add3A_8 = arith.constant 0 : i32
    %add3A_9 = arith.addi %mul3A_7, %add3A_8 : i32
    %dma_start3A = arith.constant 0 : i32
    %dma_start3A_10 = tpu.memref_slice %arg12[%add3A_9, %dma_start3A] : memref<10240x128xf32, #tpu.memory_space<vmem_shared>> -> memref<128x128xf32, #tpu.memory_space<vmem_shared>>
    %dma_start3A_11 = arith.constant 0 : i32
    %dma_start3A_12 = tpu.memref_slice %arg12[%add3A_9, %dma_start3A_11] : memref<10240x128xf32, #tpu.memory_space<vmem_shared>> -> memref<128x128xf32, #tpu.memory_space<vmem_shared>>
    tpu.enqueue_dma source(%arg10 : memref<128x128xf32, #tpu.memory_space<vmem>>) target(%dma_start3A_12 : memref<128x128xf32, #tpu.memory_space<vmem_shared>>) target_semaphore(%arg15 : memref<!tpu.dma_semaphore, #tpu.memory_space<semaphore_mem>>)
    %mul3A_13 = arith.constant 640 : i32
    %mul3A_14 = arith.muli %arg1, %mul3A_13 : i32
    %add3A_15 = arith.constant 128 : i32
    %add3A_16 = arith.addi %mul3A_14, %add3A_15 : i32
    %dma_start3A_17 = arith.constant 0 : i32
    %dma_start3A_18 = tpu.memref_slice %arg12[%add3A_16, %dma_start3A_17] : memref<10240x128xf32, #tpu.memory_space<vmem_shared>> -> memref<128x128xf32, #tpu.memory_space<vmem_shared>>
    %dma_start3A_19 = arith.constant 0 : i32
    %dma_start3A_20 = tpu.memref_slice %arg12[%add3A_16, %dma_start3A_19] : memref<10240x128xf32, #tpu.memory_space<vmem_shared>> -> memref<128x128xf32, #tpu.memory_space<vmem_shared>>
    tpu.enqueue_dma source(%arg10 : memref<128x128xf32, #tpu.memory_space<vmem>>) target(%dma_start3A_20 : memref<128x128xf32, #tpu.memory_space<vmem_shared>>) target_semaphore(%arg15 : memref<!tpu.dma_semaphore, #tpu.memory_space<semaphore_mem>>)
    %mul3A_21 = arith.constant 640 : i32
    %mul3A_22 = arith.muli %arg1, %mul3A_21 : i32
    %add3A_23 = arith.constant 256 : i32
    %add3A_24 = arith.addi %mul3A_22, %add3A_23 : i32
    %dma_start3A_25 = arith.constant 0 : i32
    %dma_start3A_26 = tpu.memref_slice %arg12[%add3A_24, %dma_start3A_25] : memref<10240x128xf32, #tpu.memory_space<vmem_shared>> -> memref<128x128xf32, #tpu.memory_space<vmem_shared>>
    %dma_start3A_27 = arith.constant 0 : i32
    %dma_start3A_28 = tpu.memref_slice %arg12[%add3A_24, %dma_start3A_27] : memref<10240x128xf32, #tpu.memory_space<vmem_shared>> -> memref<128x128xf32, #tpu.memory_space<vmem_shared>>
    tpu.enqueue_dma source(%arg10 : memref<128x128xf32, #tpu.memory_space<vmem>>) target(%dma_start3A_28 : memref<128x128xf32, #tpu.memory_space<vmem_shared>>) target_semaphore(%arg15 : memref<!tpu.dma_semaphore, #tpu.memory_space<semaphore_mem>>)
    %mul3A_29 = arith.constant 640 : i32
    %mul3A_30 = arith.muli %arg1, %mul3A_29 : i32
    %add3A_31 = arith.constant 384 : i32
    %add3A_32 = arith.addi %mul3A_30, %add3A_31 : i32
    %dma_start3A_33 = arith.constant 0 : i32
    %dma_start3A_34 = tpu.memref_slice %arg12[%add3A_32, %dma_start3A_33] : memref<10240x128xf32, #tpu.memory_space<vmem_shared>> -> memref<128x128xf32, #tpu.memory_space<vmem_shared>>
    %dma_start3A_35 = arith.constant 0 : i32
    %dma_start3A_36 = tpu.memref_slice %arg12[%add3A_32, %dma_start3A_35] : memref<10240x128xf32, #tpu.memory_space<vmem_shared>> -> memref<128x128xf32, #tpu.memory_space<vmem_shared>>
    tpu.enqueue_dma source(%arg10 : memref<128x128xf32, #tpu.memory_space<vmem>>) target(%dma_start3A_36 : memref<128x128xf32, #tpu.memory_space<vmem_shared>>) target_semaphore(%arg15 : memref<!tpu.dma_semaphore, #tpu.memory_space<semaphore_mem>>)
    %mul3A_37 = arith.constant 640 : i32
    %mul3A_38 = arith.muli %arg1, %mul3A_37 : i32
    %add3A_39 = arith.constant 512 : i32
    %add3A_40 = arith.addi %mul3A_38, %add3A_39 : i32
    %dma_start3A_41 = arith.constant 0 : i32
    %dma_start3A_42 = tpu.memref_slice %arg12[%add3A_40, %dma_start3A_41] : memref<10240x128xf32, #tpu.memory_space<vmem_shared>> -> memref<128x128xf32, #tpu.memory_space<vmem_shared>>
    %dma_start3A_43 = arith.constant 0 : i32
    %dma_start3A_44 = tpu.memref_slice %arg12[%add3A_40, %dma_start3A_43] : memref<10240x128xf32, #tpu.memory_space<vmem_shared>> -> memref<128x128xf32, #tpu.memory_space<vmem_shared>>
    tpu.enqueue_dma source(%arg10 : memref<128x128xf32, #tpu.memory_space<vmem>>) target(%dma_start3A_44 : memref<128x128xf32, #tpu.memory_space<vmem_shared>>) target_semaphore(%arg15 : memref<!tpu.dma_semaphore, #tpu.memory_space<semaphore_mem>>)
    %dma_start3A_45 = arith.constant 0 : i32
    %dma_start3A_46 = arith.constant 0 : i32
    %dma_start3A_47 = tpu.memref_slice %arg3[%add3A, %dma_start3A_45, %dma_start3A_46] : memref<32x80x128xi32, #tpu.memory_space<hbm>> -> memref<1x16x128xi32, #tpu.memory_space<hbm>>
    %dma_start3A_48 = tpu.memref_squeeze %dma_start3A_47 : memref<1x16x128xi32, #tpu.memory_space<hbm>> -> memref<16x128xi32, #tpu.memory_space<hbm>>
    %dma_start3A_49 = arith.constant 0 : i32
    %dma_start3A_50 = arith.constant 0 : i32
    %dma_start3A_51 = tpu.memref_slice %arg3[%add3A, %dma_start3A_49, %dma_start3A_50] : memref<32x80x128xi32, #tpu.memory_space<hbm>> -> memref<1x16x128xi32, #tpu.memory_space<hbm>>
    %dma_start3A_52 = tpu.memref_squeeze %dma_start3A_51 : memref<1x16x128xi32, #tpu.memory_space<hbm>> -> memref<16x128xi32, #tpu.memory_space<hbm>>
    tpu.enqueue_dma source(%dma_start3A_52 : memref<16x128xi32, #tpu.memory_space<hbm>>) target(%arg6 : memref<16x128xi32, #tpu.memory_space<vmem>>) target_semaphore(%arg17 : memref<!tpu.dma_semaphore, #tpu.memory_space<semaphore_mem>>)
    %dma_start3A_53 = arith.constant 0 : i32
    %dma_start3A_54 = arith.constant 0 : i32
    %dma_start3A_55 = tpu.memref_slice %arg4[%add3A, %dma_start3A_53, %dma_start3A_54] : memref<32x80x128xi32, #tpu.memory_space<hbm>> -> memref<1x16x128xi32, #tpu.memory_space<hbm>>
    %dma_start3A_56 = tpu.memref_squeeze %dma_start3A_55 : memref<1x16x128xi32, #tpu.memory_space<hbm>> -> memref<16x128xi32, #tpu.memory_space<hbm>>
    %dma_start3A_57 = arith.constant 0 : i32
    %dma_start3A_58 = arith.constant 0 : i32
    %dma_start3A_59 = tpu.memref_slice %arg4[%add3A, %dma_start3A_57, %dma_start3A_58] : memref<32x80x128xi32, #tpu.memory_space<hbm>> -> memref<1x16x128xi32, #tpu.memory_space<hbm>>
    %dma_start3A_60 = tpu.memref_squeeze %dma_start3A_59 : memref<1x16x128xi32, #tpu.memory_space<hbm>> -> memref<16x128xi32, #tpu.memory_space<hbm>>
    tpu.enqueue_dma source(%dma_start3A_60 : memref<16x128xi32, #tpu.memory_space<hbm>>) target(%arg7 : memref<16x128xi32, #tpu.memory_space<vmem>>) target_semaphore(%arg18 : memref<!tpu.dma_semaphore, #tpu.memory_space<semaphore_mem>>)
    %mul3A_61 = arith.constant 640 : i32
    %mul3A_62 = arith.muli %arg1, %mul3A_61 : i32
    %add3A_63 = arith.constant 0 : i32
    %add3A_64 = arith.addi %mul3A_62, %add3A_63 : i32
    %dma_wait3A = arith.constant 0 : i32
    %dma_wait3A_65 = tpu.memref_slice %arg12[%add3A_64, %dma_wait3A] : memref<10240x128xf32, #tpu.memory_space<vmem_shared>> -> memref<128x128xf32, #tpu.memory_space<vmem_shared>>
    %dma_wait3A_66 = arith.constant 0 : i32
    %dma_wait3A_67 = tpu.memref_slice %arg12[%add3A_64, %dma_wait3A_66] : memref<10240x128xf32, #tpu.memory_space<vmem_shared>> -> memref<128x128xf32, #tpu.memory_space<vmem_shared>>
    tpu.wait_dma2 semaphore(%arg15 : memref<!tpu.dma_semaphore, #tpu.memory_space<semaphore_mem>>) src(%arg10 : memref<128x128xf32, #tpu.memory_space<vmem>>) dst(%dma_wait3A_67 : memref<128x128xf32, #tpu.memory_space<vmem_shared>>)
    %mul3A_68 = arith.constant 640 : i32
    %mul3A_69 = arith.muli %arg1, %mul3A_68 : i32
    %add3A_70 = arith.constant 128 : i32
    %add3A_71 = arith.addi %mul3A_69, %add3A_70 : i32
    %dma_wait3A_72 = arith.constant 0 : i32
    %dma_wait3A_73 = tpu.memref_slice %arg12[%add3A_71, %dma_wait3A_72] : memref<10240x128xf32, #tpu.memory_space<vmem_shared>> -> memref<128x128xf32, #tpu.memory_space<vmem_shared>>
    %dma_wait3A_74 = arith.constant 0 : i32
    %dma_wait3A_75 = tpu.memref_slice %arg12[%add3A_71, %dma_wait3A_74] : memref<10240x128xf32, #tpu.memory_space<vmem_shared>> -> memref<128x128xf32, #tpu.memory_space<vmem_shared>>
    tpu.wait_dma2 semaphore(%arg15 : memref<!tpu.dma_semaphore, #tpu.memory_space<semaphore_mem>>) src(%arg10 : memref<128x128xf32, #tpu.memory_space<vmem>>) dst(%dma_wait3A_75 : memref<128x128xf32, #tpu.memory_space<vmem_shared>>)
    %mul3A_76 = arith.constant 640 : i32
    %mul3A_77 = arith.muli %arg1, %mul3A_76 : i32
    %add3A_78 = arith.constant 256 : i32
    %add3A_79 = arith.addi %mul3A_77, %add3A_78 : i32
    %dma_wait3A_80 = arith.constant 0 : i32
    %dma_wait3A_81 = tpu.memref_slice %arg12[%add3A_79, %dma_wait3A_80] : memref<10240x128xf32, #tpu.memory_space<vmem_shared>> -> memref<128x128xf32, #tpu.memory_space<vmem_shared>>
    %dma_wait3A_82 = arith.constant 0 : i32
    %dma_wait3A_83 = tpu.memref_slice %arg12[%add3A_79, %dma_wait3A_82] : memref<10240x128xf32, #tpu.memory_space<vmem_shared>> -> memref<128x128xf32, #tpu.memory_space<vmem_shared>>
    tpu.wait_dma2 semaphore(%arg15 : memref<!tpu.dma_semaphore, #tpu.memory_space<semaphore_mem>>) src(%arg10 : memref<128x128xf32, #tpu.memory_space<vmem>>) dst(%dma_wait3A_83 : memref<128x128xf32, #tpu.memory_space<vmem_shared>>)
    %mul3A_84 = arith.constant 640 : i32
    %mul3A_85 = arith.muli %arg1, %mul3A_84 : i32
    %add3A_86 = arith.constant 384 : i32
    %add3A_87 = arith.addi %mul3A_85, %add3A_86 : i32
    %dma_wait3A_88 = arith.constant 0 : i32
    %dma_wait3A_89 = tpu.memref_slice %arg12[%add3A_87, %dma_wait3A_88] : memref<10240x128xf32, #tpu.memory_space<vmem_shared>> -> memref<128x128xf32, #tpu.memory_space<vmem_shared>>
    %dma_wait3A_90 = arith.constant 0 : i32
    %dma_wait3A_91 = tpu.memref_slice %arg12[%add3A_87, %dma_wait3A_90] : memref<10240x128xf32, #tpu.memory_space<vmem_shared>> -> memref<128x128xf32, #tpu.memory_space<vmem_shared>>
    tpu.wait_dma2 semaphore(%arg15 : memref<!tpu.dma_semaphore, #tpu.memory_space<semaphore_mem>>) src(%arg10 : memref<128x128xf32, #tpu.memory_space<vmem>>) dst(%dma_wait3A_91 : memref<128x128xf32, #tpu.memory_space<vmem_shared>>)
    %mul3A_92 = arith.constant 640 : i32
    %mul3A_93 = arith.muli %arg1, %mul3A_92 : i32
    %add3A_94 = arith.constant 512 : i32
    %add3A_95 = arith.addi %mul3A_93, %add3A_94 : i32
    %dma_wait3A_96 = arith.constant 0 : i32
    %dma_wait3A_97 = tpu.memref_slice %arg12[%add3A_95, %dma_wait3A_96] : memref<10240x128xf32, #tpu.memory_space<vmem_shared>> -> memref<128x128xf32, #tpu.memory_space<vmem_shared>>
    %dma_wait3A_98 = arith.constant 0 : i32
    %dma_wait3A_99 = tpu.memref_slice %arg12[%add3A_95, %dma_wait3A_98] : memref<10240x128xf32, #tpu.memory_space<vmem_shared>> -> memref<128x128xf32, #tpu.memory_space<vmem_shared>>
    tpu.wait_dma2 semaphore(%arg15 : memref<!tpu.dma_semaphore, #tpu.memory_space<semaphore_mem>>) src(%arg10 : memref<128x128xf32, #tpu.memory_space<vmem>>) dst(%dma_wait3A_99 : memref<128x128xf32, #tpu.memory_space<vmem_shared>>)
    %barrier3A = arith.constant 0 : index
    tpu.barrier barrier_id(%barrier3A)
    %dma_wait3A_100 = arith.constant 0 : i32
    %dma_wait3A_101 = arith.constant 0 : i32
    %dma_wait3A_102 = tpu.memref_slice %arg3[%add3A, %dma_wait3A_100, %dma_wait3A_101] : memref<32x80x128xi32, #tpu.memory_space<hbm>> -> memref<1x16x128xi32, #tpu.memory_space<hbm>>
    %dma_wait3A_103 = tpu.memref_squeeze %dma_wait3A_102 : memref<1x16x128xi32, #tpu.memory_space<hbm>> -> memref<16x128xi32, #tpu.memory_space<hbm>>
    %dma_wait3A_104 = arith.constant 0 : i32
    %dma_wait3A_105 = arith.constant 0 : i32
    %dma_wait3A_106 = tpu.memref_slice %arg3[%add3A, %dma_wait3A_104, %dma_wait3A_105] : memref<32x80x128xi32, #tpu.memory_space<hbm>> -> memref<1x16x128xi32, #tpu.memory_space<hbm>>
    %dma_wait3A_107 = tpu.memref_squeeze %dma_wait3A_106 : memref<1x16x128xi32, #tpu.memory_space<hbm>> -> memref<16x128xi32, #tpu.memory_space<hbm>>
    tpu.wait_dma2 semaphore(%arg17 : memref<!tpu.dma_semaphore, #tpu.memory_space<semaphore_mem>>) src(%dma_wait3A_107 : memref<16x128xi32, #tpu.memory_space<hbm>>) dst(%arg6 : memref<16x128xi32, #tpu.memory_space<vmem>>)
    %dma_wait3A_108 = arith.constant 0 : i32
    %dma_wait3A_109 = arith.constant 0 : i32
    %dma_wait3A_110 = tpu.memref_slice %arg4[%add3A, %dma_wait3A_108, %dma_wait3A_109] : memref<32x80x128xi32, #tpu.memory_space<hbm>> -> memref<1x16x128xi32, #tpu.memory_space<hbm>>
    %dma_wait3A_111 = tpu.memref_squeeze %dma_wait3A_110 : memref<1x16x128xi32, #tpu.memory_space<hbm>> -> memref<16x128xi32, #tpu.memory_space<hbm>>
    %dma_wait3A_112 = arith.constant 0 : i32
    %dma_wait3A_113 = arith.constant 0 : i32
    %dma_wait3A_114 = tpu.memref_slice %arg4[%add3A, %dma_wait3A_112, %dma_wait3A_113] : memref<32x80x128xi32, #tpu.memory_space<hbm>> -> memref<1x16x128xi32, #tpu.memory_space<hbm>>
    %dma_wait3A_115 = tpu.memref_squeeze %dma_wait3A_114 : memref<1x16x128xi32, #tpu.memory_space<hbm>> -> memref<16x128xi32, #tpu.memory_space<hbm>>
    tpu.wait_dma2 semaphore(%arg18 : memref<!tpu.dma_semaphore, #tpu.memory_space<semaphore_mem>>) src(%dma_wait3A_115 : memref<16x128xi32, #tpu.memory_space<hbm>>) dst(%arg7 : memref<16x128xi32, #tpu.memory_space<vmem>>)
    %dma_start3A_116 = arith.constant 16 : i32
    %dma_start3A_117 = arith.constant 0 : i32
    %dma_start3A_118 = tpu.memref_slice %arg3[%add3A, %dma_start3A_116, %dma_start3A_117] : memref<32x80x128xi32, #tpu.memory_space<hbm>> -> memref<1x16x128xi32, #tpu.memory_space<hbm>>
    %dma_start3A_119 = tpu.memref_squeeze %dma_start3A_118 : memref<1x16x128xi32, #tpu.memory_space<hbm>> -> memref<16x128xi32, #tpu.memory_space<hbm>>
    %dma_start3A_120 = arith.constant 16 : i32
    %dma_start3A_121 = arith.constant 0 : i32
    %dma_start3A_122 = tpu.memref_slice %arg3[%add3A, %dma_start3A_120, %dma_start3A_121] : memref<32x80x128xi32, #tpu.memory_space<hbm>> -> memref<1x16x128xi32, #tpu.memory_space<hbm>>
    %dma_start3A_123 = tpu.memref_squeeze %dma_start3A_122 : memref<1x16x128xi32, #tpu.memory_space<hbm>> -> memref<16x128xi32, #tpu.memory_space<hbm>>
    tpu.enqueue_dma source(%dma_start3A_123 : memref<16x128xi32, #tpu.memory_space<hbm>>) target(%arg8 : memref<16x128xi32, #tpu.memory_space<vmem>>) target_semaphore(%arg17 : memref<!tpu.dma_semaphore, #tpu.memory_space<semaphore_mem>>)
    %dma_start3A_124 = arith.constant 16 : i32
    %dma_start3A_125 = arith.constant 0 : i32
    %dma_start3A_126 = tpu.memref_slice %arg4[%add3A, %dma_start3A_124, %dma_start3A_125] : memref<32x80x128xi32, #tpu.memory_space<hbm>> -> memref<1x16x128xi32, #tpu.memory_space<hbm>>
    %dma_start3A_127 = tpu.memref_squeeze %dma_start3A_126 : memref<1x16x128xi32, #tpu.memory_space<hbm>> -> memref<16x128xi32, #tpu.memory_space<hbm>>
    %dma_start3A_128 = arith.constant 16 : i32
    %dma_start3A_129 = arith.constant 0 : i32
    %dma_start3A_130 = tpu.memref_slice %arg4[%add3A, %dma_start3A_128, %dma_start3A_129] : memref<32x80x128xi32, #tpu.memory_space<hbm>> -> memref<1x16x128xi32, #tpu.memory_space<hbm>>
    %dma_start3A_131 = tpu.memref_squeeze %dma_start3A_130 : memref<1x16x128xi32, #tpu.memory_space<hbm>> -> memref<16x128xi32, #tpu.memory_space<hbm>>
    tpu.enqueue_dma source(%dma_start3A_131 : memref<16x128xi32, #tpu.memory_space<hbm>>) target(%arg9 : memref<16x128xi32, #tpu.memory_space<vmem>>) target_semaphore(%arg18 : memref<!tpu.dma_semaphore, #tpu.memory_space<semaphore_mem>>)
    %dma_start3A_132 = arith.constant 0 : i32
    %dma_start3A_133 = arith.constant 0 : i32
    %dma_start3A_134 = tpu.memref_slice %arg6[%dma_start3A_132, %dma_start3A_133] : memref<16x128xi32, #tpu.memory_space<vmem>> -> memref<1x128xi32, #tpu.memory_space<vmem>>
    %dma_start3A_135 = tpu.memref_squeeze %dma_start3A_134 : memref<1x128xi32, #tpu.memory_space<vmem>> -> memref<128xi32, #tpu.memory_space<vmem>>
    %dma_start3A_136 = arith.constant 0 : i32
    %dma_start3A_137 = arith.constant 0 : i32
    %dma_start3A_138 = tpu.memref_slice %arg2[%dma_start3A_136, %dma_start3A_137] : memref<10240x128xf32, #tpu.memory_space<hbm>> -> memref<10240x128xf32, #tpu.memory_space<hbm>>
    tpu.enqueue_indirect_dma source(%dma_start3A_138 : memref<10240x128xf32, #tpu.memory_space<hbm>>) target(%arg10 : memref<128x128xf32, #tpu.memory_space<vmem>>) offsets(%dma_start3A_135 : memref<128xi32, #tpu.memory_space<vmem>>) semaphore(%arg13 : memref<!tpu.dma_semaphore, #tpu.memory_space<semaphore_mem>>)
    %dma_start3A_139 = arith.constant 1 : i32
    %dma_start3A_140 = arith.constant 0 : i32
    %dma_start3A_141 = tpu.memref_slice %arg6[%dma_start3A_139, %dma_start3A_140] : memref<16x128xi32, #tpu.memory_space<vmem>> -> memref<1x128xi32, #tpu.memory_space<vmem>>
    %dma_start3A_142 = tpu.memref_squeeze %dma_start3A_141 : memref<1x128xi32, #tpu.memory_space<vmem>> -> memref<128xi32, #tpu.memory_space<vmem>>
    %dma_start3A_143 = arith.constant 0 : i32
    %dma_start3A_144 = arith.constant 0 : i32
    %dma_start3A_145 = tpu.memref_slice %arg2[%dma_start3A_143, %dma_start3A_144] : memref<10240x128xf32, #tpu.memory_space<hbm>> -> memref<10240x128xf32, #tpu.memory_space<hbm>>
    tpu.enqueue_indirect_dma source(%dma_start3A_145 : memref<10240x128xf32, #tpu.memory_space<hbm>>) target(%arg11 : memref<128x128xf32, #tpu.memory_space<vmem>>) offsets(%dma_start3A_142 : memref<128xi32, #tpu.memory_space<vmem>>) semaphore(%arg14 : memref<!tpu.dma_semaphore, #tpu.memory_space<semaphore_mem>>)
    %scan3A_146 = arith.constant 0 : i32
    %scan3A_147 = arith.constant 0 : i32
    %scan3A_148 = arith.constant 7 : i32
    %scan3A_149 = arith.addi %scan3A_147, %scan3A_148 : i32
    %scan3A_150 = arith.constant 1 : i32
    scf.for %scan3A_557 = %scan3A_147 to %scan3A_149 step %scan3A_150  : i32 {
      %mul3A_558 = arith.constant 2 : i32
      %mul3A_559 = arith.muli %mul3A_558, %scan3A_557 : i32
      %dma_wait3A_560 = arith.constant 0 : i32
      %dma_wait3A_561 = tpu.memref_slice %arg6[%mul3A_559, %dma_wait3A_560] : memref<16x128xi32, #tpu.memory_space<vmem>> -> memref<1x128xi32, #tpu.memory_space<vmem>>
      %dma_wait3A_562 = tpu.memref_squeeze %dma_wait3A_561 : memref<1x128xi32, #tpu.memory_space<vmem>> -> memref<128xi32, #tpu.memory_space<vmem>>
      %dma_wait3A_563 = arith.constant 0 : i32
      %dma_wait3A_564 = arith.constant 0 : i32
      %dma_wait3A_565 = tpu.memref_slice %arg2[%dma_wait3A_563, %dma_wait3A_564] : memref<10240x128xf32, #tpu.memory_space<hbm>> -> memref<10240x128xf32, #tpu.memory_space<hbm>>
      tpu.wait_indirect_dma semaphore(%arg13 : memref<!tpu.dma_semaphore, #tpu.memory_space<semaphore_mem>>) src(%dma_wait3A_565 : memref<10240x128xf32, #tpu.memory_space<hbm>>) dst(%arg10 : memref<128x128xf32, #tpu.memory_space<vmem>>)
      %dma_start3A_566 = arith.constant 0 : i32
      %dma_start3A_567 = tpu.memref_slice %arg7[%mul3A_559, %dma_start3A_566] : memref<16x128xi32, #tpu.memory_space<vmem>> -> memref<1x128xi32, #tpu.memory_space<vmem>>
      %dma_start3A_568 = tpu.memref_squeeze %dma_start3A_567 : memref<1x128xi32, #tpu.memory_space<vmem>> -> memref<128xi32, #tpu.memory_space<vmem>>
      %dma_start3A_569 = arith.constant 0 : i32
      %dma_start3A_570 = arith.constant 0 : i32
      %dma_start3A_571 = tpu.memref_slice %arg12[%dma_start3A_569, %dma_start3A_570] : memref<10240x128xf32, #tpu.memory_space<vmem_shared>> -> memref<10240x128xf32, #tpu.memory_space<vmem_shared>>
      tpu.enqueue_indirect_dma source(%arg10 : memref<128x128xf32, #tpu.memory_space<vmem>>) target(%dma_start3A_571 : memref<10240x128xf32, #tpu.memory_space<vmem_shared>>) offsets(%dma_start3A_568 : memref<128xi32, #tpu.memory_space<vmem>>) semaphore(%arg15 : memref<!tpu.dma_semaphore, #tpu.memory_space<semaphore_mem>>) {add = true}
      %add3A_572 = arith.constant 1 : i32
      %add3A_573 = arith.addi %mul3A_559, %add3A_572 : i32
      %dma_wait3A_574 = arith.constant 0 : i32
      %dma_wait3A_575 = tpu.memref_slice %arg6[%add3A_573, %dma_wait3A_574] : memref<16x128xi32, #tpu.memory_space<vmem>> -> memref<1x128xi32, #tpu.memory_space<vmem>>
      %dma_wait3A_576 = tpu.memref_squeeze %dma_wait3A_575 : memref<1x128xi32, #tpu.memory_space<vmem>> -> memref<128xi32, #tpu.memory_space<vmem>>
      %dma_wait3A_577 = arith.constant 0 : i32
      %dma_wait3A_578 = arith.constant 0 : i32
      %dma_wait3A_579 = tpu.memref_slice %arg2[%dma_wait3A_577, %dma_wait3A_578] : memref<10240x128xf32, #tpu.memory_space<hbm>> -> memref<10240x128xf32, #tpu.memory_space<hbm>>
      tpu.wait_indirect_dma semaphore(%arg14 : memref<!tpu.dma_semaphore, #tpu.memory_space<semaphore_mem>>) src(%dma_wait3A_579 : memref<10240x128xf32, #tpu.memory_space<hbm>>) dst(%arg11 : memref<128x128xf32, #tpu.memory_space<vmem>>)
      %dma_wait3A_580 = arith.constant 0 : i32
      %dma_wait3A_581 = tpu.memref_slice %arg7[%mul3A_559, %dma_wait3A_580] : memref<16x128xi32, #tpu.memory_space<vmem>> -> memref<1x128xi32, #tpu.memory_space<vmem>>
      %dma_wait3A_582 = tpu.memref_squeeze %dma_wait3A_581 : memref<1x128xi32, #tpu.memory_space<vmem>> -> memref<128xi32, #tpu.memory_space<vmem>>
      %dma_wait3A_583 = arith.constant 0 : i32
      %dma_wait3A_584 = arith.constant 0 : i32
      %dma_wait3A_585 = tpu.memref_slice %arg12[%dma_wait3A_583, %dma_wait3A_584] : memref<10240x128xf32, #tpu.memory_space<vmem_shared>> -> memref<10240x128xf32, #tpu.memory_space<vmem_shared>>
      tpu.wait_indirect_dma semaphore(%arg15 : memref<!tpu.dma_semaphore, #tpu.memory_space<semaphore_mem>>) src(%arg10 : memref<128x128xf32, #tpu.memory_space<vmem>>) dst(%dma_wait3A_585 : memref<10240x128xf32, #tpu.memory_space<vmem_shared>>)
      %add3A_586 = arith.constant 2 : i32
      %add3A_587 = arith.addi %mul3A_559, %add3A_586 : i32
      %dma_start3A_588 = arith.constant 0 : i32
      %dma_start3A_589 = tpu.memref_slice %arg6[%add3A_587, %dma_start3A_588] : memref<16x128xi32, #tpu.memory_space<vmem>> -> memref<1x128xi32, #tpu.memory_space<vmem>>
      %dma_start3A_590 = tpu.memref_squeeze %dma_start3A_589 : memref<1x128xi32, #tpu.memory_space<vmem>> -> memref<128xi32, #tpu.memory_space<vmem>>
      %dma_start3A_591 = arith.constant 0 : i32
      %dma_start3A_592 = arith.constant 0 : i32
      %dma_start3A_593 = tpu.memref_slice %arg2[%dma_start3A_591, %dma_start3A_592] : memref<10240x128xf32, #tpu.memory_space<hbm>> -> memref<10240x128xf32, #tpu.memory_space<hbm>>
      tpu.enqueue_indirect_dma source(%dma_start3A_593 : memref<10240x128xf32, #tpu.memory_space<hbm>>) target(%arg10 : memref<128x128xf32, #tpu.memory_space<vmem>>) offsets(%dma_start3A_590 : memref<128xi32, #tpu.memory_space<vmem>>) semaphore(%arg13 : memref<!tpu.dma_semaphore, #tpu.memory_space<semaphore_mem>>)
      %add3A_594 = arith.constant 1 : i32
      %add3A_595 = arith.addi %mul3A_559, %add3A_594 : i32
      %dma_start3A_596 = arith.constant 0 : i32
      %dma_start3A_597 = tpu.memref_slice %arg7[%add3A_595, %dma_start3A_596] : memref<16x128xi32, #tpu.memory_space<vmem>> -> memref<1x128xi32, #tpu.memory_space<vmem>>
      %dma_start3A_598 = tpu.memref_squeeze %dma_start3A_597 : memref<1x128xi32, #tpu.memory_space<vmem>> -> memref<128xi32, #tpu.memory_space<vmem>>
      %dma_start3A_599 = arith.constant 0 : i32
      %dma_start3A_600 = arith.constant 0 : i32
      %dma_start3A_601 = tpu.memref_slice %arg12[%dma_start3A_599, %dma_start3A_600] : memref<10240x128xf32, #tpu.memory_space<vmem_shared>> -> memref<10240x128xf32, #tpu.memory_space<vmem_shared>>
      tpu.enqueue_indirect_dma source(%arg11 : memref<128x128xf32, #tpu.memory_space<vmem>>) target(%dma_start3A_601 : memref<10240x128xf32, #tpu.memory_space<vmem_shared>>) offsets(%dma_start3A_598 : memref<128xi32, #tpu.memory_space<vmem>>) semaphore(%arg16 : memref<!tpu.dma_semaphore, #tpu.memory_space<semaphore_mem>>) {add = true}
      %add3A_602 = arith.constant 1 : i32
      %add3A_603 = arith.addi %mul3A_559, %add3A_602 : i32
      %dma_wait3A_604 = arith.constant 0 : i32
      %dma_wait3A_605 = tpu.memref_slice %arg7[%add3A_603, %dma_wait3A_604] : memref<16x128xi32, #tpu.memory_space<vmem>> -> memref<1x128xi32, #tpu.memory_space<vmem>>
      %dma_wait3A_606 = tpu.memref_squeeze %dma_wait3A_605 : memref<1x128xi32, #tpu.memory_space<vmem>> -> memref<128xi32, #tpu.memory_space<vmem>>
      %dma_wait3A_607 = arith.constant 0 : i32
      %dma_wait3A_608 = arith.constant 0 : i32
      %dma_wait3A_609 = tpu.memref_slice %arg12[%dma_wait3A_607, %dma_wait3A_608] : memref<10240x128xf32, #tpu.memory_space<vmem_shared>> -> memref<10240x128xf32, #tpu.memory_space<vmem_shared>>
      tpu.wait_indirect_dma semaphore(%arg16 : memref<!tpu.dma_semaphore, #tpu.memory_space<semaphore_mem>>) src(%arg11 : memref<128x128xf32, #tpu.memory_space<vmem>>) dst(%dma_wait3A_609 : memref<10240x128xf32, #tpu.memory_space<vmem_shared>>)
      %add3A_610 = arith.constant 3 : i32
      %add3A_611 = arith.addi %mul3A_559, %add3A_610 : i32
      %dma_start3A_612 = arith.constant 0 : i32
      %dma_start3A_613 = tpu.memref_slice %arg6[%add3A_611, %dma_start3A_612] : memref<16x128xi32, #tpu.memory_space<vmem>> -> memref<1x128xi32, #tpu.memory_space<vmem>>
      %dma_start3A_614 = tpu.memref_squeeze %dma_start3A_613 : memref<1x128xi32, #tpu.memory_space<vmem>> -> memref<128xi32, #tpu.memory_space<vmem>>
      %dma_start3A_615 = arith.constant 0 : i32
      %dma_start3A_616 = arith.constant 0 : i32
      %dma_start3A_617 = tpu.memref_slice %arg2[%dma_start3A_615, %dma_start3A_616] : memref<10240x128xf32, #tpu.memory_space<hbm>> -> memref<10240x128xf32, #tpu.memory_space<hbm>>
      tpu.enqueue_indirect_dma source(%dma_start3A_617 : memref<10240x128xf32, #tpu.memory_space<hbm>>) target(%arg11 : memref<128x128xf32, #tpu.memory_space<vmem>>) offsets(%dma_start3A_614 : memref<128xi32, #tpu.memory_space<vmem>>) semaphore(%arg14 : memref<!tpu.dma_semaphore, #tpu.memory_space<semaphore_mem>>)
    }
    %scan3A_151 = arith.constant 7 : i32
    %dma_wait3A_152 = arith.constant 14 : i32
    %dma_wait3A_153 = arith.constant 0 : i32
    %dma_wait3A_154 = tpu.memref_slice %arg6[%dma_wait3A_152, %dma_wait3A_153] : memref<16x128xi32, #tpu.memory_space<vmem>> -> memref<1x128xi32, #tpu.memory_space<vmem>>
    %dma_wait3A_155 = tpu.memref_squeeze %dma_wait3A_154 : memref<1x128xi32, #tpu.memory_space<vmem>> -> memref<128xi32, #tpu.memory_space<vmem>>
    %dma_wait3A_156 = arith.constant 0 : i32
    %dma_wait3A_157 = arith.constant 0 : i32
    %dma_wait3A_158 = tpu.memref_slice %arg2[%dma_wait3A_156, %dma_wait3A_157] : memref<10240x128xf32, #tpu.memory_space<hbm>> -> memref<10240x128xf32, #tpu.memory_space<hbm>>
    tpu.wait_indirect_dma semaphore(%arg13 : memref<!tpu.dma_semaphore, #tpu.memory_space<semaphore_mem>>) src(%dma_wait3A_158 : memref<10240x128xf32, #tpu.memory_space<hbm>>) dst(%arg10 : memref<128x128xf32, #tpu.memory_space<vmem>>)
    %dma_start3A_159 = arith.constant 14 : i32
    %dma_start3A_160 = arith.constant 0 : i32
    %dma_start3A_161 = tpu.memref_slice %arg7[%dma_start3A_159, %dma_start3A_160] : memref<16x128xi32, #tpu.memory_space<vmem>> -> memref<1x128xi32, #tpu.memory_space<vmem>>
    %dma_start3A_162 = tpu.memref_squeeze %dma_start3A_161 : memref<1x128xi32, #tpu.memory_space<vmem>> -> memref<128xi32, #tpu.memory_space<vmem>>
    %dma_start3A_163 = arith.constant 0 : i32
    %dma_start3A_164 = arith.constant 0 : i32
    %dma_start3A_165 = tpu.memref_slice %arg12[%dma_start3A_163, %dma_start3A_164] : memref<10240x128xf32, #tpu.memory_space<vmem_shared>> -> memref<10240x128xf32, #tpu.memory_space<vmem_shared>>
    tpu.enqueue_indirect_dma source(%arg10 : memref<128x128xf32, #tpu.memory_space<vmem>>) target(%dma_start3A_165 : memref<10240x128xf32, #tpu.memory_space<vmem_shared>>) offsets(%dma_start3A_162 : memref<128xi32, #tpu.memory_space<vmem>>) semaphore(%arg15 : memref<!tpu.dma_semaphore, #tpu.memory_space<semaphore_mem>>) {add = true}
    %dma_wait3A_166 = arith.constant 15 : i32
    %dma_wait3A_167 = arith.constant 0 : i32
    %dma_wait3A_168 = tpu.memref_slice %arg6[%dma_wait3A_166, %dma_wait3A_167] : memref<16x128xi32, #tpu.memory_space<vmem>> -> memref<1x128xi32, #tpu.memory_space<vmem>>
    %dma_wait3A_169 = tpu.memref_squeeze %dma_wait3A_168 : memref<1x128xi32, #tpu.memory_space<vmem>> -> memref<128xi32, #tpu.memory_space<vmem>>
    %dma_wait3A_170 = arith.constant 0 : i32
    %dma_wait3A_171 = arith.constant 0 : i32
    %dma_wait3A_172 = tpu.memref_slice %arg2[%dma_wait3A_170, %dma_wait3A_171] : memref<10240x128xf32, #tpu.memory_space<hbm>> -> memref<10240x128xf32, #tpu.memory_space<hbm>>
    tpu.wait_indirect_dma semaphore(%arg14 : memref<!tpu.dma_semaphore, #tpu.memory_space<semaphore_mem>>) src(%dma_wait3A_172 : memref<10240x128xf32, #tpu.memory_space<hbm>>) dst(%arg11 : memref<128x128xf32, #tpu.memory_space<vmem>>)
    %dma_wait3A_173 = arith.constant 14 : i32
    %dma_wait3A_174 = arith.constant 0 : i32
    %dma_wait3A_175 = tpu.memref_slice %arg7[%dma_wait3A_173, %dma_wait3A_174] : memref<16x128xi32, #tpu.memory_space<vmem>> -> memref<1x128xi32, #tpu.memory_space<vmem>>
    %dma_wait3A_176 = tpu.memref_squeeze %dma_wait3A_175 : memref<1x128xi32, #tpu.memory_space<vmem>> -> memref<128xi32, #tpu.memory_space<vmem>>
    %dma_wait3A_177 = arith.constant 0 : i32
    %dma_wait3A_178 = arith.constant 0 : i32
    %dma_wait3A_179 = tpu.memref_slice %arg12[%dma_wait3A_177, %dma_wait3A_178] : memref<10240x128xf32, #tpu.memory_space<vmem_shared>> -> memref<10240x128xf32, #tpu.memory_space<vmem_shared>>
    tpu.wait_indirect_dma semaphore(%arg15 : memref<!tpu.dma_semaphore, #tpu.memory_space<semaphore_mem>>) src(%arg10 : memref<128x128xf32, #tpu.memory_space<vmem>>) dst(%dma_wait3A_179 : memref<10240x128xf32, #tpu.memory_space<vmem_shared>>)
    %dma_start3A_180 = arith.constant 15 : i32
    %dma_start3A_181 = arith.constant 0 : i32
    %dma_start3A_182 = tpu.memref_slice %arg7[%dma_start3A_180, %dma_start3A_181] : memref<16x128xi32, #tpu.memory_space<vmem>> -> memref<1x128xi32, #tpu.memory_space<vmem>>
    %dma_start3A_183 = tpu.memref_squeeze %dma_start3A_182 : memref<1x128xi32, #tpu.memory_space<vmem>> -> memref<128xi32, #tpu.memory_space<vmem>>
    %dma_start3A_184 = arith.constant 0 : i32
    %dma_start3A_185 = arith.constant 0 : i32
    %dma_start3A_186 = tpu.memref_slice %arg12[%dma_start3A_184, %dma_start3A_185] : memref<10240x128xf32, #tpu.memory_space<vmem_shared>> -> memref<10240x128xf32, #tpu.memory_space<vmem_shared>>
    tpu.enqueue_indirect_dma source(%arg11 : memref<128x128xf32, #tpu.memory_space<vmem>>) target(%dma_start3A_186 : memref<10240x128xf32, #tpu.memory_space<vmem_shared>>) offsets(%dma_start3A_183 : memref<128xi32, #tpu.memory_space<vmem>>) semaphore(%arg16 : memref<!tpu.dma_semaphore, #tpu.memory_space<semaphore_mem>>) {add = true}
    %dma_wait3A_187 = arith.constant 15 : i32
    %dma_wait3A_188 = arith.constant 0 : i32
    %dma_wait3A_189 = tpu.memref_slice %arg7[%dma_wait3A_187, %dma_wait3A_188] : memref<16x128xi32, #tpu.memory_space<vmem>> -> memref<1x128xi32, #tpu.memory_space<vmem>>
    %dma_wait3A_190 = tpu.memref_squeeze %dma_wait3A_189 : memref<1x128xi32, #tpu.memory_space<vmem>> -> memref<128xi32, #tpu.memory_space<vmem>>
    %dma_wait3A_191 = arith.constant 0 : i32
    %dma_wait3A_192 = arith.constant 0 : i32
    %dma_wait3A_193 = tpu.memref_slice %arg12[%dma_wait3A_191, %dma_wait3A_192] : memref<10240x128xf32, #tpu.memory_space<vmem_shared>> -> memref<10240x128xf32, #tpu.memory_space<vmem_shared>>
    tpu.wait_indirect_dma semaphore(%arg16 : memref<!tpu.dma_semaphore, #tpu.memory_space<semaphore_mem>>) src(%arg11 : memref<128x128xf32, #tpu.memory_space<vmem>>) dst(%dma_wait3A_193 : memref<10240x128xf32, #tpu.memory_space<vmem_shared>>)
    %dma_wait3A_194 = arith.constant 16 : i32
    %dma_wait3A_195 = arith.constant 0 : i32
    %dma_wait3A_196 = tpu.memref_slice %arg3[%add3A, %dma_wait3A_194, %dma_wait3A_195] : memref<32x80x128xi32, #tpu.memory_space<hbm>> -> memref<1x16x128xi32, #tpu.memory_space<hbm>>
    %dma_wait3A_197 = tpu.memref_squeeze %dma_wait3A_196 : memref<1x16x128xi32, #tpu.memory_space<hbm>> -> memref<16x128xi32, #tpu.memory_space<hbm>>
    %dma_wait3A_198 = arith.constant 16 : i32
    %dma_wait3A_199 = arith.constant 0 : i32
    %dma_wait3A_200 = tpu.memref_slice %arg3[%add3A, %dma_wait3A_198, %dma_wait3A_199] : memref<32x80x128xi32, #tpu.memory_space<hbm>> -> memref<1x16x128xi32, #tpu.memory_space<hbm>>
    %dma_wait3A_201 = tpu.memref_squeeze %dma_wait3A_200 : memref<1x16x128xi32, #tpu.memory_space<hbm>> -> memref<16x128xi32, #tpu.memory_space<hbm>>
    tpu.wait_dma2 semaphore(%arg17 : memref<!tpu.dma_semaphore, #tpu.memory_space<semaphore_mem>>) src(%dma_wait3A_201 : memref<16x128xi32, #tpu.memory_space<hbm>>) dst(%arg8 : memref<16x128xi32, #tpu.memory_space<vmem>>)
    %dma_wait3A_202 = arith.constant 16 : i32
    %dma_wait3A_203 = arith.constant 0 : i32
    %dma_wait3A_204 = tpu.memref_slice %arg4[%add3A, %dma_wait3A_202, %dma_wait3A_203] : memref<32x80x128xi32, #tpu.memory_space<hbm>> -> memref<1x16x128xi32, #tpu.memory_space<hbm>>
    %dma_wait3A_205 = tpu.memref_squeeze %dma_wait3A_204 : memref<1x16x128xi32, #tpu.memory_space<hbm>> -> memref<16x128xi32, #tpu.memory_space<hbm>>
    %dma_wait3A_206 = arith.constant 16 : i32
    %dma_wait3A_207 = arith.constant 0 : i32
    %dma_wait3A_208 = tpu.memref_slice %arg4[%add3A, %dma_wait3A_206, %dma_wait3A_207] : memref<32x80x128xi32, #tpu.memory_space<hbm>> -> memref<1x16x128xi32, #tpu.memory_space<hbm>>
    %dma_wait3A_209 = tpu.memref_squeeze %dma_wait3A_208 : memref<1x16x128xi32, #tpu.memory_space<hbm>> -> memref<16x128xi32, #tpu.memory_space<hbm>>
    tpu.wait_dma2 semaphore(%arg18 : memref<!tpu.dma_semaphore, #tpu.memory_space<semaphore_mem>>) src(%dma_wait3A_209 : memref<16x128xi32, #tpu.memory_space<hbm>>) dst(%arg9 : memref<16x128xi32, #tpu.memory_space<vmem>>)
    %dma_start3A_210 = arith.constant 32 : i32
    %dma_start3A_211 = arith.constant 0 : i32
    %dma_start3A_212 = tpu.memref_slice %arg3[%add3A, %dma_start3A_210, %dma_start3A_211] : memref<32x80x128xi32, #tpu.memory_space<hbm>> -> memref<1x16x128xi32, #tpu.memory_space<hbm>>
    %dma_start3A_213 = tpu.memref_squeeze %dma_start3A_212 : memref<1x16x128xi32, #tpu.memory_space<hbm>> -> memref<16x128xi32, #tpu.memory_space<hbm>>
    %dma_start3A_214 = arith.constant 32 : i32
    %dma_start3A_215 = arith.constant 0 : i32
    %dma_start3A_216 = tpu.memref_slice %arg3[%add3A, %dma_start3A_214, %dma_start3A_215] : memref<32x80x128xi32, #tpu.memory_space<hbm>> -> memref<1x16x128xi32, #tpu.memory_space<hbm>>
    %dma_start3A_217 = tpu.memref_squeeze %dma_start3A_216 : memref<1x16x128xi32, #tpu.memory_space<hbm>> -> memref<16x128xi32, #tpu.memory_space<hbm>>
    tpu.enqueue_dma source(%dma_start3A_217 : memref<16x128xi32, #tpu.memory_space<hbm>>) target(%arg6 : memref<16x128xi32, #tpu.memory_space<vmem>>) target_semaphore(%arg17 : memref<!tpu.dma_semaphore, #tpu.memory_space<semaphore_mem>>)
    %dma_start3A_218 = arith.constant 32 : i32
    %dma_start3A_219 = arith.constant 0 : i32
    %dma_start3A_220 = tpu.memref_slice %arg4[%add3A, %dma_start3A_218, %dma_start3A_219] : memref<32x80x128xi32, #tpu.memory_space<hbm>> -> memref<1x16x128xi32, #tpu.memory_space<hbm>>
    %dma_start3A_221 = tpu.memref_squeeze %dma_start3A_220 : memref<1x16x128xi32, #tpu.memory_space<hbm>> -> memref<16x128xi32, #tpu.memory_space<hbm>>
    %dma_start3A_222 = arith.constant 32 : i32
    %dma_start3A_223 = arith.constant 0 : i32
    %dma_start3A_224 = tpu.memref_slice %arg4[%add3A, %dma_start3A_222, %dma_start3A_223] : memref<32x80x128xi32, #tpu.memory_space<hbm>> -> memref<1x16x128xi32, #tpu.memory_space<hbm>>
    %dma_start3A_225 = tpu.memref_squeeze %dma_start3A_224 : memref<1x16x128xi32, #tpu.memory_space<hbm>> -> memref<16x128xi32, #tpu.memory_space<hbm>>
    tpu.enqueue_dma source(%dma_start3A_225 : memref<16x128xi32, #tpu.memory_space<hbm>>) target(%arg7 : memref<16x128xi32, #tpu.memory_space<vmem>>) target_semaphore(%arg18 : memref<!tpu.dma_semaphore, #tpu.memory_space<semaphore_mem>>)
    %dma_start3A_226 = arith.constant 0 : i32
    %dma_start3A_227 = arith.constant 0 : i32
    %dma_start3A_228 = tpu.memref_slice %arg8[%dma_start3A_226, %dma_start3A_227] : memref<16x128xi32, #tpu.memory_space<vmem>> -> memref<1x128xi32, #tpu.memory_space<vmem>>
    %dma_start3A_229 = tpu.memref_squeeze %dma_start3A_228 : memref<1x128xi32, #tpu.memory_space<vmem>> -> memref<128xi32, #tpu.memory_space<vmem>>
    %dma_start3A_230 = arith.constant 0 : i32
    %dma_start3A_231 = arith.constant 0 : i32
    %dma_start3A_232 = tpu.memref_slice %arg2[%dma_start3A_230, %dma_start3A_231] : memref<10240x128xf32, #tpu.memory_space<hbm>> -> memref<10240x128xf32, #tpu.memory_space<hbm>>
    tpu.enqueue_indirect_dma source(%dma_start3A_232 : memref<10240x128xf32, #tpu.memory_space<hbm>>) target(%arg10 : memref<128x128xf32, #tpu.memory_space<vmem>>) offsets(%dma_start3A_229 : memref<128xi32, #tpu.memory_space<vmem>>) semaphore(%arg13 : memref<!tpu.dma_semaphore, #tpu.memory_space<semaphore_mem>>)
    %dma_start3A_233 = arith.constant 1 : i32
    %dma_start3A_234 = arith.constant 0 : i32
    %dma_start3A_235 = tpu.memref_slice %arg8[%dma_start3A_233, %dma_start3A_234] : memref<16x128xi32, #tpu.memory_space<vmem>> -> memref<1x128xi32, #tpu.memory_space<vmem>>
    %dma_start3A_236 = tpu.memref_squeeze %dma_start3A_235 : memref<1x128xi32, #tpu.memory_space<vmem>> -> memref<128xi32, #tpu.memory_space<vmem>>
    %dma_start3A_237 = arith.constant 0 : i32
    %dma_start3A_238 = arith.constant 0 : i32
    %dma_start3A_239 = tpu.memref_slice %arg2[%dma_start3A_237, %dma_start3A_238] : memref<10240x128xf32, #tpu.memory_space<hbm>> -> memref<10240x128xf32, #tpu.memory_space<hbm>>
    tpu.enqueue_indirect_dma source(%dma_start3A_239 : memref<10240x128xf32, #tpu.memory_space<hbm>>) target(%arg11 : memref<128x128xf32, #tpu.memory_space<vmem>>) offsets(%dma_start3A_236 : memref<128xi32, #tpu.memory_space<vmem>>) semaphore(%arg14 : memref<!tpu.dma_semaphore, #tpu.memory_space<semaphore_mem>>)
    %scan3A_240 = arith.constant 0 : i32
    %scan3A_241 = arith.constant 0 : i32
    %scan3A_242 = arith.constant 7 : i32
    %scan3A_243 = arith.addi %scan3A_241, %scan3A_242 : i32
    %scan3A_244 = arith.constant 1 : i32
    scf.for %scan3A_557 = %scan3A_241 to %scan3A_243 step %scan3A_244  : i32 {
      %mul3A_558 = arith.constant 2 : i32
      %mul3A_559 = arith.muli %mul3A_558, %scan3A_557 : i32
      %dma_wait3A_560 = arith.constant 0 : i32
      %dma_wait3A_561 = tpu.memref_slice %arg8[%mul3A_559, %dma_wait3A_560] : memref<16x128xi32, #tpu.memory_space<vmem>> -> memref<1x128xi32, #tpu.memory_space<vmem>>
      %dma_wait3A_562 = tpu.memref_squeeze %dma_wait3A_561 : memref<1x128xi32, #tpu.memory_space<vmem>> -> memref<128xi32, #tpu.memory_space<vmem>>
      %dma_wait3A_563 = arith.constant 0 : i32
      %dma_wait3A_564 = arith.constant 0 : i32
      %dma_wait3A_565 = tpu.memref_slice %arg2[%dma_wait3A_563, %dma_wait3A_564] : memref<10240x128xf32, #tpu.memory_space<hbm>> -> memref<10240x128xf32, #tpu.memory_space<hbm>>
      tpu.wait_indirect_dma semaphore(%arg13 : memref<!tpu.dma_semaphore, #tpu.memory_space<semaphore_mem>>) src(%dma_wait3A_565 : memref<10240x128xf32, #tpu.memory_space<hbm>>) dst(%arg10 : memref<128x128xf32, #tpu.memory_space<vmem>>)
      %dma_start3A_566 = arith.constant 0 : i32
      %dma_start3A_567 = tpu.memref_slice %arg9[%mul3A_559, %dma_start3A_566] : memref<16x128xi32, #tpu.memory_space<vmem>> -> memref<1x128xi32, #tpu.memory_space<vmem>>
      %dma_start3A_568 = tpu.memref_squeeze %dma_start3A_567 : memref<1x128xi32, #tpu.memory_space<vmem>> -> memref<128xi32, #tpu.memory_space<vmem>>
      %dma_start3A_569 = arith.constant 0 : i32
      %dma_start3A_570 = arith.constant 0 : i32
      %dma_start3A_571 = tpu.memref_slice %arg12[%dma_start3A_569, %dma_start3A_570] : memref<10240x128xf32, #tpu.memory_space<vmem_shared>> -> memref<10240x128xf32, #tpu.memory_space<vmem_shared>>
      tpu.enqueue_indirect_dma source(%arg10 : memref<128x128xf32, #tpu.memory_space<vmem>>) target(%dma_start3A_571 : memref<10240x128xf32, #tpu.memory_space<vmem_shared>>) offsets(%dma_start3A_568 : memref<128xi32, #tpu.memory_space<vmem>>) semaphore(%arg15 : memref<!tpu.dma_semaphore, #tpu.memory_space<semaphore_mem>>) {add = true}
      %add3A_572 = arith.constant 1 : i32
      %add3A_573 = arith.addi %mul3A_559, %add3A_572 : i32
      %dma_wait3A_574 = arith.constant 0 : i32
      %dma_wait3A_575 = tpu.memref_slice %arg8[%add3A_573, %dma_wait3A_574] : memref<16x128xi32, #tpu.memory_space<vmem>> -> memref<1x128xi32, #tpu.memory_space<vmem>>
      %dma_wait3A_576 = tpu.memref_squeeze %dma_wait3A_575 : memref<1x128xi32, #tpu.memory_space<vmem>> -> memref<128xi32, #tpu.memory_space<vmem>>
      %dma_wait3A_577 = arith.constant 0 : i32
      %dma_wait3A_578 = arith.constant 0 : i32
      %dma_wait3A_579 = tpu.memref_slice %arg2[%dma_wait3A_577, %dma_wait3A_578] : memref<10240x128xf32, #tpu.memory_space<hbm>> -> memref<10240x128xf32, #tpu.memory_space<hbm>>
      tpu.wait_indirect_dma semaphore(%arg14 : memref<!tpu.dma_semaphore, #tpu.memory_space<semaphore_mem>>) src(%dma_wait3A_579 : memref<10240x128xf32, #tpu.memory_space<hbm>>) dst(%arg11 : memref<128x128xf32, #tpu.memory_space<vmem>>)
      %dma_wait3A_580 = arith.constant 0 : i32
      %dma_wait3A_581 = tpu.memref_slice %arg9[%mul3A_559, %dma_wait3A_580] : memref<16x128xi32, #tpu.memory_space<vmem>> -> memref<1x128xi32, #tpu.memory_space<vmem>>
      %dma_wait3A_582 = tpu.memref_squeeze %dma_wait3A_581 : memref<1x128xi32, #tpu.memory_space<vmem>> -> memref<128xi32, #tpu.memory_space<vmem>>
      %dma_wait3A_583 = arith.constant 0 : i32
      %dma_wait3A_584 = arith.constant 0 : i32
      %dma_wait3A_585 = tpu.memref_slice %arg12[%dma_wait3A_583, %dma_wait3A_584] : memref<10240x128xf32, #tpu.memory_space<vmem_shared>> -> memref<10240x128xf32, #tpu.memory_space<vmem_shared>>
      tpu.wait_indirect_dma semaphore(%arg15 : memref<!tpu.dma_semaphore, #tpu.memory_space<semaphore_mem>>) src(%arg10 : memref<128x128xf32, #tpu.memory_space<vmem>>) dst(%dma_wait3A_585 : memref<10240x128xf32, #tpu.memory_space<vmem_shared>>)
      %add3A_586 = arith.constant 2 : i32
      %add3A_587 = arith.addi %mul3A_559, %add3A_586 : i32
      %dma_start3A_588 = arith.constant 0 : i32
      %dma_start3A_589 = tpu.memref_slice %arg8[%add3A_587, %dma_start3A_588] : memref<16x128xi32, #tpu.memory_space<vmem>> -> memref<1x128xi32, #tpu.memory_space<vmem>>
      %dma_start3A_590 = tpu.memref_squeeze %dma_start3A_589 : memref<1x128xi32, #tpu.memory_space<vmem>> -> memref<128xi32, #tpu.memory_space<vmem>>
      %dma_start3A_591 = arith.constant 0 : i32
      %dma_start3A_592 = arith.constant 0 : i32
      %dma_start3A_593 = tpu.memref_slice %arg2[%dma_start3A_591, %dma_start3A_592] : memref<10240x128xf32, #tpu.memory_space<hbm>> -> memref<10240x128xf32, #tpu.memory_space<hbm>>
      tpu.enqueue_indirect_dma source(%dma_start3A_593 : memref<10240x128xf32, #tpu.memory_space<hbm>>) target(%arg10 : memref<128x128xf32, #tpu.memory_space<vmem>>) offsets(%dma_start3A_590 : memref<128xi32, #tpu.memory_space<vmem>>) semaphore(%arg13 : memref<!tpu.dma_semaphore, #tpu.memory_space<semaphore_mem>>)
      %add3A_594 = arith.constant 1 : i32
      %add3A_595 = arith.addi %mul3A_559, %add3A_594 : i32
      %dma_start3A_596 = arith.constant 0 : i32
      %dma_start3A_597 = tpu.memref_slice %arg9[%add3A_595, %dma_start3A_596] : memref<16x128xi32, #tpu.memory_space<vmem>> -> memref<1x128xi32, #tpu.memory_space<vmem>>
      %dma_start3A_598 = tpu.memref_squeeze %dma_start3A_597 : memref<1x128xi32, #tpu.memory_space<vmem>> -> memref<128xi32, #tpu.memory_space<vmem>>
      %dma_start3A_599 = arith.constant 0 : i32
      %dma_start3A_600 = arith.constant 0 : i32
      %dma_start3A_601 = tpu.memref_slice %arg12[%dma_start3A_599, %dma_start3A_600] : memref<10240x128xf32, #tpu.memory_space<vmem_shared>> -> memref<10240x128xf32, #tpu.memory_space<vmem_shared>>
      tpu.enqueue_indirect_dma source(%arg11 : memref<128x128xf32, #tpu.memory_space<vmem>>) target(%dma_start3A_601 : memref<10240x128xf32, #tpu.memory_space<vmem_shared>>) offsets(%dma_start3A_598 : memref<128xi32, #tpu.memory_space<vmem>>) semaphore(%arg16 : memref<!tpu.dma_semaphore, #tpu.memory_space<semaphore_mem>>) {add = true}
      %add3A_602 = arith.constant 1 : i32
      %add3A_603 = arith.addi %mul3A_559, %add3A_602 : i32
      %dma_wait3A_604 = arith.constant 0 : i32
      %dma_wait3A_605 = tpu.memref_slice %arg9[%add3A_603, %dma_wait3A_604] : memref<16x128xi32, #tpu.memory_space<vmem>> -> memref<1x128xi32, #tpu.memory_space<vmem>>
      %dma_wait3A_606 = tpu.memref_squeeze %dma_wait3A_605 : memref<1x128xi32, #tpu.memory_space<vmem>> -> memref<128xi32, #tpu.memory_space<vmem>>
      %dma_wait3A_607 = arith.constant 0 : i32
      %dma_wait3A_608 = arith.constant 0 : i32
      %dma_wait3A_609 = tpu.memref_slice %arg12[%dma_wait3A_607, %dma_wait3A_608] : memref<10240x128xf32, #tpu.memory_space<vmem_shared>> -> memref<10240x128xf32, #tpu.memory_space<vmem_shared>>
      tpu.wait_indirect_dma semaphore(%arg16 : memref<!tpu.dma_semaphore, #tpu.memory_space<semaphore_mem>>) src(%arg11 : memref<128x128xf32, #tpu.memory_space<vmem>>) dst(%dma_wait3A_609 : memref<10240x128xf32, #tpu.memory_space<vmem_shared>>)
      %add3A_610 = arith.constant 3 : i32
      %add3A_611 = arith.addi %mul3A_559, %add3A_610 : i32
      %dma_start3A_612 = arith.constant 0 : i32
      %dma_start3A_613 = tpu.memref_slice %arg8[%add3A_611, %dma_start3A_612] : memref<16x128xi32, #tpu.memory_space<vmem>> -> memref<1x128xi32, #tpu.memory_space<vmem>>
      %dma_start3A_614 = tpu.memref_squeeze %dma_start3A_613 : memref<1x128xi32, #tpu.memory_space<vmem>> -> memref<128xi32, #tpu.memory_space<vmem>>
      %dma_start3A_615 = arith.constant 0 : i32
      %dma_start3A_616 = arith.constant 0 : i32
      %dma_start3A_617 = tpu.memref_slice %arg2[%dma_start3A_615, %dma_start3A_616] : memref<10240x128xf32, #tpu.memory_space<hbm>> -> memref<10240x128xf32, #tpu.memory_space<hbm>>
      tpu.enqueue_indirect_dma source(%dma_start3A_617 : memref<10240x128xf32, #tpu.memory_space<hbm>>) target(%arg11 : memref<128x128xf32, #tpu.memory_space<vmem>>) offsets(%dma_start3A_614 : memref<128xi32, #tpu.memory_space<vmem>>) semaphore(%arg14 : memref<!tpu.dma_semaphore, #tpu.memory_space<semaphore_mem>>)
    }
    %scan3A_245 = arith.constant 7 : i32
    %dma_wait3A_246 = arith.constant 14 : i32
    %dma_wait3A_247 = arith.constant 0 : i32
    %dma_wait3A_248 = tpu.memref_slice %arg8[%dma_wait3A_246, %dma_wait3A_247] : memref<16x128xi32, #tpu.memory_space<vmem>> -> memref<1x128xi32, #tpu.memory_space<vmem>>
    %dma_wait3A_249 = tpu.memref_squeeze %dma_wait3A_248 : memref<1x128xi32, #tpu.memory_space<vmem>> -> memref<128xi32, #tpu.memory_space<vmem>>
    %dma_wait3A_250 = arith.constant 0 : i32
    %dma_wait3A_251 = arith.constant 0 : i32
    %dma_wait3A_252 = tpu.memref_slice %arg2[%dma_wait3A_250, %dma_wait3A_251] : memref<10240x128xf32, #tpu.memory_space<hbm>> -> memref<10240x128xf32, #tpu.memory_space<hbm>>
    tpu.wait_indirect_dma semaphore(%arg13 : memref<!tpu.dma_semaphore, #tpu.memory_space<semaphore_mem>>) src(%dma_wait3A_252 : memref<10240x128xf32, #tpu.memory_space<hbm>>) dst(%arg10 : memref<128x128xf32, #tpu.memory_space<vmem>>)
    %dma_start3A_253 = arith.constant 14 : i32
    %dma_start3A_254 = arith.constant 0 : i32
    %dma_start3A_255 = tpu.memref_slice %arg9[%dma_start3A_253, %dma_start3A_254] : memref<16x128xi32, #tpu.memory_space<vmem>> -> memref<1x128xi32, #tpu.memory_space<vmem>>
    %dma_start3A_256 = tpu.memref_squeeze %dma_start3A_255 : memref<1x128xi32, #tpu.memory_space<vmem>> -> memref<128xi32, #tpu.memory_space<vmem>>
    %dma_start3A_257 = arith.constant 0 : i32
    %dma_start3A_258 = arith.constant 0 : i32
    %dma_start3A_259 = tpu.memref_slice %arg12[%dma_start3A_257, %dma_start3A_258] : memref<10240x128xf32, #tpu.memory_space<vmem_shared>> -> memref<10240x128xf32, #tpu.memory_space<vmem_shared>>
    tpu.enqueue_indirect_dma source(%arg10 : memref<128x128xf32, #tpu.memory_space<vmem>>) target(%dma_start3A_259 : memref<10240x128xf32, #tpu.memory_space<vmem_shared>>) offsets(%dma_start3A_256 : memref<128xi32, #tpu.memory_space<vmem>>) semaphore(%arg15 : memref<!tpu.dma_semaphore, #tpu.memory_space<semaphore_mem>>) {add = true}
    %dma_wait3A_260 = arith.constant 15 : i32
    %dma_wait3A_261 = arith.constant 0 : i32
    %dma_wait3A_262 = tpu.memref_slice %arg8[%dma_wait3A_260, %dma_wait3A_261] : memref<16x128xi32, #tpu.memory_space<vmem>> -> memref<1x128xi32, #tpu.memory_space<vmem>>
    %dma_wait3A_263 = tpu.memref_squeeze %dma_wait3A_262 : memref<1x128xi32, #tpu.memory_space<vmem>> -> memref<128xi32, #tpu.memory_space<vmem>>
    %dma_wait3A_264 = arith.constant 0 : i32
    %dma_wait3A_265 = arith.constant 0 : i32
    %dma_wait3A_266 = tpu.memref_slice %arg2[%dma_wait3A_264, %dma_wait3A_265] : memref<10240x128xf32, #tpu.memory_space<hbm>> -> memref<10240x128xf32, #tpu.memory_space<hbm>>
    tpu.wait_indirect_dma semaphore(%arg14 : memref<!tpu.dma_semaphore, #tpu.memory_space<semaphore_mem>>) src(%dma_wait3A_266 : memref<10240x128xf32, #tpu.memory_space<hbm>>) dst(%arg11 : memref<128x128xf32, #tpu.memory_space<vmem>>)
    %dma_wait3A_267 = arith.constant 14 : i32
    %dma_wait3A_268 = arith.constant 0 : i32
    %dma_wait3A_269 = tpu.memref_slice %arg9[%dma_wait3A_267, %dma_wait3A_268] : memref<16x128xi32, #tpu.memory_space<vmem>> -> memref<1x128xi32, #tpu.memory_space<vmem>>
    %dma_wait3A_270 = tpu.memref_squeeze %dma_wait3A_269 : memref<1x128xi32, #tpu.memory_space<vmem>> -> memref<128xi32, #tpu.memory_space<vmem>>
    %dma_wait3A_271 = arith.constant 0 : i32
    %dma_wait3A_272 = arith.constant 0 : i32
    %dma_wait3A_273 = tpu.memref_slice %arg12[%dma_wait3A_271, %dma_wait3A_272] : memref<10240x128xf32, #tpu.memory_space<vmem_shared>> -> memref<10240x128xf32, #tpu.memory_space<vmem_shared>>
    tpu.wait_indirect_dma semaphore(%arg15 : memref<!tpu.dma_semaphore, #tpu.memory_space<semaphore_mem>>) src(%arg10 : memref<128x128xf32, #tpu.memory_space<vmem>>) dst(%dma_wait3A_273 : memref<10240x128xf32, #tpu.memory_space<vmem_shared>>)
    %dma_start3A_274 = arith.constant 15 : i32
    %dma_start3A_275 = arith.constant 0 : i32
    %dma_start3A_276 = tpu.memref_slice %arg9[%dma_start3A_274, %dma_start3A_275] : memref<16x128xi32, #tpu.memory_space<vmem>> -> memref<1x128xi32, #tpu.memory_space<vmem>>
    %dma_start3A_277 = tpu.memref_squeeze %dma_start3A_276 : memref<1x128xi32, #tpu.memory_space<vmem>> -> memref<128xi32, #tpu.memory_space<vmem>>
    %dma_start3A_278 = arith.constant 0 : i32
    %dma_start3A_279 = arith.constant 0 : i32
    %dma_start3A_280 = tpu.memref_slice %arg12[%dma_start3A_278, %dma_start3A_279] : memref<10240x128xf32, #tpu.memory_space<vmem_shared>> -> memref<10240x128xf32, #tpu.memory_space<vmem_shared>>
    tpu.enqueue_indirect_dma source(%arg11 : memref<128x128xf32, #tpu.memory_space<vmem>>) target(%dma_start3A_280 : memref<10240x128xf32, #tpu.memory_space<vmem_shared>>) offsets(%dma_start3A_277 : memref<128xi32, #tpu.memory_space<vmem>>) semaphore(%arg16 : memref<!tpu.dma_semaphore, #tpu.memory_space<semaphore_mem>>) {add = true}
    %dma_wait3A_281 = arith.constant 15 : i32
    %dma_wait3A_282 = arith.constant 0 : i32
    %dma_wait3A_283 = tpu.memref_slice %arg9[%dma_wait3A_281, %dma_wait3A_282] : memref<16x128xi32, #tpu.memory_space<vmem>> -> memref<1x128xi32, #tpu.memory_space<vmem>>
    %dma_wait3A_284 = tpu.memref_squeeze %dma_wait3A_283 : memref<1x128xi32, #tpu.memory_space<vmem>> -> memref<128xi32, #tpu.memory_space<vmem>>
    %dma_wait3A_285 = arith.constant 0 : i32
    %dma_wait3A_286 = arith.constant 0 : i32
    %dma_wait3A_287 = tpu.memref_slice %arg12[%dma_wait3A_285, %dma_wait3A_286] : memref<10240x128xf32, #tpu.memory_space<vmem_shared>> -> memref<10240x128xf32, #tpu.memory_space<vmem_shared>>
    tpu.wait_indirect_dma semaphore(%arg16 : memref<!tpu.dma_semaphore, #tpu.memory_space<semaphore_mem>>) src(%arg11 : memref<128x128xf32, #tpu.memory_space<vmem>>) dst(%dma_wait3A_287 : memref<10240x128xf32, #tpu.memory_space<vmem_shared>>)
    %dma_wait3A_288 = arith.constant 32 : i32
    %dma_wait3A_289 = arith.constant 0 : i32
    %dma_wait3A_290 = tpu.memref_slice %arg3[%add3A, %dma_wait3A_288, %dma_wait3A_289] : memref<32x80x128xi32, #tpu.memory_space<hbm>> -> memref<1x16x128xi32, #tpu.memory_space<hbm>>
    %dma_wait3A_291 = tpu.memref_squeeze %dma_wait3A_290 : memref<1x16x128xi32, #tpu.memory_space<hbm>> -> memref<16x128xi32, #tpu.memory_space<hbm>>
    %dma_wait3A_292 = arith.constant 32 : i32
    %dma_wait3A_293 = arith.constant 0 : i32
    %dma_wait3A_294 = tpu.memref_slice %arg3[%add3A, %dma_wait3A_292, %dma_wait3A_293] : memref<32x80x128xi32, #tpu.memory_space<hbm>> -> memref<1x16x128xi32, #tpu.memory_space<hbm>>
    %dma_wait3A_295 = tpu.memref_squeeze %dma_wait3A_294 : memref<1x16x128xi32, #tpu.memory_space<hbm>> -> memref<16x128xi32, #tpu.memory_space<hbm>>
    tpu.wait_dma2 semaphore(%arg17 : memref<!tpu.dma_semaphore, #tpu.memory_space<semaphore_mem>>) src(%dma_wait3A_295 : memref<16x128xi32, #tpu.memory_space<hbm>>) dst(%arg6 : memref<16x128xi32, #tpu.memory_space<vmem>>)
    %dma_wait3A_296 = arith.constant 32 : i32
    %dma_wait3A_297 = arith.constant 0 : i32
    %dma_wait3A_298 = tpu.memref_slice %arg4[%add3A, %dma_wait3A_296, %dma_wait3A_297] : memref<32x80x128xi32, #tpu.memory_space<hbm>> -> memref<1x16x128xi32, #tpu.memory_space<hbm>>
    %dma_wait3A_299 = tpu.memref_squeeze %dma_wait3A_298 : memref<1x16x128xi32, #tpu.memory_space<hbm>> -> memref<16x128xi32, #tpu.memory_space<hbm>>
    %dma_wait3A_300 = arith.constant 32 : i32
    %dma_wait3A_301 = arith.constant 0 : i32
    %dma_wait3A_302 = tpu.memref_slice %arg4[%add3A, %dma_wait3A_300, %dma_wait3A_301] : memref<32x80x128xi32, #tpu.memory_space<hbm>> -> memref<1x16x128xi32, #tpu.memory_space<hbm>>
    %dma_wait3A_303 = tpu.memref_squeeze %dma_wait3A_302 : memref<1x16x128xi32, #tpu.memory_space<hbm>> -> memref<16x128xi32, #tpu.memory_space<hbm>>
    tpu.wait_dma2 semaphore(%arg18 : memref<!tpu.dma_semaphore, #tpu.memory_space<semaphore_mem>>) src(%dma_wait3A_303 : memref<16x128xi32, #tpu.memory_space<hbm>>) dst(%arg7 : memref<16x128xi32, #tpu.memory_space<vmem>>)
    %dma_start3A_304 = arith.constant 48 : i32
    %dma_start3A_305 = arith.constant 0 : i32
    %dma_start3A_306 = tpu.memref_slice %arg3[%add3A, %dma_start3A_304, %dma_start3A_305] : memref<32x80x128xi32, #tpu.memory_space<hbm>> -> memref<1x16x128xi32, #tpu.memory_space<hbm>>
    %dma_start3A_307 = tpu.memref_squeeze %dma_start3A_306 : memref<1x16x128xi32, #tpu.memory_space<hbm>> -> memref<16x128xi32, #tpu.memory_space<hbm>>
    %dma_start3A_308 = arith.constant 48 : i32
    %dma_start3A_309 = arith.constant 0 : i32
    %dma_start3A_310 = tpu.memref_slice %arg3[%add3A, %dma_start3A_308, %dma_start3A_309] : memref<32x80x128xi32, #tpu.memory_space<hbm>> -> memref<1x16x128xi32, #tpu.memory_space<hbm>>
    %dma_start3A_311 = tpu.memref_squeeze %dma_start3A_310 : memref<1x16x128xi32, #tpu.memory_space<hbm>> -> memref<16x128xi32, #tpu.memory_space<hbm>>
    tpu.enqueue_dma source(%dma_start3A_311 : memref<16x128xi32, #tpu.memory_space<hbm>>) target(%arg8 : memref<16x128xi32, #tpu.memory_space<vmem>>) target_semaphore(%arg17 : memref<!tpu.dma_semaphore, #tpu.memory_space<semaphore_mem>>)
    %dma_start3A_312 = arith.constant 48 : i32
    %dma_start3A_313 = arith.constant 0 : i32
    %dma_start3A_314 = tpu.memref_slice %arg4[%add3A, %dma_start3A_312, %dma_start3A_313] : memref<32x80x128xi32, #tpu.memory_space<hbm>> -> memref<1x16x128xi32, #tpu.memory_space<hbm>>
    %dma_start3A_315 = tpu.memref_squeeze %dma_start3A_314 : memref<1x16x128xi32, #tpu.memory_space<hbm>> -> memref<16x128xi32, #tpu.memory_space<hbm>>
    %dma_start3A_316 = arith.constant 48 : i32
    %dma_start3A_317 = arith.constant 0 : i32
    %dma_start3A_318 = tpu.memref_slice %arg4[%add3A, %dma_start3A_316, %dma_start3A_317] : memref<32x80x128xi32, #tpu.memory_space<hbm>> -> memref<1x16x128xi32, #tpu.memory_space<hbm>>
    %dma_start3A_319 = tpu.memref_squeeze %dma_start3A_318 : memref<1x16x128xi32, #tpu.memory_space<hbm>> -> memref<16x128xi32, #tpu.memory_space<hbm>>
    tpu.enqueue_dma source(%dma_start3A_319 : memref<16x128xi32, #tpu.memory_space<hbm>>) target(%arg9 : memref<16x128xi32, #tpu.memory_space<vmem>>) target_semaphore(%arg18 : memref<!tpu.dma_semaphore, #tpu.memory_space<semaphore_mem>>)
    %dma_start3A_320 = arith.constant 0 : i32
    %dma_start3A_321 = arith.constant 0 : i32
    %dma_start3A_322 = tpu.memref_slice %arg6[%dma_start3A_320, %dma_start3A_321] : memref<16x128xi32, #tpu.memory_space<vmem>> -> memref<1x128xi32, #tpu.memory_space<vmem>>
    %dma_start3A_323 = tpu.memref_squeeze %dma_start3A_322 : memref<1x128xi32, #tpu.memory_space<vmem>> -> memref<128xi32, #tpu.memory_space<vmem>>
    %dma_start3A_324 = arith.constant 0 : i32
    %dma_start3A_325 = arith.constant 0 : i32
    %dma_start3A_326 = tpu.memref_slice %arg2[%dma_start3A_324, %dma_start3A_325] : memref<10240x128xf32, #tpu.memory_space<hbm>> -> memref<10240x128xf32, #tpu.memory_space<hbm>>
    tpu.enqueue_indirect_dma source(%dma_start3A_326 : memref<10240x128xf32, #tpu.memory_space<hbm>>) target(%arg10 : memref<128x128xf32, #tpu.memory_space<vmem>>) offsets(%dma_start3A_323 : memref<128xi32, #tpu.memory_space<vmem>>) semaphore(%arg13 : memref<!tpu.dma_semaphore, #tpu.memory_space<semaphore_mem>>)
    %dma_start3A_327 = arith.constant 1 : i32
    %dma_start3A_328 = arith.constant 0 : i32
    %dma_start3A_329 = tpu.memref_slice %arg6[%dma_start3A_327, %dma_start3A_328] : memref<16x128xi32, #tpu.memory_space<vmem>> -> memref<1x128xi32, #tpu.memory_space<vmem>>
    %dma_start3A_330 = tpu.memref_squeeze %dma_start3A_329 : memref<1x128xi32, #tpu.memory_space<vmem>> -> memref<128xi32, #tpu.memory_space<vmem>>
    %dma_start3A_331 = arith.constant 0 : i32
    %dma_start3A_332 = arith.constant 0 : i32
    %dma_start3A_333 = tpu.memref_slice %arg2[%dma_start3A_331, %dma_start3A_332] : memref<10240x128xf32, #tpu.memory_space<hbm>> -> memref<10240x128xf32, #tpu.memory_space<hbm>>
    tpu.enqueue_indirect_dma source(%dma_start3A_333 : memref<10240x128xf32, #tpu.memory_space<hbm>>) target(%arg11 : memref<128x128xf32, #tpu.memory_space<vmem>>) offsets(%dma_start3A_330 : memref<128xi32, #tpu.memory_space<vmem>>) semaphore(%arg14 : memref<!tpu.dma_semaphore, #tpu.memory_space<semaphore_mem>>)
    %scan3A_334 = arith.constant 0 : i32
    %scan3A_335 = arith.constant 0 : i32
    %scan3A_336 = arith.constant 7 : i32
    %scan3A_337 = arith.addi %scan3A_335, %scan3A_336 : i32
    %scan3A_338 = arith.constant 1 : i32
    scf.for %scan3A_557 = %scan3A_335 to %scan3A_337 step %scan3A_338  : i32 {
      %mul3A_558 = arith.constant 2 : i32
      %mul3A_559 = arith.muli %mul3A_558, %scan3A_557 : i32
      %dma_wait3A_560 = arith.constant 0 : i32
      %dma_wait3A_561 = tpu.memref_slice %arg6[%mul3A_559, %dma_wait3A_560] : memref<16x128xi32, #tpu.memory_space<vmem>> -> memref<1x128xi32, #tpu.memory_space<vmem>>
      %dma_wait3A_562 = tpu.memref_squeeze %dma_wait3A_561 : memref<1x128xi32, #tpu.memory_space<vmem>> -> memref<128xi32, #tpu.memory_space<vmem>>
      %dma_wait3A_563 = arith.constant 0 : i32
      %dma_wait3A_564 = arith.constant 0 : i32
      %dma_wait3A_565 = tpu.memref_slice %arg2[%dma_wait3A_563, %dma_wait3A_564] : memref<10240x128xf32, #tpu.memory_space<hbm>> -> memref<10240x128xf32, #tpu.memory_space<hbm>>
      tpu.wait_indirect_dma semaphore(%arg13 : memref<!tpu.dma_semaphore, #tpu.memory_space<semaphore_mem>>) src(%dma_wait3A_565 : memref<10240x128xf32, #tpu.memory_space<hbm>>) dst(%arg10 : memref<128x128xf32, #tpu.memory_space<vmem>>)
      %dma_start3A_566 = arith.constant 0 : i32
      %dma_start3A_567 = tpu.memref_slice %arg7[%mul3A_559, %dma_start3A_566] : memref<16x128xi32, #tpu.memory_space<vmem>> -> memref<1x128xi32, #tpu.memory_space<vmem>>
      %dma_start3A_568 = tpu.memref_squeeze %dma_start3A_567 : memref<1x128xi32, #tpu.memory_space<vmem>> -> memref<128xi32, #tpu.memory_space<vmem>>
      %dma_start3A_569 = arith.constant 0 : i32
      %dma_start3A_570 = arith.constant 0 : i32
      %dma_start3A_571 = tpu.memref_slice %arg12[%dma_start3A_569, %dma_start3A_570] : memref<10240x128xf32, #tpu.memory_space<vmem_shared>> -> memref<10240x128xf32, #tpu.memory_space<vmem_shared>>
      tpu.enqueue_indirect_dma source(%arg10 : memref<128x128xf32, #tpu.memory_space<vmem>>) target(%dma_start3A_571 : memref<10240x128xf32, #tpu.memory_space<vmem_shared>>) offsets(%dma_start3A_568 : memref<128xi32, #tpu.memory_space<vmem>>) semaphore(%arg15 : memref<!tpu.dma_semaphore, #tpu.memory_space<semaphore_mem>>) {add = true}
      %add3A_572 = arith.constant 1 : i32
      %add3A_573 = arith.addi %mul3A_559, %add3A_572 : i32
      %dma_wait3A_574 = arith.constant 0 : i32
      %dma_wait3A_575 = tpu.memref_slice %arg6[%add3A_573, %dma_wait3A_574] : memref<16x128xi32, #tpu.memory_space<vmem>> -> memref<1x128xi32, #tpu.memory_space<vmem>>
      %dma_wait3A_576 = tpu.memref_squeeze %dma_wait3A_575 : memref<1x128xi32, #tpu.memory_space<vmem>> -> memref<128xi32, #tpu.memory_space<vmem>>
      %dma_wait3A_577 = arith.constant 0 : i32
      %dma_wait3A_578 = arith.constant 0 : i32
      %dma_wait3A_579 = tpu.memref_slice %arg2[%dma_wait3A_577, %dma_wait3A_578] : memref<10240x128xf32, #tpu.memory_space<hbm>> -> memref<10240x128xf32, #tpu.memory_space<hbm>>
      tpu.wait_indirect_dma semaphore(%arg14 : memref<!tpu.dma_semaphore, #tpu.memory_space<semaphore_mem>>) src(%dma_wait3A_579 : memref<10240x128xf32, #tpu.memory_space<hbm>>) dst(%arg11 : memref<128x128xf32, #tpu.memory_space<vmem>>)
      %dma_wait3A_580 = arith.constant 0 : i32
      %dma_wait3A_581 = tpu.memref_slice %arg7[%mul3A_559, %dma_wait3A_580] : memref<16x128xi32, #tpu.memory_space<vmem>> -> memref<1x128xi32, #tpu.memory_space<vmem>>
      %dma_wait3A_582 = tpu.memref_squeeze %dma_wait3A_581 : memref<1x128xi32, #tpu.memory_space<vmem>> -> memref<128xi32, #tpu.memory_space<vmem>>
      %dma_wait3A_583 = arith.constant 0 : i32
      %dma_wait3A_584 = arith.constant 0 : i32
      %dma_wait3A_585 = tpu.memref_slice %arg12[%dma_wait3A_583, %dma_wait3A_584] : memref<10240x128xf32, #tpu.memory_space<vmem_shared>> -> memref<10240x128xf32, #tpu.memory_space<vmem_shared>>
      tpu.wait_indirect_dma semaphore(%arg15 : memref<!tpu.dma_semaphore, #tpu.memory_space<semaphore_mem>>) src(%arg10 : memref<128x128xf32, #tpu.memory_space<vmem>>) dst(%dma_wait3A_585 : memref<10240x128xf32, #tpu.memory_space<vmem_shared>>)
      %add3A_586 = arith.constant 2 : i32
      %add3A_587 = arith.addi %mul3A_559, %add3A_586 : i32
      %dma_start3A_588 = arith.constant 0 : i32
      %dma_start3A_589 = tpu.memref_slice %arg6[%add3A_587, %dma_start3A_588] : memref<16x128xi32, #tpu.memory_space<vmem>> -> memref<1x128xi32, #tpu.memory_space<vmem>>
      %dma_start3A_590 = tpu.memref_squeeze %dma_start3A_589 : memref<1x128xi32, #tpu.memory_space<vmem>> -> memref<128xi32, #tpu.memory_space<vmem>>
      %dma_start3A_591 = arith.constant 0 : i32
      %dma_start3A_592 = arith.constant 0 : i32
      %dma_start3A_593 = tpu.memref_slice %arg2[%dma_start3A_591, %dma_start3A_592] : memref<10240x128xf32, #tpu.memory_space<hbm>> -> memref<10240x128xf32, #tpu.memory_space<hbm>>
      tpu.enqueue_indirect_dma source(%dma_start3A_593 : memref<10240x128xf32, #tpu.memory_space<hbm>>) target(%arg10 : memref<128x128xf32, #tpu.memory_space<vmem>>) offsets(%dma_start3A_590 : memref<128xi32, #tpu.memory_space<vmem>>) semaphore(%arg13 : memref<!tpu.dma_semaphore, #tpu.memory_space<semaphore_mem>>)
      %add3A_594 = arith.constant 1 : i32
      %add3A_595 = arith.addi %mul3A_559, %add3A_594 : i32
      %dma_start3A_596 = arith.constant 0 : i32
      %dma_start3A_597 = tpu.memref_slice %arg7[%add3A_595, %dma_start3A_596] : memref<16x128xi32, #tpu.memory_space<vmem>> -> memref<1x128xi32, #tpu.memory_space<vmem>>
      %dma_start3A_598 = tpu.memref_squeeze %dma_start3A_597 : memref<1x128xi32, #tpu.memory_space<vmem>> -> memref<128xi32, #tpu.memory_space<vmem>>
      %dma_start3A_599 = arith.constant 0 : i32
      %dma_start3A_600 = arith.constant 0 : i32
      %dma_start3A_601 = tpu.memref_slice %arg12[%dma_start3A_599, %dma_start3A_600] : memref<10240x128xf32, #tpu.memory_space<vmem_shared>> -> memref<10240x128xf32, #tpu.memory_space<vmem_shared>>
      tpu.enqueue_indirect_dma source(%arg11 : memref<128x128xf32, #tpu.memory_space<vmem>>) target(%dma_start3A_601 : memref<10240x128xf32, #tpu.memory_space<vmem_shared>>) offsets(%dma_start3A_598 : memref<128xi32, #tpu.memory_space<vmem>>) semaphore(%arg16 : memref<!tpu.dma_semaphore, #tpu.memory_space<semaphore_mem>>) {add = true}
      %add3A_602 = arith.constant 1 : i32
      %add3A_603 = arith.addi %mul3A_559, %add3A_602 : i32
      %dma_wait3A_604 = arith.constant 0 : i32
      %dma_wait3A_605 = tpu.memref_slice %arg7[%add3A_603, %dma_wait3A_604] : memref<16x128xi32, #tpu.memory_space<vmem>> -> memref<1x128xi32, #tpu.memory_space<vmem>>
      %dma_wait3A_606 = tpu.memref_squeeze %dma_wait3A_605 : memref<1x128xi32, #tpu.memory_space<vmem>> -> memref<128xi32, #tpu.memory_space<vmem>>
      %dma_wait3A_607 = arith.constant 0 : i32
      %dma_wait3A_608 = arith.constant 0 : i32
      %dma_wait3A_609 = tpu.memref_slice %arg12[%dma_wait3A_607, %dma_wait3A_608] : memref<10240x128xf32, #tpu.memory_space<vmem_shared>> -> memref<10240x128xf32, #tpu.memory_space<vmem_shared>>
      tpu.wait_indirect_dma semaphore(%arg16 : memref<!tpu.dma_semaphore, #tpu.memory_space<semaphore_mem>>) src(%arg11 : memref<128x128xf32, #tpu.memory_space<vmem>>) dst(%dma_wait3A_609 : memref<10240x128xf32, #tpu.memory_space<vmem_shared>>)
      %add3A_610 = arith.constant 3 : i32
      %add3A_611 = arith.addi %mul3A_559, %add3A_610 : i32
      %dma_start3A_612 = arith.constant 0 : i32
      %dma_start3A_613 = tpu.memref_slice %arg6[%add3A_611, %dma_start3A_612] : memref<16x128xi32, #tpu.memory_space<vmem>> -> memref<1x128xi32, #tpu.memory_space<vmem>>
      %dma_start3A_614 = tpu.memref_squeeze %dma_start3A_613 : memref<1x128xi32, #tpu.memory_space<vmem>> -> memref<128xi32, #tpu.memory_space<vmem>>
      %dma_start3A_615 = arith.constant 0 : i32
      %dma_start3A_616 = arith.constant 0 : i32
      %dma_start3A_617 = tpu.memref_slice %arg2[%dma_start3A_615, %dma_start3A_616] : memref<10240x128xf32, #tpu.memory_space<hbm>> -> memref<10240x128xf32, #tpu.memory_space<hbm>>
      tpu.enqueue_indirect_dma source(%dma_start3A_617 : memref<10240x128xf32, #tpu.memory_space<hbm>>) target(%arg11 : memref<128x128xf32, #tpu.memory_space<vmem>>) offsets(%dma_start3A_614 : memref<128xi32, #tpu.memory_space<vmem>>) semaphore(%arg14 : memref<!tpu.dma_semaphore, #tpu.memory_space<semaphore_mem>>)
    }
    %scan3A_339 = arith.constant 7 : i32
    %dma_wait3A_340 = arith.constant 14 : i32
    %dma_wait3A_341 = arith.constant 0 : i32
    %dma_wait3A_342 = tpu.memref_slice %arg6[%dma_wait3A_340, %dma_wait3A_341] : memref<16x128xi32, #tpu.memory_space<vmem>> -> memref<1x128xi32, #tpu.memory_space<vmem>>
    %dma_wait3A_343 = tpu.memref_squeeze %dma_wait3A_342 : memref<1x128xi32, #tpu.memory_space<vmem>> -> memref<128xi32, #tpu.memory_space<vmem>>
    %dma_wait3A_344 = arith.constant 0 : i32
    %dma_wait3A_345 = arith.constant 0 : i32
    %dma_wait3A_346 = tpu.memref_slice %arg2[%dma_wait3A_344, %dma_wait3A_345] : memref<10240x128xf32, #tpu.memory_space<hbm>> -> memref<10240x128xf32, #tpu.memory_space<hbm>>
    tpu.wait_indirect_dma semaphore(%arg13 : memref<!tpu.dma_semaphore, #tpu.memory_space<semaphore_mem>>) src(%dma_wait3A_346 : memref<10240x128xf32, #tpu.memory_space<hbm>>) dst(%arg10 : memref<128x128xf32, #tpu.memory_space<vmem>>)
    %dma_start3A_347 = arith.constant 14 : i32
    %dma_start3A_348 = arith.constant 0 : i32
    %dma_start3A_349 = tpu.memref_slice %arg7[%dma_start3A_347, %dma_start3A_348] : memref<16x128xi32, #tpu.memory_space<vmem>> -> memref<1x128xi32, #tpu.memory_space<vmem>>
    %dma_start3A_350 = tpu.memref_squeeze %dma_start3A_349 : memref<1x128xi32, #tpu.memory_space<vmem>> -> memref<128xi32, #tpu.memory_space<vmem>>
    %dma_start3A_351 = arith.constant 0 : i32
    %dma_start3A_352 = arith.constant 0 : i32
    %dma_start3A_353 = tpu.memref_slice %arg12[%dma_start3A_351, %dma_start3A_352] : memref<10240x128xf32, #tpu.memory_space<vmem_shared>> -> memref<10240x128xf32, #tpu.memory_space<vmem_shared>>
    tpu.enqueue_indirect_dma source(%arg10 : memref<128x128xf32, #tpu.memory_space<vmem>>) target(%dma_start3A_353 : memref<10240x128xf32, #tpu.memory_space<vmem_shared>>) offsets(%dma_start3A_350 : memref<128xi32, #tpu.memory_space<vmem>>) semaphore(%arg15 : memref<!tpu.dma_semaphore, #tpu.memory_space<semaphore_mem>>) {add = true}
    %dma_wait3A_354 = arith.constant 15 : i32
    %dma_wait3A_355 = arith.constant 0 : i32
    %dma_wait3A_356 = tpu.memref_slice %arg6[%dma_wait3A_354, %dma_wait3A_355] : memref<16x128xi32, #tpu.memory_space<vmem>> -> memref<1x128xi32, #tpu.memory_space<vmem>>
    %dma_wait3A_357 = tpu.memref_squeeze %dma_wait3A_356 : memref<1x128xi32, #tpu.memory_space<vmem>> -> memref<128xi32, #tpu.memory_space<vmem>>
    %dma_wait3A_358 = arith.constant 0 : i32
    %dma_wait3A_359 = arith.constant 0 : i32
    %dma_wait3A_360 = tpu.memref_slice %arg2[%dma_wait3A_358, %dma_wait3A_359] : memref<10240x128xf32, #tpu.memory_space<hbm>> -> memref<10240x128xf32, #tpu.memory_space<hbm>>
    tpu.wait_indirect_dma semaphore(%arg14 : memref<!tpu.dma_semaphore, #tpu.memory_space<semaphore_mem>>) src(%dma_wait3A_360 : memref<10240x128xf32, #tpu.memory_space<hbm>>) dst(%arg11 : memref<128x128xf32, #tpu.memory_space<vmem>>)
    %dma_wait3A_361 = arith.constant 14 : i32
    %dma_wait3A_362 = arith.constant 0 : i32
    %dma_wait3A_363 = tpu.memref_slice %arg7[%dma_wait3A_361, %dma_wait3A_362] : memref<16x128xi32, #tpu.memory_space<vmem>> -> memref<1x128xi32, #tpu.memory_space<vmem>>
    %dma_wait3A_364 = tpu.memref_squeeze %dma_wait3A_363 : memref<1x128xi32, #tpu.memory_space<vmem>> -> memref<128xi32, #tpu.memory_space<vmem>>
    %dma_wait3A_365 = arith.constant 0 : i32
    %dma_wait3A_366 = arith.constant 0 : i32
    %dma_wait3A_367 = tpu.memref_slice %arg12[%dma_wait3A_365, %dma_wait3A_366] : memref<10240x128xf32, #tpu.memory_space<vmem_shared>> -> memref<10240x128xf32, #tpu.memory_space<vmem_shared>>
    tpu.wait_indirect_dma semaphore(%arg15 : memref<!tpu.dma_semaphore, #tpu.memory_space<semaphore_mem>>) src(%arg10 : memref<128x128xf32, #tpu.memory_space<vmem>>) dst(%dma_wait3A_367 : memref<10240x128xf32, #tpu.memory_space<vmem_shared>>)
    %dma_start3A_368 = arith.constant 15 : i32
    %dma_start3A_369 = arith.constant 0 : i32
    %dma_start3A_370 = tpu.memref_slice %arg7[%dma_start3A_368, %dma_start3A_369] : memref<16x128xi32, #tpu.memory_space<vmem>> -> memref<1x128xi32, #tpu.memory_space<vmem>>
    %dma_start3A_371 = tpu.memref_squeeze %dma_start3A_370 : memref<1x128xi32, #tpu.memory_space<vmem>> -> memref<128xi32, #tpu.memory_space<vmem>>
    %dma_start3A_372 = arith.constant 0 : i32
    %dma_start3A_373 = arith.constant 0 : i32
    %dma_start3A_374 = tpu.memref_slice %arg12[%dma_start3A_372, %dma_start3A_373] : memref<10240x128xf32, #tpu.memory_space<vmem_shared>> -> memref<10240x128xf32, #tpu.memory_space<vmem_shared>>
    tpu.enqueue_indirect_dma source(%arg11 : memref<128x128xf32, #tpu.memory_space<vmem>>) target(%dma_start3A_374 : memref<10240x128xf32, #tpu.memory_space<vmem_shared>>) offsets(%dma_start3A_371 : memref<128xi32, #tpu.memory_space<vmem>>) semaphore(%arg16 : memref<!tpu.dma_semaphore, #tpu.memory_space<semaphore_mem>>) {add = true}
    %dma_wait3A_375 = arith.constant 15 : i32
    %dma_wait3A_376 = arith.constant 0 : i32
    %dma_wait3A_377 = tpu.memref_slice %arg7[%dma_wait3A_375, %dma_wait3A_376] : memref<16x128xi32, #tpu.memory_space<vmem>> -> memref<1x128xi32, #tpu.memory_space<vmem>>
    %dma_wait3A_378 = tpu.memref_squeeze %dma_wait3A_377 : memref<1x128xi32, #tpu.memory_space<vmem>> -> memref<128xi32, #tpu.memory_space<vmem>>
    %dma_wait3A_379 = arith.constant 0 : i32
    %dma_wait3A_380 = arith.constant 0 : i32
    %dma_wait3A_381 = tpu.memref_slice %arg12[%dma_wait3A_379, %dma_wait3A_380] : memref<10240x128xf32, #tpu.memory_space<vmem_shared>> -> memref<10240x128xf32, #tpu.memory_space<vmem_shared>>
    tpu.wait_indirect_dma semaphore(%arg16 : memref<!tpu.dma_semaphore, #tpu.memory_space<semaphore_mem>>) src(%arg11 : memref<128x128xf32, #tpu.memory_space<vmem>>) dst(%dma_wait3A_381 : memref<10240x128xf32, #tpu.memory_space<vmem_shared>>)
    %dma_wait3A_382 = arith.constant 48 : i32
    %dma_wait3A_383 = arith.constant 0 : i32
    %dma_wait3A_384 = tpu.memref_slice %arg3[%add3A, %dma_wait3A_382, %dma_wait3A_383] : memref<32x80x128xi32, #tpu.memory_space<hbm>> -> memref<1x16x128xi32, #tpu.memory_space<hbm>>
    %dma_wait3A_385 = tpu.memref_squeeze %dma_wait3A_384 : memref<1x16x128xi32, #tpu.memory_space<hbm>> -> memref<16x128xi32, #tpu.memory_space<hbm>>
    %dma_wait3A_386 = arith.constant 48 : i32
    %dma_wait3A_387 = arith.constant 0 : i32
    %dma_wait3A_388 = tpu.memref_slice %arg3[%add3A, %dma_wait3A_386, %dma_wait3A_387] : memref<32x80x128xi32, #tpu.memory_space<hbm>> -> memref<1x16x128xi32, #tpu.memory_space<hbm>>
    %dma_wait3A_389 = tpu.memref_squeeze %dma_wait3A_388 : memref<1x16x128xi32, #tpu.memory_space<hbm>> -> memref<16x128xi32, #tpu.memory_space<hbm>>
    tpu.wait_dma2 semaphore(%arg17 : memref<!tpu.dma_semaphore, #tpu.memory_space<semaphore_mem>>) src(%dma_wait3A_389 : memref<16x128xi32, #tpu.memory_space<hbm>>) dst(%arg8 : memref<16x128xi32, #tpu.memory_space<vmem>>)
    %dma_wait3A_390 = arith.constant 48 : i32
    %dma_wait3A_391 = arith.constant 0 : i32
    %dma_wait3A_392 = tpu.memref_slice %arg4[%add3A, %dma_wait3A_390, %dma_wait3A_391] : memref<32x80x128xi32, #tpu.memory_space<hbm>> -> memref<1x16x128xi32, #tpu.memory_space<hbm>>
    %dma_wait3A_393 = tpu.memref_squeeze %dma_wait3A_392 : memref<1x16x128xi32, #tpu.memory_space<hbm>> -> memref<16x128xi32, #tpu.memory_space<hbm>>
    %dma_wait3A_394 = arith.constant 48 : i32
    %dma_wait3A_395 = arith.constant 0 : i32
    %dma_wait3A_396 = tpu.memref_slice %arg4[%add3A, %dma_wait3A_394, %dma_wait3A_395] : memref<32x80x128xi32, #tpu.memory_space<hbm>> -> memref<1x16x128xi32, #tpu.memory_space<hbm>>
    %dma_wait3A_397 = tpu.memref_squeeze %dma_wait3A_396 : memref<1x16x128xi32, #tpu.memory_space<hbm>> -> memref<16x128xi32, #tpu.memory_space<hbm>>
    tpu.wait_dma2 semaphore(%arg18 : memref<!tpu.dma_semaphore, #tpu.memory_space<semaphore_mem>>) src(%dma_wait3A_397 : memref<16x128xi32, #tpu.memory_space<hbm>>) dst(%arg9 : memref<16x128xi32, #tpu.memory_space<vmem>>)
    %dma_start3A_398 = arith.constant 64 : i32
    %dma_start3A_399 = arith.constant 0 : i32
    %dma_start3A_400 = tpu.memref_slice %arg3[%add3A, %dma_start3A_398, %dma_start3A_399] : memref<32x80x128xi32, #tpu.memory_space<hbm>> -> memref<1x16x128xi32, #tpu.memory_space<hbm>>
    %dma_start3A_401 = tpu.memref_squeeze %dma_start3A_400 : memref<1x16x128xi32, #tpu.memory_space<hbm>> -> memref<16x128xi32, #tpu.memory_space<hbm>>
    %dma_start3A_402 = arith.constant 64 : i32
    %dma_start3A_403 = arith.constant 0 : i32
    %dma_start3A_404 = tpu.memref_slice %arg3[%add3A, %dma_start3A_402, %dma_start3A_403] : memref<32x80x128xi32, #tpu.memory_space<hbm>> -> memref<1x16x128xi32, #tpu.memory_space<hbm>>
    %dma_start3A_405 = tpu.memref_squeeze %dma_start3A_404 : memref<1x16x128xi32, #tpu.memory_space<hbm>> -> memref<16x128xi32, #tpu.memory_space<hbm>>
    tpu.enqueue_dma source(%dma_start3A_405 : memref<16x128xi32, #tpu.memory_space<hbm>>) target(%arg6 : memref<16x128xi32, #tpu.memory_space<vmem>>) target_semaphore(%arg17 : memref<!tpu.dma_semaphore, #tpu.memory_space<semaphore_mem>>)
    %dma_start3A_406 = arith.constant 64 : i32
    %dma_start3A_407 = arith.constant 0 : i32
    %dma_start3A_408 = tpu.memref_slice %arg4[%add3A, %dma_start3A_406, %dma_start3A_407] : memref<32x80x128xi32, #tpu.memory_space<hbm>> -> memref<1x16x128xi32, #tpu.memory_space<hbm>>
    %dma_start3A_409 = tpu.memref_squeeze %dma_start3A_408 : memref<1x16x128xi32, #tpu.memory_space<hbm>> -> memref<16x128xi32, #tpu.memory_space<hbm>>
    %dma_start3A_410 = arith.constant 64 : i32
    %dma_start3A_411 = arith.constant 0 : i32
    %dma_start3A_412 = tpu.memref_slice %arg4[%add3A, %dma_start3A_410, %dma_start3A_411] : memref<32x80x128xi32, #tpu.memory_space<hbm>> -> memref<1x16x128xi32, #tpu.memory_space<hbm>>
    %dma_start3A_413 = tpu.memref_squeeze %dma_start3A_412 : memref<1x16x128xi32, #tpu.memory_space<hbm>> -> memref<16x128xi32, #tpu.memory_space<hbm>>
    tpu.enqueue_dma source(%dma_start3A_413 : memref<16x128xi32, #tpu.memory_space<hbm>>) target(%arg7 : memref<16x128xi32, #tpu.memory_space<vmem>>) target_semaphore(%arg18 : memref<!tpu.dma_semaphore, #tpu.memory_space<semaphore_mem>>)
    %dma_start3A_414 = arith.constant 0 : i32
    %dma_start3A_415 = arith.constant 0 : i32
    %dma_start3A_416 = tpu.memref_slice %arg8[%dma_start3A_414, %dma_start3A_415] : memref<16x128xi32, #tpu.memory_space<vmem>> -> memref<1x128xi32, #tpu.memory_space<vmem>>
    %dma_start3A_417 = tpu.memref_squeeze %dma_start3A_416 : memref<1x128xi32, #tpu.memory_space<vmem>> -> memref<128xi32, #tpu.memory_space<vmem>>
    %dma_start3A_418 = arith.constant 0 : i32
    %dma_start3A_419 = arith.constant 0 : i32
    %dma_start3A_420 = tpu.memref_slice %arg2[%dma_start3A_418, %dma_start3A_419] : memref<10240x128xf32, #tpu.memory_space<hbm>> -> memref<10240x128xf32, #tpu.memory_space<hbm>>
    tpu.enqueue_indirect_dma source(%dma_start3A_420 : memref<10240x128xf32, #tpu.memory_space<hbm>>) target(%arg10 : memref<128x128xf32, #tpu.memory_space<vmem>>) offsets(%dma_start3A_417 : memref<128xi32, #tpu.memory_space<vmem>>) semaphore(%arg13 : memref<!tpu.dma_semaphore, #tpu.memory_space<semaphore_mem>>)
    %dma_start3A_421 = arith.constant 1 : i32
    %dma_start3A_422 = arith.constant 0 : i32
    %dma_start3A_423 = tpu.memref_slice %arg8[%dma_start3A_421, %dma_start3A_422] : memref<16x128xi32, #tpu.memory_space<vmem>> -> memref<1x128xi32, #tpu.memory_space<vmem>>
    %dma_start3A_424 = tpu.memref_squeeze %dma_start3A_423 : memref<1x128xi32, #tpu.memory_space<vmem>> -> memref<128xi32, #tpu.memory_space<vmem>>
    %dma_start3A_425 = arith.constant 0 : i32
    %dma_start3A_426 = arith.constant 0 : i32
    %dma_start3A_427 = tpu.memref_slice %arg2[%dma_start3A_425, %dma_start3A_426] : memref<10240x128xf32, #tpu.memory_space<hbm>> -> memref<10240x128xf32, #tpu.memory_space<hbm>>
    tpu.enqueue_indirect_dma source(%dma_start3A_427 : memref<10240x128xf32, #tpu.memory_space<hbm>>) target(%arg11 : memref<128x128xf32, #tpu.memory_space<vmem>>) offsets(%dma_start3A_424 : memref<128xi32, #tpu.memory_space<vmem>>) semaphore(%arg14 : memref<!tpu.dma_semaphore, #tpu.memory_space<semaphore_mem>>)
    %scan3A_428 = arith.constant 0 : i32
    %scan3A_429 = arith.constant 0 : i32
    %scan3A_430 = arith.constant 7 : i32
    %scan3A_431 = arith.addi %scan3A_429, %scan3A_430 : i32
    %scan3A_432 = arith.constant 1 : i32
    scf.for %scan3A_557 = %scan3A_429 to %scan3A_431 step %scan3A_432  : i32 {
      %mul3A_558 = arith.constant 2 : i32
      %mul3A_559 = arith.muli %mul3A_558, %scan3A_557 : i32
      %dma_wait3A_560 = arith.constant 0 : i32
      %dma_wait3A_561 = tpu.memref_slice %arg8[%mul3A_559, %dma_wait3A_560] : memref<16x128xi32, #tpu.memory_space<vmem>> -> memref<1x128xi32, #tpu.memory_space<vmem>>
      %dma_wait3A_562 = tpu.memref_squeeze %dma_wait3A_561 : memref<1x128xi32, #tpu.memory_space<vmem>> -> memref<128xi32, #tpu.memory_space<vmem>>
      %dma_wait3A_563 = arith.constant 0 : i32
      %dma_wait3A_564 = arith.constant 0 : i32
      %dma_wait3A_565 = tpu.memref_slice %arg2[%dma_wait3A_563, %dma_wait3A_564] : memref<10240x128xf32, #tpu.memory_space<hbm>> -> memref<10240x128xf32, #tpu.memory_space<hbm>>
      tpu.wait_indirect_dma semaphore(%arg13 : memref<!tpu.dma_semaphore, #tpu.memory_space<semaphore_mem>>) src(%dma_wait3A_565 : memref<10240x128xf32, #tpu.memory_space<hbm>>) dst(%arg10 : memref<128x128xf32, #tpu.memory_space<vmem>>)
      %dma_start3A_566 = arith.constant 0 : i32
      %dma_start3A_567 = tpu.memref_slice %arg9[%mul3A_559, %dma_start3A_566] : memref<16x128xi32, #tpu.memory_space<vmem>> -> memref<1x128xi32, #tpu.memory_space<vmem>>
      %dma_start3A_568 = tpu.memref_squeeze %dma_start3A_567 : memref<1x128xi32, #tpu.memory_space<vmem>> -> memref<128xi32, #tpu.memory_space<vmem>>
      %dma_start3A_569 = arith.constant 0 : i32
      %dma_start3A_570 = arith.constant 0 : i32
      %dma_start3A_571 = tpu.memref_slice %arg12[%dma_start3A_569, %dma_start3A_570] : memref<10240x128xf32, #tpu.memory_space<vmem_shared>> -> memref<10240x128xf32, #tpu.memory_space<vmem_shared>>
      tpu.enqueue_indirect_dma source(%arg10 : memref<128x128xf32, #tpu.memory_space<vmem>>) target(%dma_start3A_571 : memref<10240x128xf32, #tpu.memory_space<vmem_shared>>) offsets(%dma_start3A_568 : memref<128xi32, #tpu.memory_space<vmem>>) semaphore(%arg15 : memref<!tpu.dma_semaphore, #tpu.memory_space<semaphore_mem>>) {add = true}
      %add3A_572 = arith.constant 1 : i32
      %add3A_573 = arith.addi %mul3A_559, %add3A_572 : i32
      %dma_wait3A_574 = arith.constant 0 : i32
      %dma_wait3A_575 = tpu.memref_slice %arg8[%add3A_573, %dma_wait3A_574] : memref<16x128xi32, #tpu.memory_space<vmem>> -> memref<1x128xi32, #tpu.memory_space<vmem>>
      %dma_wait3A_576 = tpu.memref_squeeze %dma_wait3A_575 : memref<1x128xi32, #tpu.memory_space<vmem>> -> memref<128xi32, #tpu.memory_space<vmem>>
      %dma_wait3A_577 = arith.constant 0 : i32
      %dma_wait3A_578 = arith.constant 0 : i32
      %dma_wait3A_579 = tpu.memref_slice %arg2[%dma_wait3A_577, %dma_wait3A_578] : memref<10240x128xf32, #tpu.memory_space<hbm>> -> memref<10240x128xf32, #tpu.memory_space<hbm>>
      tpu.wait_indirect_dma semaphore(%arg14 : memref<!tpu.dma_semaphore, #tpu.memory_space<semaphore_mem>>) src(%dma_wait3A_579 : memref<10240x128xf32, #tpu.memory_space<hbm>>) dst(%arg11 : memref<128x128xf32, #tpu.memory_space<vmem>>)
      %dma_wait3A_580 = arith.constant 0 : i32
      %dma_wait3A_581 = tpu.memref_slice %arg9[%mul3A_559, %dma_wait3A_580] : memref<16x128xi32, #tpu.memory_space<vmem>> -> memref<1x128xi32, #tpu.memory_space<vmem>>
      %dma_wait3A_582 = tpu.memref_squeeze %dma_wait3A_581 : memref<1x128xi32, #tpu.memory_space<vmem>> -> memref<128xi32, #tpu.memory_space<vmem>>
      %dma_wait3A_583 = arith.constant 0 : i32
      %dma_wait3A_584 = arith.constant 0 : i32
      %dma_wait3A_585 = tpu.memref_slice %arg12[%dma_wait3A_583, %dma_wait3A_584] : memref<10240x128xf32, #tpu.memory_space<vmem_shared>> -> memref<10240x128xf32, #tpu.memory_space<vmem_shared>>
      tpu.wait_indirect_dma semaphore(%arg15 : memref<!tpu.dma_semaphore, #tpu.memory_space<semaphore_mem>>) src(%arg10 : memref<128x128xf32, #tpu.memory_space<vmem>>) dst(%dma_wait3A_585 : memref<10240x128xf32, #tpu.memory_space<vmem_shared>>)
      %add3A_586 = arith.constant 2 : i32
      %add3A_587 = arith.addi %mul3A_559, %add3A_586 : i32
      %dma_start3A_588 = arith.constant 0 : i32
      %dma_start3A_589 = tpu.memref_slice %arg8[%add3A_587, %dma_start3A_588] : memref<16x128xi32, #tpu.memory_space<vmem>> -> memref<1x128xi32, #tpu.memory_space<vmem>>
      %dma_start3A_590 = tpu.memref_squeeze %dma_start3A_589 : memref<1x128xi32, #tpu.memory_space<vmem>> -> memref<128xi32, #tpu.memory_space<vmem>>
      %dma_start3A_591 = arith.constant 0 : i32
      %dma_start3A_592 = arith.constant 0 : i32
      %dma_start3A_593 = tpu.memref_slice %arg2[%dma_start3A_591, %dma_start3A_592] : memref<10240x128xf32, #tpu.memory_space<hbm>> -> memref<10240x128xf32, #tpu.memory_space<hbm>>
      tpu.enqueue_indirect_dma source(%dma_start3A_593 : memref<10240x128xf32, #tpu.memory_space<hbm>>) target(%arg10 : memref<128x128xf32, #tpu.memory_space<vmem>>) offsets(%dma_start3A_590 : memref<128xi32, #tpu.memory_space<vmem>>) semaphore(%arg13 : memref<!tpu.dma_semaphore, #tpu.memory_space<semaphore_mem>>)
      %add3A_594 = arith.constant 1 : i32
      %add3A_595 = arith.addi %mul3A_559, %add3A_594 : i32
      %dma_start3A_596 = arith.constant 0 : i32
      %dma_start3A_597 = tpu.memref_slice %arg9[%add3A_595, %dma_start3A_596] : memref<16x128xi32, #tpu.memory_space<vmem>> -> memref<1x128xi32, #tpu.memory_space<vmem>>
      %dma_start3A_598 = tpu.memref_squeeze %dma_start3A_597 : memref<1x128xi32, #tpu.memory_space<vmem>> -> memref<128xi32, #tpu.memory_space<vmem>>
      %dma_start3A_599 = arith.constant 0 : i32
      %dma_start3A_600 = arith.constant 0 : i32
      %dma_start3A_601 = tpu.memref_slice %arg12[%dma_start3A_599, %dma_start3A_600] : memref<10240x128xf32, #tpu.memory_space<vmem_shared>> -> memref<10240x128xf32, #tpu.memory_space<vmem_shared>>
      tpu.enqueue_indirect_dma source(%arg11 : memref<128x128xf32, #tpu.memory_space<vmem>>) target(%dma_start3A_601 : memref<10240x128xf32, #tpu.memory_space<vmem_shared>>) offsets(%dma_start3A_598 : memref<128xi32, #tpu.memory_space<vmem>>) semaphore(%arg16 : memref<!tpu.dma_semaphore, #tpu.memory_space<semaphore_mem>>) {add = true}
      %add3A_602 = arith.constant 1 : i32
      %add3A_603 = arith.addi %mul3A_559, %add3A_602 : i32
      %dma_wait3A_604 = arith.constant 0 : i32
      %dma_wait3A_605 = tpu.memref_slice %arg9[%add3A_603, %dma_wait3A_604] : memref<16x128xi32, #tpu.memory_space<vmem>> -> memref<1x128xi32, #tpu.memory_space<vmem>>
      %dma_wait3A_606 = tpu.memref_squeeze %dma_wait3A_605 : memref<1x128xi32, #tpu.memory_space<vmem>> -> memref<128xi32, #tpu.memory_space<vmem>>
      %dma_wait3A_607 = arith.constant 0 : i32
      %dma_wait3A_608 = arith.constant 0 : i32
      %dma_wait3A_609 = tpu.memref_slice %arg12[%dma_wait3A_607, %dma_wait3A_608] : memref<10240x128xf32, #tpu.memory_space<vmem_shared>> -> memref<10240x128xf32, #tpu.memory_space<vmem_shared>>
      tpu.wait_indirect_dma semaphore(%arg16 : memref<!tpu.dma_semaphore, #tpu.memory_space<semaphore_mem>>) src(%arg11 : memref<128x128xf32, #tpu.memory_space<vmem>>) dst(%dma_wait3A_609 : memref<10240x128xf32, #tpu.memory_space<vmem_shared>>)
      %add3A_610 = arith.constant 3 : i32
      %add3A_611 = arith.addi %mul3A_559, %add3A_610 : i32
      %dma_start3A_612 = arith.constant 0 : i32
      %dma_start3A_613 = tpu.memref_slice %arg8[%add3A_611, %dma_start3A_612] : memref<16x128xi32, #tpu.memory_space<vmem>> -> memref<1x128xi32, #tpu.memory_space<vmem>>
      %dma_start3A_614 = tpu.memref_squeeze %dma_start3A_613 : memref<1x128xi32, #tpu.memory_space<vmem>> -> memref<128xi32, #tpu.memory_space<vmem>>
      %dma_start3A_615 = arith.constant 0 : i32
      %dma_start3A_616 = arith.constant 0 : i32
      %dma_start3A_617 = tpu.memref_slice %arg2[%dma_start3A_615, %dma_start3A_616] : memref<10240x128xf32, #tpu.memory_space<hbm>> -> memref<10240x128xf32, #tpu.memory_space<hbm>>
      tpu.enqueue_indirect_dma source(%dma_start3A_617 : memref<10240x128xf32, #tpu.memory_space<hbm>>) target(%arg11 : memref<128x128xf32, #tpu.memory_space<vmem>>) offsets(%dma_start3A_614 : memref<128xi32, #tpu.memory_space<vmem>>) semaphore(%arg14 : memref<!tpu.dma_semaphore, #tpu.memory_space<semaphore_mem>>)
    }
    %scan3A_433 = arith.constant 7 : i32
    %dma_wait3A_434 = arith.constant 14 : i32
    %dma_wait3A_435 = arith.constant 0 : i32
    %dma_wait3A_436 = tpu.memref_slice %arg8[%dma_wait3A_434, %dma_wait3A_435] : memref<16x128xi32, #tpu.memory_space<vmem>> -> memref<1x128xi32, #tpu.memory_space<vmem>>
    %dma_wait3A_437 = tpu.memref_squeeze %dma_wait3A_436 : memref<1x128xi32, #tpu.memory_space<vmem>> -> memref<128xi32, #tpu.memory_space<vmem>>
    %dma_wait3A_438 = arith.constant 0 : i32
    %dma_wait3A_439 = arith.constant 0 : i32
    %dma_wait3A_440 = tpu.memref_slice %arg2[%dma_wait3A_438, %dma_wait3A_439] : memref<10240x128xf32, #tpu.memory_space<hbm>> -> memref<10240x128xf32, #tpu.memory_space<hbm>>
    tpu.wait_indirect_dma semaphore(%arg13 : memref<!tpu.dma_semaphore, #tpu.memory_space<semaphore_mem>>) src(%dma_wait3A_440 : memref<10240x128xf32, #tpu.memory_space<hbm>>) dst(%arg10 : memref<128x128xf32, #tpu.memory_space<vmem>>)
    %dma_start3A_441 = arith.constant 14 : i32
    %dma_start3A_442 = arith.constant 0 : i32
    %dma_start3A_443 = tpu.memref_slice %arg9[%dma_start3A_441, %dma_start3A_442] : memref<16x128xi32, #tpu.memory_space<vmem>> -> memref<1x128xi32, #tpu.memory_space<vmem>>
    %dma_start3A_444 = tpu.memref_squeeze %dma_start3A_443 : memref<1x128xi32, #tpu.memory_space<vmem>> -> memref<128xi32, #tpu.memory_space<vmem>>
    %dma_start3A_445 = arith.constant 0 : i32
    %dma_start3A_446 = arith.constant 0 : i32
    %dma_start3A_447 = tpu.memref_slice %arg12[%dma_start3A_445, %dma_start3A_446] : memref<10240x128xf32, #tpu.memory_space<vmem_shared>> -> memref<10240x128xf32, #tpu.memory_space<vmem_shared>>
    tpu.enqueue_indirect_dma source(%arg10 : memref<128x128xf32, #tpu.memory_space<vmem>>) target(%dma_start3A_447 : memref<10240x128xf32, #tpu.memory_space<vmem_shared>>) offsets(%dma_start3A_444 : memref<128xi32, #tpu.memory_space<vmem>>) semaphore(%arg15 : memref<!tpu.dma_semaphore, #tpu.memory_space<semaphore_mem>>) {add = true}
    %dma_wait3A_448 = arith.constant 15 : i32
    %dma_wait3A_449 = arith.constant 0 : i32
    %dma_wait3A_450 = tpu.memref_slice %arg8[%dma_wait3A_448, %dma_wait3A_449] : memref<16x128xi32, #tpu.memory_space<vmem>> -> memref<1x128xi32, #tpu.memory_space<vmem>>
    %dma_wait3A_451 = tpu.memref_squeeze %dma_wait3A_450 : memref<1x128xi32, #tpu.memory_space<vmem>> -> memref<128xi32, #tpu.memory_space<vmem>>
    %dma_wait3A_452 = arith.constant 0 : i32
    %dma_wait3A_453 = arith.constant 0 : i32
    %dma_wait3A_454 = tpu.memref_slice %arg2[%dma_wait3A_452, %dma_wait3A_453] : memref<10240x128xf32, #tpu.memory_space<hbm>> -> memref<10240x128xf32, #tpu.memory_space<hbm>>
    tpu.wait_indirect_dma semaphore(%arg14 : memref<!tpu.dma_semaphore, #tpu.memory_space<semaphore_mem>>) src(%dma_wait3A_454 : memref<10240x128xf32, #tpu.memory_space<hbm>>) dst(%arg11 : memref<128x128xf32, #tpu.memory_space<vmem>>)
    %dma_wait3A_455 = arith.constant 14 : i32
    %dma_wait3A_456 = arith.constant 0 : i32
    %dma_wait3A_457 = tpu.memref_slice %arg9[%dma_wait3A_455, %dma_wait3A_456] : memref<16x128xi32, #tpu.memory_space<vmem>> -> memref<1x128xi32, #tpu.memory_space<vmem>>
    %dma_wait3A_458 = tpu.memref_squeeze %dma_wait3A_457 : memref<1x128xi32, #tpu.memory_space<vmem>> -> memref<128xi32, #tpu.memory_space<vmem>>
    %dma_wait3A_459 = arith.constant 0 : i32
    %dma_wait3A_460 = arith.constant 0 : i32
    %dma_wait3A_461 = tpu.memref_slice %arg12[%dma_wait3A_459, %dma_wait3A_460] : memref<10240x128xf32, #tpu.memory_space<vmem_shared>> -> memref<10240x128xf32, #tpu.memory_space<vmem_shared>>
    tpu.wait_indirect_dma semaphore(%arg15 : memref<!tpu.dma_semaphore, #tpu.memory_space<semaphore_mem>>) src(%arg10 : memref<128x128xf32, #tpu.memory_space<vmem>>) dst(%dma_wait3A_461 : memref<10240x128xf32, #tpu.memory_space<vmem_shared>>)
    %dma_start3A_462 = arith.constant 15 : i32
    %dma_start3A_463 = arith.constant 0 : i32
    %dma_start3A_464 = tpu.memref_slice %arg9[%dma_start3A_462, %dma_start3A_463] : memref<16x128xi32, #tpu.memory_space<vmem>> -> memref<1x128xi32, #tpu.memory_space<vmem>>
    %dma_start3A_465 = tpu.memref_squeeze %dma_start3A_464 : memref<1x128xi32, #tpu.memory_space<vmem>> -> memref<128xi32, #tpu.memory_space<vmem>>
    %dma_start3A_466 = arith.constant 0 : i32
    %dma_start3A_467 = arith.constant 0 : i32
    %dma_start3A_468 = tpu.memref_slice %arg12[%dma_start3A_466, %dma_start3A_467] : memref<10240x128xf32, #tpu.memory_space<vmem_shared>> -> memref<10240x128xf32, #tpu.memory_space<vmem_shared>>
    tpu.enqueue_indirect_dma source(%arg11 : memref<128x128xf32, #tpu.memory_space<vmem>>) target(%dma_start3A_468 : memref<10240x128xf32, #tpu.memory_space<vmem_shared>>) offsets(%dma_start3A_465 : memref<128xi32, #tpu.memory_space<vmem>>) semaphore(%arg16 : memref<!tpu.dma_semaphore, #tpu.memory_space<semaphore_mem>>) {add = true}
    %dma_wait3A_469 = arith.constant 15 : i32
    %dma_wait3A_470 = arith.constant 0 : i32
    %dma_wait3A_471 = tpu.memref_slice %arg9[%dma_wait3A_469, %dma_wait3A_470] : memref<16x128xi32, #tpu.memory_space<vmem>> -> memref<1x128xi32, #tpu.memory_space<vmem>>
    %dma_wait3A_472 = tpu.memref_squeeze %dma_wait3A_471 : memref<1x128xi32, #tpu.memory_space<vmem>> -> memref<128xi32, #tpu.memory_space<vmem>>
    %dma_wait3A_473 = arith.constant 0 : i32
    %dma_wait3A_474 = arith.constant 0 : i32
    %dma_wait3A_475 = tpu.memref_slice %arg12[%dma_wait3A_473, %dma_wait3A_474] : memref<10240x128xf32, #tpu.memory_space<vmem_shared>> -> memref<10240x128xf32, #tpu.memory_space<vmem_shared>>
    tpu.wait_indirect_dma semaphore(%arg16 : memref<!tpu.dma_semaphore, #tpu.memory_space<semaphore_mem>>) src(%arg11 : memref<128x128xf32, #tpu.memory_space<vmem>>) dst(%dma_wait3A_475 : memref<10240x128xf32, #tpu.memory_space<vmem_shared>>)
    %dma_wait3A_476 = arith.constant 64 : i32
    %dma_wait3A_477 = arith.constant 0 : i32
    %dma_wait3A_478 = tpu.memref_slice %arg3[%add3A, %dma_wait3A_476, %dma_wait3A_477] : memref<32x80x128xi32, #tpu.memory_space<hbm>> -> memref<1x16x128xi32, #tpu.memory_space<hbm>>
    %dma_wait3A_479 = tpu.memref_squeeze %dma_wait3A_478 : memref<1x16x128xi32, #tpu.memory_space<hbm>> -> memref<16x128xi32, #tpu.memory_space<hbm>>
    %dma_wait3A_480 = arith.constant 64 : i32
    %dma_wait3A_481 = arith.constant 0 : i32
    %dma_wait3A_482 = tpu.memref_slice %arg3[%add3A, %dma_wait3A_480, %dma_wait3A_481] : memref<32x80x128xi32, #tpu.memory_space<hbm>> -> memref<1x16x128xi32, #tpu.memory_space<hbm>>
    %dma_wait3A_483 = tpu.memref_squeeze %dma_wait3A_482 : memref<1x16x128xi32, #tpu.memory_space<hbm>> -> memref<16x128xi32, #tpu.memory_space<hbm>>
    tpu.wait_dma2 semaphore(%arg17 : memref<!tpu.dma_semaphore, #tpu.memory_space<semaphore_mem>>) src(%dma_wait3A_483 : memref<16x128xi32, #tpu.memory_space<hbm>>) dst(%arg6 : memref<16x128xi32, #tpu.memory_space<vmem>>)
    %dma_wait3A_484 = arith.constant 64 : i32
    %dma_wait3A_485 = arith.constant 0 : i32
    %dma_wait3A_486 = tpu.memref_slice %arg4[%add3A, %dma_wait3A_484, %dma_wait3A_485] : memref<32x80x128xi32, #tpu.memory_space<hbm>> -> memref<1x16x128xi32, #tpu.memory_space<hbm>>
    %dma_wait3A_487 = tpu.memref_squeeze %dma_wait3A_486 : memref<1x16x128xi32, #tpu.memory_space<hbm>> -> memref<16x128xi32, #tpu.memory_space<hbm>>
    %dma_wait3A_488 = arith.constant 64 : i32
    %dma_wait3A_489 = arith.constant 0 : i32
    %dma_wait3A_490 = tpu.memref_slice %arg4[%add3A, %dma_wait3A_488, %dma_wait3A_489] : memref<32x80x128xi32, #tpu.memory_space<hbm>> -> memref<1x16x128xi32, #tpu.memory_space<hbm>>
    %dma_wait3A_491 = tpu.memref_squeeze %dma_wait3A_490 : memref<1x16x128xi32, #tpu.memory_space<hbm>> -> memref<16x128xi32, #tpu.memory_space<hbm>>
    tpu.wait_dma2 semaphore(%arg18 : memref<!tpu.dma_semaphore, #tpu.memory_space<semaphore_mem>>) src(%dma_wait3A_491 : memref<16x128xi32, #tpu.memory_space<hbm>>) dst(%arg7 : memref<16x128xi32, #tpu.memory_space<vmem>>)
    %dma_start3A_492 = arith.constant 0 : i32
    %dma_start3A_493 = arith.constant 0 : i32
    %dma_start3A_494 = tpu.memref_slice %arg6[%dma_start3A_492, %dma_start3A_493] : memref<16x128xi32, #tpu.memory_space<vmem>> -> memref<1x128xi32, #tpu.memory_space<vmem>>
    %dma_start3A_495 = tpu.memref_squeeze %dma_start3A_494 : memref<1x128xi32, #tpu.memory_space<vmem>> -> memref<128xi32, #tpu.memory_space<vmem>>
    %dma_start3A_496 = arith.constant 0 : i32
    %dma_start3A_497 = arith.constant 0 : i32
    %dma_start3A_498 = tpu.memref_slice %arg2[%dma_start3A_496, %dma_start3A_497] : memref<10240x128xf32, #tpu.memory_space<hbm>> -> memref<10240x128xf32, #tpu.memory_space<hbm>>
    tpu.enqueue_indirect_dma source(%dma_start3A_498 : memref<10240x128xf32, #tpu.memory_space<hbm>>) target(%arg10 : memref<128x128xf32, #tpu.memory_space<vmem>>) offsets(%dma_start3A_495 : memref<128xi32, #tpu.memory_space<vmem>>) semaphore(%arg13 : memref<!tpu.dma_semaphore, #tpu.memory_space<semaphore_mem>>)
    %dma_start3A_499 = arith.constant 1 : i32
    %dma_start3A_500 = arith.constant 0 : i32
    %dma_start3A_501 = tpu.memref_slice %arg6[%dma_start3A_499, %dma_start3A_500] : memref<16x128xi32, #tpu.memory_space<vmem>> -> memref<1x128xi32, #tpu.memory_space<vmem>>
    %dma_start3A_502 = tpu.memref_squeeze %dma_start3A_501 : memref<1x128xi32, #tpu.memory_space<vmem>> -> memref<128xi32, #tpu.memory_space<vmem>>
    %dma_start3A_503 = arith.constant 0 : i32
    %dma_start3A_504 = arith.constant 0 : i32
    %dma_start3A_505 = tpu.memref_slice %arg2[%dma_start3A_503, %dma_start3A_504] : memref<10240x128xf32, #tpu.memory_space<hbm>> -> memref<10240x128xf32, #tpu.memory_space<hbm>>
    tpu.enqueue_indirect_dma source(%dma_start3A_505 : memref<10240x128xf32, #tpu.memory_space<hbm>>) target(%arg11 : memref<128x128xf32, #tpu.memory_space<vmem>>) offsets(%dma_start3A_502 : memref<128xi32, #tpu.memory_space<vmem>>) semaphore(%arg14 : memref<!tpu.dma_semaphore, #tpu.memory_space<semaphore_mem>>)
    %scan3A_506 = arith.constant 0 : i32
    %scan3A_507 = arith.constant 0 : i32
    %scan3A_508 = arith.constant 7 : i32
    %scan3A_509 = arith.addi %scan3A_507, %scan3A_508 : i32
    %scan3A_510 = arith.constant 1 : i32
    scf.for %scan3A_557 = %scan3A_507 to %scan3A_509 step %scan3A_510  : i32 {
      %mul3A_558 = arith.constant 2 : i32
      %mul3A_559 = arith.muli %mul3A_558, %scan3A_557 : i32
      %dma_wait3A_560 = arith.constant 0 : i32
      %dma_wait3A_561 = tpu.memref_slice %arg6[%mul3A_559, %dma_wait3A_560] : memref<16x128xi32, #tpu.memory_space<vmem>> -> memref<1x128xi32, #tpu.memory_space<vmem>>
      %dma_wait3A_562 = tpu.memref_squeeze %dma_wait3A_561 : memref<1x128xi32, #tpu.memory_space<vmem>> -> memref<128xi32, #tpu.memory_space<vmem>>
      %dma_wait3A_563 = arith.constant 0 : i32
      %dma_wait3A_564 = arith.constant 0 : i32
      %dma_wait3A_565 = tpu.memref_slice %arg2[%dma_wait3A_563, %dma_wait3A_564] : memref<10240x128xf32, #tpu.memory_space<hbm>> -> memref<10240x128xf32, #tpu.memory_space<hbm>>
      tpu.wait_indirect_dma semaphore(%arg13 : memref<!tpu.dma_semaphore, #tpu.memory_space<semaphore_mem>>) src(%dma_wait3A_565 : memref<10240x128xf32, #tpu.memory_space<hbm>>) dst(%arg10 : memref<128x128xf32, #tpu.memory_space<vmem>>)
      %dma_start3A_566 = arith.constant 0 : i32
      %dma_start3A_567 = tpu.memref_slice %arg7[%mul3A_559, %dma_start3A_566] : memref<16x128xi32, #tpu.memory_space<vmem>> -> memref<1x128xi32, #tpu.memory_space<vmem>>
      %dma_start3A_568 = tpu.memref_squeeze %dma_start3A_567 : memref<1x128xi32, #tpu.memory_space<vmem>> -> memref<128xi32, #tpu.memory_space<vmem>>
      %dma_start3A_569 = arith.constant 0 : i32
      %dma_start3A_570 = arith.constant 0 : i32
      %dma_start3A_571 = tpu.memref_slice %arg12[%dma_start3A_569, %dma_start3A_570] : memref<10240x128xf32, #tpu.memory_space<vmem_shared>> -> memref<10240x128xf32, #tpu.memory_space<vmem_shared>>
      tpu.enqueue_indirect_dma source(%arg10 : memref<128x128xf32, #tpu.memory_space<vmem>>) target(%dma_start3A_571 : memref<10240x128xf32, #tpu.memory_space<vmem_shared>>) offsets(%dma_start3A_568 : memref<128xi32, #tpu.memory_space<vmem>>) semaphore(%arg15 : memref<!tpu.dma_semaphore, #tpu.memory_space<semaphore_mem>>) {add = true}
      %add3A_572 = arith.constant 1 : i32
      %add3A_573 = arith.addi %mul3A_559, %add3A_572 : i32
      %dma_wait3A_574 = arith.constant 0 : i32
      %dma_wait3A_575 = tpu.memref_slice %arg6[%add3A_573, %dma_wait3A_574] : memref<16x128xi32, #tpu.memory_space<vmem>> -> memref<1x128xi32, #tpu.memory_space<vmem>>
      %dma_wait3A_576 = tpu.memref_squeeze %dma_wait3A_575 : memref<1x128xi32, #tpu.memory_space<vmem>> -> memref<128xi32, #tpu.memory_space<vmem>>
      %dma_wait3A_577 = arith.constant 0 : i32
      %dma_wait3A_578 = arith.constant 0 : i32
      %dma_wait3A_579 = tpu.memref_slice %arg2[%dma_wait3A_577, %dma_wait3A_578] : memref<10240x128xf32, #tpu.memory_space<hbm>> -> memref<10240x128xf32, #tpu.memory_space<hbm>>
      tpu.wait_indirect_dma semaphore(%arg14 : memref<!tpu.dma_semaphore, #tpu.memory_space<semaphore_mem>>) src(%dma_wait3A_579 : memref<10240x128xf32, #tpu.memory_space<hbm>>) dst(%arg11 : memref<128x128xf32, #tpu.memory_space<vmem>>)
      %dma_wait3A_580 = arith.constant 0 : i32
      %dma_wait3A_581 = tpu.memref_slice %arg7[%mul3A_559, %dma_wait3A_580] : memref<16x128xi32, #tpu.memory_space<vmem>> -> memref<1x128xi32, #tpu.memory_space<vmem>>
      %dma_wait3A_582 = tpu.memref_squeeze %dma_wait3A_581 : memref<1x128xi32, #tpu.memory_space<vmem>> -> memref<128xi32, #tpu.memory_space<vmem>>
      %dma_wait3A_583 = arith.constant 0 : i32
      %dma_wait3A_584 = arith.constant 0 : i32
      %dma_wait3A_585 = tpu.memref_slice %arg12[%dma_wait3A_583, %dma_wait3A_584] : memref<10240x128xf32, #tpu.memory_space<vmem_shared>> -> memref<10240x128xf32, #tpu.memory_space<vmem_shared>>
      tpu.wait_indirect_dma semaphore(%arg15 : memref<!tpu.dma_semaphore, #tpu.memory_space<semaphore_mem>>) src(%arg10 : memref<128x128xf32, #tpu.memory_space<vmem>>) dst(%dma_wait3A_585 : memref<10240x128xf32, #tpu.memory_space<vmem_shared>>)
      %add3A_586 = arith.constant 2 : i32
      %add3A_587 = arith.addi %mul3A_559, %add3A_586 : i32
      %dma_start3A_588 = arith.constant 0 : i32
      %dma_start3A_589 = tpu.memref_slice %arg6[%add3A_587, %dma_start3A_588] : memref<16x128xi32, #tpu.memory_space<vmem>> -> memref<1x128xi32, #tpu.memory_space<vmem>>
      %dma_start3A_590 = tpu.memref_squeeze %dma_start3A_589 : memref<1x128xi32, #tpu.memory_space<vmem>> -> memref<128xi32, #tpu.memory_space<vmem>>
      %dma_start3A_591 = arith.constant 0 : i32
      %dma_start3A_592 = arith.constant 0 : i32
      %dma_start3A_593 = tpu.memref_slice %arg2[%dma_start3A_591, %dma_start3A_592] : memref<10240x128xf32, #tpu.memory_space<hbm>> -> memref<10240x128xf32, #tpu.memory_space<hbm>>
      tpu.enqueue_indirect_dma source(%dma_start3A_593 : memref<10240x128xf32, #tpu.memory_space<hbm>>) target(%arg10 : memref<128x128xf32, #tpu.memory_space<vmem>>) offsets(%dma_start3A_590 : memref<128xi32, #tpu.memory_space<vmem>>) semaphore(%arg13 : memref<!tpu.dma_semaphore, #tpu.memory_space<semaphore_mem>>)
      %add3A_594 = arith.constant 1 : i32
      %add3A_595 = arith.addi %mul3A_559, %add3A_594 : i32
      %dma_start3A_596 = arith.constant 0 : i32
      %dma_start3A_597 = tpu.memref_slice %arg7[%add3A_595, %dma_start3A_596] : memref<16x128xi32, #tpu.memory_space<vmem>> -> memref<1x128xi32, #tpu.memory_space<vmem>>
      %dma_start3A_598 = tpu.memref_squeeze %dma_start3A_597 : memref<1x128xi32, #tpu.memory_space<vmem>> -> memref<128xi32, #tpu.memory_space<vmem>>
      %dma_start3A_599 = arith.constant 0 : i32
      %dma_start3A_600 = arith.constant 0 : i32
      %dma_start3A_601 = tpu.memref_slice %arg12[%dma_start3A_599, %dma_start3A_600] : memref<10240x128xf32, #tpu.memory_space<vmem_shared>> -> memref<10240x128xf32, #tpu.memory_space<vmem_shared>>
      tpu.enqueue_indirect_dma source(%arg11 : memref<128x128xf32, #tpu.memory_space<vmem>>) target(%dma_start3A_601 : memref<10240x128xf32, #tpu.memory_space<vmem_shared>>) offsets(%dma_start3A_598 : memref<128xi32, #tpu.memory_space<vmem>>) semaphore(%arg16 : memref<!tpu.dma_semaphore, #tpu.memory_space<semaphore_mem>>) {add = true}
      %add3A_602 = arith.constant 1 : i32
      %add3A_603 = arith.addi %mul3A_559, %add3A_602 : i32
      %dma_wait3A_604 = arith.constant 0 : i32
      %dma_wait3A_605 = tpu.memref_slice %arg7[%add3A_603, %dma_wait3A_604] : memref<16x128xi32, #tpu.memory_space<vmem>> -> memref<1x128xi32, #tpu.memory_space<vmem>>
      %dma_wait3A_606 = tpu.memref_squeeze %dma_wait3A_605 : memref<1x128xi32, #tpu.memory_space<vmem>> -> memref<128xi32, #tpu.memory_space<vmem>>
      %dma_wait3A_607 = arith.constant 0 : i32
      %dma_wait3A_608 = arith.constant 0 : i32
      %dma_wait3A_609 = tpu.memref_slice %arg12[%dma_wait3A_607, %dma_wait3A_608] : memref<10240x128xf32, #tpu.memory_space<vmem_shared>> -> memref<10240x128xf32, #tpu.memory_space<vmem_shared>>
      tpu.wait_indirect_dma semaphore(%arg16 : memref<!tpu.dma_semaphore, #tpu.memory_space<semaphore_mem>>) src(%arg11 : memref<128x128xf32, #tpu.memory_space<vmem>>) dst(%dma_wait3A_609 : memref<10240x128xf32, #tpu.memory_space<vmem_shared>>)
      %add3A_610 = arith.constant 3 : i32
      %add3A_611 = arith.addi %mul3A_559, %add3A_610 : i32
      %dma_start3A_612 = arith.constant 0 : i32
      %dma_start3A_613 = tpu.memref_slice %arg6[%add3A_611, %dma_start3A_612] : memref<16x128xi32, #tpu.memory_space<vmem>> -> memref<1x128xi32, #tpu.memory_space<vmem>>
      %dma_start3A_614 = tpu.memref_squeeze %dma_start3A_613 : memref<1x128xi32, #tpu.memory_space<vmem>> -> memref<128xi32, #tpu.memory_space<vmem>>
      %dma_start3A_615 = arith.constant 0 : i32
      %dma_start3A_616 = arith.constant 0 : i32
      %dma_start3A_617 = tpu.memref_slice %arg2[%dma_start3A_615, %dma_start3A_616] : memref<10240x128xf32, #tpu.memory_space<hbm>> -> memref<10240x128xf32, #tpu.memory_space<hbm>>
      tpu.enqueue_indirect_dma source(%dma_start3A_617 : memref<10240x128xf32, #tpu.memory_space<hbm>>) target(%arg11 : memref<128x128xf32, #tpu.memory_space<vmem>>) offsets(%dma_start3A_614 : memref<128xi32, #tpu.memory_space<vmem>>) semaphore(%arg14 : memref<!tpu.dma_semaphore, #tpu.memory_space<semaphore_mem>>)
    }
    %scan3A_511 = arith.constant 7 : i32
    %dma_wait3A_512 = arith.constant 14 : i32
    %dma_wait3A_513 = arith.constant 0 : i32
    %dma_wait3A_514 = tpu.memref_slice %arg6[%dma_wait3A_512, %dma_wait3A_513] : memref<16x128xi32, #tpu.memory_space<vmem>> -> memref<1x128xi32, #tpu.memory_space<vmem>>
    %dma_wait3A_515 = tpu.memref_squeeze %dma_wait3A_514 : memref<1x128xi32, #tpu.memory_space<vmem>> -> memref<128xi32, #tpu.memory_space<vmem>>
    %dma_wait3A_516 = arith.constant 0 : i32
    %dma_wait3A_517 = arith.constant 0 : i32
    %dma_wait3A_518 = tpu.memref_slice %arg2[%dma_wait3A_516, %dma_wait3A_517] : memref<10240x128xf32, #tpu.memory_space<hbm>> -> memref<10240x128xf32, #tpu.memory_space<hbm>>
    tpu.wait_indirect_dma semaphore(%arg13 : memref<!tpu.dma_semaphore, #tpu.memory_space<semaphore_mem>>) src(%dma_wait3A_518 : memref<10240x128xf32, #tpu.memory_space<hbm>>) dst(%arg10 : memref<128x128xf32, #tpu.memory_space<vmem>>)
    %dma_start3A_519 = arith.constant 14 : i32
    %dma_start3A_520 = arith.constant 0 : i32
    %dma_start3A_521 = tpu.memref_slice %arg7[%dma_start3A_519, %dma_start3A_520] : memref<16x128xi32, #tpu.memory_space<vmem>> -> memref<1x128xi32, #tpu.memory_space<vmem>>
    %dma_start3A_522 = tpu.memref_squeeze %dma_start3A_521 : memref<1x128xi32, #tpu.memory_space<vmem>> -> memref<128xi32, #tpu.memory_space<vmem>>
    %dma_start3A_523 = arith.constant 0 : i32
    %dma_start3A_524 = arith.constant 0 : i32
    %dma_start3A_525 = tpu.memref_slice %arg12[%dma_start3A_523, %dma_start3A_524] : memref<10240x128xf32, #tpu.memory_space<vmem_shared>> -> memref<10240x128xf32, #tpu.memory_space<vmem_shared>>
    tpu.enqueue_indirect_dma source(%arg10 : memref<128x128xf32, #tpu.memory_space<vmem>>) target(%dma_start3A_525 : memref<10240x128xf32, #tpu.memory_space<vmem_shared>>) offsets(%dma_start3A_522 : memref<128xi32, #tpu.memory_space<vmem>>) semaphore(%arg15 : memref<!tpu.dma_semaphore, #tpu.memory_space<semaphore_mem>>) {add = true}
    %dma_wait3A_526 = arith.constant 15 : i32
    %dma_wait3A_527 = arith.constant 0 : i32
    %dma_wait3A_528 = tpu.memref_slice %arg6[%dma_wait3A_526, %dma_wait3A_527] : memref<16x128xi32, #tpu.memory_space<vmem>> -> memref<1x128xi32, #tpu.memory_space<vmem>>
    %dma_wait3A_529 = tpu.memref_squeeze %dma_wait3A_528 : memref<1x128xi32, #tpu.memory_space<vmem>> -> memref<128xi32, #tpu.memory_space<vmem>>
    %dma_wait3A_530 = arith.constant 0 : i32
    %dma_wait3A_531 = arith.constant 0 : i32
    %dma_wait3A_532 = tpu.memref_slice %arg2[%dma_wait3A_530, %dma_wait3A_531] : memref<10240x128xf32, #tpu.memory_space<hbm>> -> memref<10240x128xf32, #tpu.memory_space<hbm>>
    tpu.wait_indirect_dma semaphore(%arg14 : memref<!tpu.dma_semaphore, #tpu.memory_space<semaphore_mem>>) src(%dma_wait3A_532 : memref<10240x128xf32, #tpu.memory_space<hbm>>) dst(%arg11 : memref<128x128xf32, #tpu.memory_space<vmem>>)
    %dma_wait3A_533 = arith.constant 14 : i32
    %dma_wait3A_534 = arith.constant 0 : i32
    %dma_wait3A_535 = tpu.memref_slice %arg7[%dma_wait3A_533, %dma_wait3A_534] : memref<16x128xi32, #tpu.memory_space<vmem>> -> memref<1x128xi32, #tpu.memory_space<vmem>>
    %dma_wait3A_536 = tpu.memref_squeeze %dma_wait3A_535 : memref<1x128xi32, #tpu.memory_space<vmem>> -> memref<128xi32, #tpu.memory_space<vmem>>
    %dma_wait3A_537 = arith.constant 0 : i32
    %dma_wait3A_538 = arith.constant 0 : i32
    %dma_wait3A_539 = tpu.memref_slice %arg12[%dma_wait3A_537, %dma_wait3A_538] : memref<10240x128xf32, #tpu.memory_space<vmem_shared>> -> memref<10240x128xf32, #tpu.memory_space<vmem_shared>>
    tpu.wait_indirect_dma semaphore(%arg15 : memref<!tpu.dma_semaphore, #tpu.memory_space<semaphore_mem>>) src(%arg10 : memref<128x128xf32, #tpu.memory_space<vmem>>) dst(%dma_wait3A_539 : memref<10240x128xf32, #tpu.memory_space<vmem_shared>>)
    %dma_start3A_540 = arith.constant 15 : i32
    %dma_start3A_541 = arith.constant 0 : i32
    %dma_start3A_542 = tpu.memref_slice %arg7[%dma_start3A_540, %dma_start3A_541] : memref<16x128xi32, #tpu.memory_space<vmem>> -> memref<1x128xi32, #tpu.memory_space<vmem>>
    %dma_start3A_543 = tpu.memref_squeeze %dma_start3A_542 : memref<1x128xi32, #tpu.memory_space<vmem>> -> memref<128xi32, #tpu.memory_space<vmem>>
    %dma_start3A_544 = arith.constant 0 : i32
    %dma_start3A_545 = arith.constant 0 : i32
    %dma_start3A_546 = tpu.memref_slice %arg12[%dma_start3A_544, %dma_start3A_545] : memref<10240x128xf32, #tpu.memory_space<vmem_shared>> -> memref<10240x128xf32, #tpu.memory_space<vmem_shared>>
    tpu.enqueue_indirect_dma source(%arg11 : memref<128x128xf32, #tpu.memory_space<vmem>>) target(%dma_start3A_546 : memref<10240x128xf32, #tpu.memory_space<vmem_shared>>) offsets(%dma_start3A_543 : memref<128xi32, #tpu.memory_space<vmem>>) semaphore(%arg16 : memref<!tpu.dma_semaphore, #tpu.memory_space<semaphore_mem>>) {add = true}
    %dma_wait3A_547 = arith.constant 15 : i32
    %dma_wait3A_548 = arith.constant 0 : i32
    %dma_wait3A_549 = tpu.memref_slice %arg7[%dma_wait3A_547, %dma_wait3A_548] : memref<16x128xi32, #tpu.memory_space<vmem>> -> memref<1x128xi32, #tpu.memory_space<vmem>>
    %dma_wait3A_550 = tpu.memref_squeeze %dma_wait3A_549 : memref<1x128xi32, #tpu.memory_space<vmem>> -> memref<128xi32, #tpu.memory_space<vmem>>
    %dma_wait3A_551 = arith.constant 0 : i32
    %dma_wait3A_552 = arith.constant 0 : i32
    %dma_wait3A_553 = tpu.memref_slice %arg12[%dma_wait3A_551, %dma_wait3A_552] : memref<10240x128xf32, #tpu.memory_space<vmem_shared>> -> memref<10240x128xf32, #tpu.memory_space<vmem_shared>>
    tpu.wait_indirect_dma semaphore(%arg16 : memref<!tpu.dma_semaphore, #tpu.memory_space<semaphore_mem>>) src(%arg11 : memref<128x128xf32, #tpu.memory_space<vmem>>) dst(%dma_wait3A_553 : memref<10240x128xf32, #tpu.memory_space<vmem_shared>>)
    %barrier3A_554 = arith.constant 0 : index
    tpu.barrier barrier_id(%barrier3A_554)
    %mul3A_555 = arith.constant 640 : i32
    %mul3A_556 = arith.muli %arg1, %mul3A_555 : i32
    "tpu.region"() ({
      %run_scoped3A = tpu.sem_alloc : memref<!tpu.dma_semaphore, #tpu.memory_space<semaphore_mem>>
      %dma_start3A_557 = arith.constant 0 : i32
      %dma_start3A_558 = tpu.memref_slice %arg5[%arg0, %mul3A_556, %dma_start3A_557] : memref<2x10240x128xf32, #tpu.memory_space<hbm>> -> memref<1x640x128xf32, #tpu.memory_space<hbm>>
      %dma_start3A_559 = tpu.memref_squeeze %dma_start3A_558 : memref<1x640x128xf32, #tpu.memory_space<hbm>> -> memref<640x128xf32, #tpu.memory_space<hbm>>
      %dma_start3A_560 = arith.constant 0 : i32
      %dma_start3A_561 = tpu.memref_slice %arg12[%mul3A_556, %dma_start3A_560] : memref<10240x128xf32, #tpu.memory_space<vmem_shared>> -> memref<640x128xf32, #tpu.memory_space<vmem_shared>>
      tpu.enqueue_dma source(%dma_start3A_561 : memref<640x128xf32, #tpu.memory_space<vmem_shared>>) target(%dma_start3A_559 : memref<640x128xf32, #tpu.memory_space<hbm>>) target_semaphore(%run_scoped3A : memref<!tpu.dma_semaphore, #tpu.memory_space<semaphore_mem>>)
      %dma_wait3A_562 = arith.constant 0 : i32
      %dma_wait3A_563 = tpu.memref_slice %arg5[%arg0, %mul3A_556, %dma_wait3A_562] : memref<2x10240x128xf32, #tpu.memory_space<hbm>> -> memref<1x640x128xf32, #tpu.memory_space<hbm>>
      %dma_wait3A_564 = tpu.memref_squeeze %dma_wait3A_563 : memref<1x640x128xf32, #tpu.memory_space<hbm>> -> memref<640x128xf32, #tpu.memory_space<hbm>>
      %dma_wait3A_565 = arith.constant 0 : i32
      %dma_wait3A_566 = tpu.memref_slice %arg12[%mul3A_556, %dma_wait3A_565] : memref<10240x128xf32, #tpu.memory_space<vmem_shared>> -> memref<640x128xf32, #tpu.memory_space<vmem_shared>>
      tpu.wait_dma2 semaphore(%run_scoped3A : memref<!tpu.dma_semaphore, #tpu.memory_space<semaphore_mem>>) src(%dma_wait3A_566 : memref<640x128xf32, #tpu.memory_space<vmem_shared>>) dst(%dma_wait3A_564 : memref<640x128xf32, #tpu.memory_space<hbm>>)
      tpu.yield
    }) : () -> ()
    return
  }
}

#map = affine_map<(d0, d1) -> (0, 0, 0)>
module attributes {stable_mosaic.version = 14 : i64} {
  func.func @_sc_bincount_body(%arg0: i32, %arg1: i32, %arg2: memref<32x80x128xi32, #tpu.memory_space<hbm>>, %arg3: memref<32x80x128xi32, #tpu.memory_space<hbm>>, %arg4: memref<2x2x10240xf32, #tpu.memory_space<hbm>>, %arg5: memref<40x128xi32, #tpu.memory_space<vmem>>, %arg6: memref<40x128xi32, #tpu.memory_space<vmem>>, %arg7: memref<128xf32, #tpu.memory_space<vmem>>, %arg8: memref<640xf32, #tpu.memory_space<vmem>>, %arg9: memref<10240xf32, #tpu.memory_space<vmem_shared>>, %arg10: memref<10240xf32, #tpu.memory_space<vmem_shared>>, %arg11: memref<!tpu.dma_semaphore, #tpu.memory_space<semaphore_mem>>, %arg12: memref<!tpu.dma_semaphore, #tpu.memory_space<semaphore_mem>>) attributes {dimension_semantics = [#tpu.dimension_semantics<core_parallel>, #tpu.dimension_semantics<subcore_parallel>], iteration_bounds = array<i64: 2, 16>, scalar_prefetch = 0 : i64, scratch_operands = 8 : i64, tpu.core_type = #tpu.core_type<sc_vector_subcore>, window_params = [{transform_indices = #map}, {transform_indices = #map}, {transform_indices = #map}]} {
    %mul3A = arith.constant 16 : i32
    %mul3A_0 = arith.muli %arg0, %mul3A : i32
    %add3A = arith.addi %mul3A_0, %arg1 : i32
    %broadcast_in_dim3A = arith.constant 0.000000e+00 : f32
    %broadcast_in_dim3A_1 = vector.broadcast %broadcast_in_dim3A : f32 to vector<16xf32>
    %swap3A = arith.constant 0 : index
    %swap3A_2 = tpu.vector_load %arg8[%swap3A] {strides = array<i32>} : memref<640xf32, #tpu.memory_space<vmem>>, vector<16xf32>,
    %swap3A_3 = vector.shape_cast %swap3A_2 : vector<16xf32> to vector<16xf32>
    %swap3A_4 = vector.shape_cast %broadcast_in_dim3A_1 : vector<16xf32> to vector<16xf32>
    tpu.vector_store %arg8[%swap3A], %swap3A_4 {strides = array<i32>} : memref<640xf32, #tpu.memory_space<vmem>>, vector<16xf32>,
    %broadcast_in_dim3A_5 = arith.constant 0.000000e+00 : f32
    %broadcast_in_dim3A_6 = vector.broadcast %broadcast_in_dim3A_5 : f32 to vector<16xf32>
    %swap3A_7 = arith.constant 16 : index
    %swap3A_8 = tpu.vector_load %arg8[%swap3A_7] {strides = array<i32>} : memref<640xf32, #tpu.memory_space<vmem>>, vector<16xf32>,
    %swap3A_9 = vector.shape_cast %swap3A_8 : vector<16xf32> to vector<16xf32>
    %swap3A_10 = vector.shape_cast %broadcast_in_dim3A_6 : vector<16xf32> to vector<16xf32>
    tpu.vector_store %arg8[%swap3A_7], %swap3A_10 {strides = array<i32>} : memref<640xf32, #tpu.memory_space<vmem>>, vector<16xf32>,
    %broadcast_in_dim3A_11 = arith.constant 0.000000e+00 : f32
    %broadcast_in_dim3A_12 = vector.broadcast %broadcast_in_dim3A_11 : f32 to vector<16xf32>
    %swap3A_13 = arith.constant 32 : index
    %swap3A_14 = tpu.vector_load %arg8[%swap3A_13] {strides = array<i32>} : memref<640xf32, #tpu.memory_space<vmem>>, vector<16xf32>,
    %swap3A_15 = vector.shape_cast %swap3A_14 : vector<16xf32> to vector<16xf32>
    %swap3A_16 = vector.shape_cast %broadcast_in_dim3A_12 : vector<16xf32> to vector<16xf32>
    tpu.vector_store %arg8[%swap3A_13], %swap3A_16 {strides = array<i32>} : memref<640xf32, #tpu.memory_space<vmem>>, vector<16xf32>,
    %broadcast_in_dim3A_17 = arith.constant 0.000000e+00 : f32
    %broadcast_in_dim3A_18 = vector.broadcast %broadcast_in_dim3A_17 : f32 to vector<16xf32>
    %swap3A_19 = arith.constant 48 : index
    %swap3A_20 = tpu.vector_load %arg8[%swap3A_19] {strides = array<i32>} : memref<640xf32, #tpu.memory_space<vmem>>, vector<16xf32>,
    %swap3A_21 = vector.shape_cast %swap3A_20 : vector<16xf32> to vector<16xf32>
    %swap3A_22 = vector.shape_cast %broadcast_in_dim3A_18 : vector<16xf32> to vector<16xf32>
    tpu.vector_store %arg8[%swap3A_19], %swap3A_22 {strides = array<i32>} : memref<640xf32, #tpu.memory_space<vmem>>, vector<16xf32>,
    %broadcast_in_dim3A_23 = arith.constant 0.000000e+00 : f32
    %broadcast_in_dim3A_24 = vector.broadcast %broadcast_in_dim3A_23 : f32 to vector<16xf32>
    %swap3A_25 = arith.constant 64 : index
    %swap3A_26 = tpu.vector_load %arg8[%swap3A_25] {strides = array<i32>} : memref<640xf32, #tpu.memory_space<vmem>>, vector<16xf32>,
    %swap3A_27 = vector.shape_cast %swap3A_26 : vector<16xf32> to vector<16xf32>
    %swap3A_28 = vector.shape_cast %broadcast_in_dim3A_24 : vector<16xf32> to vector<16xf32>
    tpu.vector_store %arg8[%swap3A_25], %swap3A_28 {strides = array<i32>} : memref<640xf32, #tpu.memory_space<vmem>>, vector<16xf32>,
    %broadcast_in_dim3A_29 = arith.constant 0.000000e+00 : f32
    %broadcast_in_dim3A_30 = vector.broadcast %broadcast_in_dim3A_29 : f32 to vector<16xf32>
    %swap3A_31 = arith.constant 80 : index
    %swap3A_32 = tpu.vector_load %arg8[%swap3A_31] {strides = array<i32>} : memref<640xf32, #tpu.memory_space<vmem>>, vector<16xf32>,
    %swap3A_33 = vector.shape_cast %swap3A_32 : vector<16xf32> to vector<16xf32>
    %swap3A_34 = vector.shape_cast %broadcast_in_dim3A_30 : vector<16xf32> to vector<16xf32>
    tpu.vector_store %arg8[%swap3A_31], %swap3A_34 {strides = array<i32>} : memref<640xf32, #tpu.memory_space<vmem>>, vector<16xf32>,
    %broadcast_in_dim3A_35 = arith.constant 0.000000e+00 : f32
    %broadcast_in_dim3A_36 = vector.broadcast %broadcast_in_dim3A_35 : f32 to vector<16xf32>
    %swap3A_37 = arith.constant 96 : index
    %swap3A_38 = tpu.vector_load %arg8[%swap3A_37] {strides = array<i32>} : memref<640xf32, #tpu.memory_space<vmem>>, vector<16xf32>,
    %swap3A_39 = vector.shape_cast %swap3A_38 : vector<16xf32> to vector<16xf32>
    %swap3A_40 = vector.shape_cast %broadcast_in_dim3A_36 : vector<16xf32> to vector<16xf32>
    tpu.vector_store %arg8[%swap3A_37], %swap3A_40 {strides = array<i32>} : memref<640xf32, #tpu.memory_space<vmem>>, vector<16xf32>,
    %broadcast_in_dim3A_41 = arith.constant 0.000000e+00 : f32
    %broadcast_in_dim3A_42 = vector.broadcast %broadcast_in_dim3A_41 : f32 to vector<16xf32>
    %swap3A_43 = arith.constant 112 : index
    %swap3A_44 = tpu.vector_load %arg8[%swap3A_43] {strides = array<i32>} : memref<640xf32, #tpu.memory_space<vmem>>, vector<16xf32>,
    %swap3A_45 = vector.shape_cast %swap3A_44 : vector<16xf32> to vector<16xf32>
    %swap3A_46 = vector.shape_cast %broadcast_in_dim3A_42 : vector<16xf32> to vector<16xf32>
    tpu.vector_store %arg8[%swap3A_43], %swap3A_46 {strides = array<i32>} : memref<640xf32, #tpu.memory_space<vmem>>, vector<16xf32>,
    %broadcast_in_dim3A_47 = arith.constant 0.000000e+00 : f32
    %broadcast_in_dim3A_48 = vector.broadcast %broadcast_in_dim3A_47 : f32 to vector<16xf32>
    %swap3A_49 = arith.constant 128 : index
    %swap3A_50 = tpu.vector_load %arg8[%swap3A_49] {strides = array<i32>} : memref<640xf32, #tpu.memory_space<vmem>>, vector<16xf32>,
    %swap3A_51 = vector.shape_cast %swap3A_50 : vector<16xf32> to vector<16xf32>
    %swap3A_52 = vector.shape_cast %broadcast_in_dim3A_48 : vector<16xf32> to vector<16xf32>
    tpu.vector_store %arg8[%swap3A_49], %swap3A_52 {strides = array<i32>} : memref<640xf32, #tpu.memory_space<vmem>>, vector<16xf32>,
    %broadcast_in_dim3A_53 = arith.constant 0.000000e+00 : f32
    %broadcast_in_dim3A_54 = vector.broadcast %broadcast_in_dim3A_53 : f32 to vector<16xf32>
    %swap3A_55 = arith.constant 144 : index
    %swap3A_56 = tpu.vector_load %arg8[%swap3A_55] {strides = array<i32>} : memref<640xf32, #tpu.memory_space<vmem>>, vector<16xf32>,
    %swap3A_57 = vector.shape_cast %swap3A_56 : vector<16xf32> to vector<16xf32>
    %swap3A_58 = vector.shape_cast %broadcast_in_dim3A_54 : vector<16xf32> to vector<16xf32>
    tpu.vector_store %arg8[%swap3A_55], %swap3A_58 {strides = array<i32>} : memref<640xf32, #tpu.memory_space<vmem>>, vector<16xf32>,
    %broadcast_in_dim3A_59 = arith.constant 0.000000e+00 : f32
    %broadcast_in_dim3A_60 = vector.broadcast %broadcast_in_dim3A_59 : f32 to vector<16xf32>
    %swap3A_61 = arith.constant 160 : index
    %swap3A_62 = tpu.vector_load %arg8[%swap3A_61] {strides = array<i32>} : memref<640xf32, #tpu.memory_space<vmem>>, vector<16xf32>,
    %swap3A_63 = vector.shape_cast %swap3A_62 : vector<16xf32> to vector<16xf32>
    %swap3A_64 = vector.shape_cast %broadcast_in_dim3A_60 : vector<16xf32> to vector<16xf32>
    tpu.vector_store %arg8[%swap3A_61], %swap3A_64 {strides = array<i32>} : memref<640xf32, #tpu.memory_space<vmem>>, vector<16xf32>,
    %broadcast_in_dim3A_65 = arith.constant 0.000000e+00 : f32
    %broadcast_in_dim3A_66 = vector.broadcast %broadcast_in_dim3A_65 : f32 to vector<16xf32>
    %swap3A_67 = arith.constant 176 : index
    %swap3A_68 = tpu.vector_load %arg8[%swap3A_67] {strides = array<i32>} : memref<640xf32, #tpu.memory_space<vmem>>, vector<16xf32>,
    %swap3A_69 = vector.shape_cast %swap3A_68 : vector<16xf32> to vector<16xf32>
    %swap3A_70 = vector.shape_cast %broadcast_in_dim3A_66 : vector<16xf32> to vector<16xf32>
    tpu.vector_store %arg8[%swap3A_67], %swap3A_70 {strides = array<i32>} : memref<640xf32, #tpu.memory_space<vmem>>, vector<16xf32>,
    %broadcast_in_dim3A_71 = arith.constant 0.000000e+00 : f32
    %broadcast_in_dim3A_72 = vector.broadcast %broadcast_in_dim3A_71 : f32 to vector<16xf32>
    %swap3A_73 = arith.constant 192 : index
    %swap3A_74 = tpu.vector_load %arg8[%swap3A_73] {strides = array<i32>} : memref<640xf32, #tpu.memory_space<vmem>>, vector<16xf32>,
    %swap3A_75 = vector.shape_cast %swap3A_74 : vector<16xf32> to vector<16xf32>
    %swap3A_76 = vector.shape_cast %broadcast_in_dim3A_72 : vector<16xf32> to vector<16xf32>
    tpu.vector_store %arg8[%swap3A_73], %swap3A_76 {strides = array<i32>} : memref<640xf32, #tpu.memory_space<vmem>>, vector<16xf32>,
    %broadcast_in_dim3A_77 = arith.constant 0.000000e+00 : f32
    %broadcast_in_dim3A_78 = vector.broadcast %broadcast_in_dim3A_77 : f32 to vector<16xf32>
    %swap3A_79 = arith.constant 208 : index
    %swap3A_80 = tpu.vector_load %arg8[%swap3A_79] {strides = array<i32>} : memref<640xf32, #tpu.memory_space<vmem>>, vector<16xf32>,
    %swap3A_81 = vector.shape_cast %swap3A_80 : vector<16xf32> to vector<16xf32>
    %swap3A_82 = vector.shape_cast %broadcast_in_dim3A_78 : vector<16xf32> to vector<16xf32>
    tpu.vector_store %arg8[%swap3A_79], %swap3A_82 {strides = array<i32>} : memref<640xf32, #tpu.memory_space<vmem>>, vector<16xf32>,
    %broadcast_in_dim3A_83 = arith.constant 0.000000e+00 : f32
    %broadcast_in_dim3A_84 = vector.broadcast %broadcast_in_dim3A_83 : f32 to vector<16xf32>
    %swap3A_85 = arith.constant 224 : index
    %swap3A_86 = tpu.vector_load %arg8[%swap3A_85] {strides = array<i32>} : memref<640xf32, #tpu.memory_space<vmem>>, vector<16xf32>,
    %swap3A_87 = vector.shape_cast %swap3A_86 : vector<16xf32> to vector<16xf32>
    %swap3A_88 = vector.shape_cast %broadcast_in_dim3A_84 : vector<16xf32> to vector<16xf32>
    tpu.vector_store %arg8[%swap3A_85], %swap3A_88 {strides = array<i32>} : memref<640xf32, #tpu.memory_space<vmem>>, vector<16xf32>,
    %broadcast_in_dim3A_89 = arith.constant 0.000000e+00 : f32
    %broadcast_in_dim3A_90 = vector.broadcast %broadcast_in_dim3A_89 : f32 to vector<16xf32>
    %swap3A_91 = arith.constant 240 : index
    %swap3A_92 = tpu.vector_load %arg8[%swap3A_91] {strides = array<i32>} : memref<640xf32, #tpu.memory_space<vmem>>, vector<16xf32>,
    %swap3A_93 = vector.shape_cast %swap3A_92 : vector<16xf32> to vector<16xf32>
    %swap3A_94 = vector.shape_cast %broadcast_in_dim3A_90 : vector<16xf32> to vector<16xf32>
    tpu.vector_store %arg8[%swap3A_91], %swap3A_94 {strides = array<i32>} : memref<640xf32, #tpu.memory_space<vmem>>, vector<16xf32>,
    %broadcast_in_dim3A_95 = arith.constant 0.000000e+00 : f32
    %broadcast_in_dim3A_96 = vector.broadcast %broadcast_in_dim3A_95 : f32 to vector<16xf32>
    %swap3A_97 = arith.constant 256 : index
    %swap3A_98 = tpu.vector_load %arg8[%swap3A_97] {strides = array<i32>} : memref<640xf32, #tpu.memory_space<vmem>>, vector<16xf32>,
    %swap3A_99 = vector.shape_cast %swap3A_98 : vector<16xf32> to vector<16xf32>
    %swap3A_100 = vector.shape_cast %broadcast_in_dim3A_96 : vector<16xf32> to vector<16xf32>
    tpu.vector_store %arg8[%swap3A_97], %swap3A_100 {strides = array<i32>} : memref<640xf32, #tpu.memory_space<vmem>>, vector<16xf32>,
    %broadcast_in_dim3A_101 = arith.constant 0.000000e+00 : f32
    %broadcast_in_dim3A_102 = vector.broadcast %broadcast_in_dim3A_101 : f32 to vector<16xf32>
    %swap3A_103 = arith.constant 272 : index
    %swap3A_104 = tpu.vector_load %arg8[%swap3A_103] {strides = array<i32>} : memref<640xf32, #tpu.memory_space<vmem>>, vector<16xf32>,
    %swap3A_105 = vector.shape_cast %swap3A_104 : vector<16xf32> to vector<16xf32>
    %swap3A_106 = vector.shape_cast %broadcast_in_dim3A_102 : vector<16xf32> to vector<16xf32>
    tpu.vector_store %arg8[%swap3A_103], %swap3A_106 {strides = array<i32>} : memref<640xf32, #tpu.memory_space<vmem>>, vector<16xf32>,
    %broadcast_in_dim3A_107 = arith.constant 0.000000e+00 : f32
    %broadcast_in_dim3A_108 = vector.broadcast %broadcast_in_dim3A_107 : f32 to vector<16xf32>
    %swap3A_109 = arith.constant 288 : index
    %swap3A_110 = tpu.vector_load %arg8[%swap3A_109] {strides = array<i32>} : memref<640xf32, #tpu.memory_space<vmem>>, vector<16xf32>,
    %swap3A_111 = vector.shape_cast %swap3A_110 : vector<16xf32> to vector<16xf32>
    %swap3A_112 = vector.shape_cast %broadcast_in_dim3A_108 : vector<16xf32> to vector<16xf32>
    tpu.vector_store %arg8[%swap3A_109], %swap3A_112 {strides = array<i32>} : memref<640xf32, #tpu.memory_space<vmem>>, vector<16xf32>,
    %broadcast_in_dim3A_113 = arith.constant 0.000000e+00 : f32
    %broadcast_in_dim3A_114 = vector.broadcast %broadcast_in_dim3A_113 : f32 to vector<16xf32>
    %swap3A_115 = arith.constant 304 : index
    %swap3A_116 = tpu.vector_load %arg8[%swap3A_115] {strides = array<i32>} : memref<640xf32, #tpu.memory_space<vmem>>, vector<16xf32>,
    %swap3A_117 = vector.shape_cast %swap3A_116 : vector<16xf32> to vector<16xf32>
    %swap3A_118 = vector.shape_cast %broadcast_in_dim3A_114 : vector<16xf32> to vector<16xf32>
    tpu.vector_store %arg8[%swap3A_115], %swap3A_118 {strides = array<i32>} : memref<640xf32, #tpu.memory_space<vmem>>, vector<16xf32>,
    %broadcast_in_dim3A_119 = arith.constant 0.000000e+00 : f32
    %broadcast_in_dim3A_120 = vector.broadcast %broadcast_in_dim3A_119 : f32 to vector<16xf32>
    %swap3A_121 = arith.constant 320 : index
    %swap3A_122 = tpu.vector_load %arg8[%swap3A_121] {strides = array<i32>} : memref<640xf32, #tpu.memory_space<vmem>>, vector<16xf32>,
    %swap3A_123 = vector.shape_cast %swap3A_122 : vector<16xf32> to vector<16xf32>
    %swap3A_124 = vector.shape_cast %broadcast_in_dim3A_120 : vector<16xf32> to vector<16xf32>
    tpu.vector_store %arg8[%swap3A_121], %swap3A_124 {strides = array<i32>} : memref<640xf32, #tpu.memory_space<vmem>>, vector<16xf32>,
    %broadcast_in_dim3A_125 = arith.constant 0.000000e+00 : f32
    %broadcast_in_dim3A_126 = vector.broadcast %broadcast_in_dim3A_125 : f32 to vector<16xf32>
    %swap3A_127 = arith.constant 336 : index
    %swap3A_128 = tpu.vector_load %arg8[%swap3A_127] {strides = array<i32>} : memref<640xf32, #tpu.memory_space<vmem>>, vector<16xf32>,
    %swap3A_129 = vector.shape_cast %swap3A_128 : vector<16xf32> to vector<16xf32>
    %swap3A_130 = vector.shape_cast %broadcast_in_dim3A_126 : vector<16xf32> to vector<16xf32>
    tpu.vector_store %arg8[%swap3A_127], %swap3A_130 {strides = array<i32>} : memref<640xf32, #tpu.memory_space<vmem>>, vector<16xf32>,
    %broadcast_in_dim3A_131 = arith.constant 0.000000e+00 : f32
    %broadcast_in_dim3A_132 = vector.broadcast %broadcast_in_dim3A_131 : f32 to vector<16xf32>
    %swap3A_133 = arith.constant 352 : index
    %swap3A_134 = tpu.vector_load %arg8[%swap3A_133] {strides = array<i32>} : memref<640xf32, #tpu.memory_space<vmem>>, vector<16xf32>,
    %swap3A_135 = vector.shape_cast %swap3A_134 : vector<16xf32> to vector<16xf32>
    %swap3A_136 = vector.shape_cast %broadcast_in_dim3A_132 : vector<16xf32> to vector<16xf32>
    tpu.vector_store %arg8[%swap3A_133], %swap3A_136 {strides = array<i32>} : memref<640xf32, #tpu.memory_space<vmem>>, vector<16xf32>,
    %broadcast_in_dim3A_137 = arith.constant 0.000000e+00 : f32
    %broadcast_in_dim3A_138 = vector.broadcast %broadcast_in_dim3A_137 : f32 to vector<16xf32>
    %swap3A_139 = arith.constant 368 : index
    %swap3A_140 = tpu.vector_load %arg8[%swap3A_139] {strides = array<i32>} : memref<640xf32, #tpu.memory_space<vmem>>, vector<16xf32>,
    %swap3A_141 = vector.shape_cast %swap3A_140 : vector<16xf32> to vector<16xf32>
    %swap3A_142 = vector.shape_cast %broadcast_in_dim3A_138 : vector<16xf32> to vector<16xf32>
    tpu.vector_store %arg8[%swap3A_139], %swap3A_142 {strides = array<i32>} : memref<640xf32, #tpu.memory_space<vmem>>, vector<16xf32>,
    %broadcast_in_dim3A_143 = arith.constant 0.000000e+00 : f32
    %broadcast_in_dim3A_144 = vector.broadcast %broadcast_in_dim3A_143 : f32 to vector<16xf32>
    %swap3A_145 = arith.constant 384 : index
    %swap3A_146 = tpu.vector_load %arg8[%swap3A_145] {strides = array<i32>} : memref<640xf32, #tpu.memory_space<vmem>>, vector<16xf32>,
    %swap3A_147 = vector.shape_cast %swap3A_146 : vector<16xf32> to vector<16xf32>
    %swap3A_148 = vector.shape_cast %broadcast_in_dim3A_144 : vector<16xf32> to vector<16xf32>
    tpu.vector_store %arg8[%swap3A_145], %swap3A_148 {strides = array<i32>} : memref<640xf32, #tpu.memory_space<vmem>>, vector<16xf32>,
    %broadcast_in_dim3A_149 = arith.constant 0.000000e+00 : f32
    %broadcast_in_dim3A_150 = vector.broadcast %broadcast_in_dim3A_149 : f32 to vector<16xf32>
    %swap3A_151 = arith.constant 400 : index
    %swap3A_152 = tpu.vector_load %arg8[%swap3A_151] {strides = array<i32>} : memref<640xf32, #tpu.memory_space<vmem>>, vector<16xf32>,
    %swap3A_153 = vector.shape_cast %swap3A_152 : vector<16xf32> to vector<16xf32>
    %swap3A_154 = vector.shape_cast %broadcast_in_dim3A_150 : vector<16xf32> to vector<16xf32>
    tpu.vector_store %arg8[%swap3A_151], %swap3A_154 {strides = array<i32>} : memref<640xf32, #tpu.memory_space<vmem>>, vector<16xf32>,
    %broadcast_in_dim3A_155 = arith.constant 0.000000e+00 : f32
    %broadcast_in_dim3A_156 = vector.broadcast %broadcast_in_dim3A_155 : f32 to vector<16xf32>
    %swap3A_157 = arith.constant 416 : index
    %swap3A_158 = tpu.vector_load %arg8[%swap3A_157] {strides = array<i32>} : memref<640xf32, #tpu.memory_space<vmem>>, vector<16xf32>,
    %swap3A_159 = vector.shape_cast %swap3A_158 : vector<16xf32> to vector<16xf32>
    %swap3A_160 = vector.shape_cast %broadcast_in_dim3A_156 : vector<16xf32> to vector<16xf32>
    tpu.vector_store %arg8[%swap3A_157], %swap3A_160 {strides = array<i32>} : memref<640xf32, #tpu.memory_space<vmem>>, vector<16xf32>,
    %broadcast_in_dim3A_161 = arith.constant 0.000000e+00 : f32
    %broadcast_in_dim3A_162 = vector.broadcast %broadcast_in_dim3A_161 : f32 to vector<16xf32>
    %swap3A_163 = arith.constant 432 : index
    %swap3A_164 = tpu.vector_load %arg8[%swap3A_163] {strides = array<i32>} : memref<640xf32, #tpu.memory_space<vmem>>, vector<16xf32>,
    %swap3A_165 = vector.shape_cast %swap3A_164 : vector<16xf32> to vector<16xf32>
    %swap3A_166 = vector.shape_cast %broadcast_in_dim3A_162 : vector<16xf32> to vector<16xf32>
    tpu.vector_store %arg8[%swap3A_163], %swap3A_166 {strides = array<i32>} : memref<640xf32, #tpu.memory_space<vmem>>, vector<16xf32>,
    %broadcast_in_dim3A_167 = arith.constant 0.000000e+00 : f32
    %broadcast_in_dim3A_168 = vector.broadcast %broadcast_in_dim3A_167 : f32 to vector<16xf32>
    %swap3A_169 = arith.constant 448 : index
    %swap3A_170 = tpu.vector_load %arg8[%swap3A_169] {strides = array<i32>} : memref<640xf32, #tpu.memory_space<vmem>>, vector<16xf32>,
    %swap3A_171 = vector.shape_cast %swap3A_170 : vector<16xf32> to vector<16xf32>
    %swap3A_172 = vector.shape_cast %broadcast_in_dim3A_168 : vector<16xf32> to vector<16xf32>
    tpu.vector_store %arg8[%swap3A_169], %swap3A_172 {strides = array<i32>} : memref<640xf32, #tpu.memory_space<vmem>>, vector<16xf32>,
    %broadcast_in_dim3A_173 = arith.constant 0.000000e+00 : f32
    %broadcast_in_dim3A_174 = vector.broadcast %broadcast_in_dim3A_173 : f32 to vector<16xf32>
    %swap3A_175 = arith.constant 464 : index
    %swap3A_176 = tpu.vector_load %arg8[%swap3A_175] {strides = array<i32>} : memref<640xf32, #tpu.memory_space<vmem>>, vector<16xf32>,
    %swap3A_177 = vector.shape_cast %swap3A_176 : vector<16xf32> to vector<16xf32>
    %swap3A_178 = vector.shape_cast %broadcast_in_dim3A_174 : vector<16xf32> to vector<16xf32>
    tpu.vector_store %arg8[%swap3A_175], %swap3A_178 {strides = array<i32>} : memref<640xf32, #tpu.memory_space<vmem>>, vector<16xf32>,
    %broadcast_in_dim3A_179 = arith.constant 0.000000e+00 : f32
    %broadcast_in_dim3A_180 = vector.broadcast %broadcast_in_dim3A_179 : f32 to vector<16xf32>
    %swap3A_181 = arith.constant 480 : index
    %swap3A_182 = tpu.vector_load %arg8[%swap3A_181] {strides = array<i32>} : memref<640xf32, #tpu.memory_space<vmem>>, vector<16xf32>,
    %swap3A_183 = vector.shape_cast %swap3A_182 : vector<16xf32> to vector<16xf32>
    %swap3A_184 = vector.shape_cast %broadcast_in_dim3A_180 : vector<16xf32> to vector<16xf32>
    tpu.vector_store %arg8[%swap3A_181], %swap3A_184 {strides = array<i32>} : memref<640xf32, #tpu.memory_space<vmem>>, vector<16xf32>,
    %broadcast_in_dim3A_185 = arith.constant 0.000000e+00 : f32
    %broadcast_in_dim3A_186 = vector.broadcast %broadcast_in_dim3A_185 : f32 to vector<16xf32>
    %swap3A_187 = arith.constant 496 : index
    %swap3A_188 = tpu.vector_load %arg8[%swap3A_187] {strides = array<i32>} : memref<640xf32, #tpu.memory_space<vmem>>, vector<16xf32>,
    %swap3A_189 = vector.shape_cast %swap3A_188 : vector<16xf32> to vector<16xf32>
    %swap3A_190 = vector.shape_cast %broadcast_in_dim3A_186 : vector<16xf32> to vector<16xf32>
    tpu.vector_store %arg8[%swap3A_187], %swap3A_190 {strides = array<i32>} : memref<640xf32, #tpu.memory_space<vmem>>, vector<16xf32>,
    %broadcast_in_dim3A_191 = arith.constant 0.000000e+00 : f32
    %broadcast_in_dim3A_192 = vector.broadcast %broadcast_in_dim3A_191 : f32 to vector<16xf32>
    %swap3A_193 = arith.constant 512 : index
    %swap3A_194 = tpu.vector_load %arg8[%swap3A_193] {strides = array<i32>} : memref<640xf32, #tpu.memory_space<vmem>>, vector<16xf32>,
    %swap3A_195 = vector.shape_cast %swap3A_194 : vector<16xf32> to vector<16xf32>
    %swap3A_196 = vector.shape_cast %broadcast_in_dim3A_192 : vector<16xf32> to vector<16xf32>
    tpu.vector_store %arg8[%swap3A_193], %swap3A_196 {strides = array<i32>} : memref<640xf32, #tpu.memory_space<vmem>>, vector<16xf32>,
    %broadcast_in_dim3A_197 = arith.constant 0.000000e+00 : f32
    %broadcast_in_dim3A_198 = vector.broadcast %broadcast_in_dim3A_197 : f32 to vector<16xf32>
    %swap3A_199 = arith.constant 528 : index
    %swap3A_200 = tpu.vector_load %arg8[%swap3A_199] {strides = array<i32>} : memref<640xf32, #tpu.memory_space<vmem>>, vector<16xf32>,
    %swap3A_201 = vector.shape_cast %swap3A_200 : vector<16xf32> to vector<16xf32>
    %swap3A_202 = vector.shape_cast %broadcast_in_dim3A_198 : vector<16xf32> to vector<16xf32>
    tpu.vector_store %arg8[%swap3A_199], %swap3A_202 {strides = array<i32>} : memref<640xf32, #tpu.memory_space<vmem>>, vector<16xf32>,
    %broadcast_in_dim3A_203 = arith.constant 0.000000e+00 : f32
    %broadcast_in_dim3A_204 = vector.broadcast %broadcast_in_dim3A_203 : f32 to vector<16xf32>
    %swap3A_205 = arith.constant 544 : index
    %swap3A_206 = tpu.vector_load %arg8[%swap3A_205] {strides = array<i32>} : memref<640xf32, #tpu.memory_space<vmem>>, vector<16xf32>,
    %swap3A_207 = vector.shape_cast %swap3A_206 : vector<16xf32> to vector<16xf32>
    %swap3A_208 = vector.shape_cast %broadcast_in_dim3A_204 : vector<16xf32> to vector<16xf32>
    tpu.vector_store %arg8[%swap3A_205], %swap3A_208 {strides = array<i32>} : memref<640xf32, #tpu.memory_space<vmem>>, vector<16xf32>,
    %broadcast_in_dim3A_209 = arith.constant 0.000000e+00 : f32
    %broadcast_in_dim3A_210 = vector.broadcast %broadcast_in_dim3A_209 : f32 to vector<16xf32>
    %swap3A_211 = arith.constant 560 : index
    %swap3A_212 = tpu.vector_load %arg8[%swap3A_211] {strides = array<i32>} : memref<640xf32, #tpu.memory_space<vmem>>, vector<16xf32>,
    %swap3A_213 = vector.shape_cast %swap3A_212 : vector<16xf32> to vector<16xf32>
    %swap3A_214 = vector.shape_cast %broadcast_in_dim3A_210 : vector<16xf32> to vector<16xf32>
    tpu.vector_store %arg8[%swap3A_211], %swap3A_214 {strides = array<i32>} : memref<640xf32, #tpu.memory_space<vmem>>, vector<16xf32>,
    %broadcast_in_dim3A_215 = arith.constant 0.000000e+00 : f32
    %broadcast_in_dim3A_216 = vector.broadcast %broadcast_in_dim3A_215 : f32 to vector<16xf32>
    %swap3A_217 = arith.constant 576 : index
    %swap3A_218 = tpu.vector_load %arg8[%swap3A_217] {strides = array<i32>} : memref<640xf32, #tpu.memory_space<vmem>>, vector<16xf32>,
    %swap3A_219 = vector.shape_cast %swap3A_218 : vector<16xf32> to vector<16xf32>
    %swap3A_220 = vector.shape_cast %broadcast_in_dim3A_216 : vector<16xf32> to vector<16xf32>
    tpu.vector_store %arg8[%swap3A_217], %swap3A_220 {strides = array<i32>} : memref<640xf32, #tpu.memory_space<vmem>>, vector<16xf32>,
    %broadcast_in_dim3A_221 = arith.constant 0.000000e+00 : f32
    %broadcast_in_dim3A_222 = vector.broadcast %broadcast_in_dim3A_221 : f32 to vector<16xf32>
    %swap3A_223 = arith.constant 592 : index
    %swap3A_224 = tpu.vector_load %arg8[%swap3A_223] {strides = array<i32>} : memref<640xf32, #tpu.memory_space<vmem>>, vector<16xf32>,
    %swap3A_225 = vector.shape_cast %swap3A_224 : vector<16xf32> to vector<16xf32>
    %swap3A_226 = vector.shape_cast %broadcast_in_dim3A_222 : vector<16xf32> to vector<16xf32>
    tpu.vector_store %arg8[%swap3A_223], %swap3A_226 {strides = array<i32>} : memref<640xf32, #tpu.memory_space<vmem>>, vector<16xf32>,
    %broadcast_in_dim3A_227 = arith.constant 0.000000e+00 : f32
    %broadcast_in_dim3A_228 = vector.broadcast %broadcast_in_dim3A_227 : f32 to vector<16xf32>
    %swap3A_229 = arith.constant 608 : index
    %swap3A_230 = tpu.vector_load %arg8[%swap3A_229] {strides = array<i32>} : memref<640xf32, #tpu.memory_space<vmem>>, vector<16xf32>,
    %swap3A_231 = vector.shape_cast %swap3A_230 : vector<16xf32> to vector<16xf32>
    %swap3A_232 = vector.shape_cast %broadcast_in_dim3A_228 : vector<16xf32> to vector<16xf32>
    tpu.vector_store %arg8[%swap3A_229], %swap3A_232 {strides = array<i32>} : memref<640xf32, #tpu.memory_space<vmem>>, vector<16xf32>,
    %broadcast_in_dim3A_233 = arith.constant 0.000000e+00 : f32
    %broadcast_in_dim3A_234 = vector.broadcast %broadcast_in_dim3A_233 : f32 to vector<16xf32>
    %swap3A_235 = arith.constant 624 : index
    %swap3A_236 = tpu.vector_load %arg8[%swap3A_235] {strides = array<i32>} : memref<640xf32, #tpu.memory_space<vmem>>, vector<16xf32>,
    %swap3A_237 = vector.shape_cast %swap3A_236 : vector<16xf32> to vector<16xf32>
    %swap3A_238 = vector.shape_cast %broadcast_in_dim3A_234 : vector<16xf32> to vector<16xf32>
    tpu.vector_store %arg8[%swap3A_235], %swap3A_238 {strides = array<i32>} : memref<640xf32, #tpu.memory_space<vmem>>, vector<16xf32>,
    %broadcast_in_dim3A_239 = arith.constant 1.000000e+00 : f32
    %broadcast_in_dim3A_240 = vector.broadcast %broadcast_in_dim3A_239 : f32 to vector<16xf32>
    %swap3A_241 = arith.constant 0 : index
    %swap3A_242 = tpu.vector_load %arg7[%swap3A_241] {strides = array<i32>} : memref<128xf32, #tpu.memory_space<vmem>>, vector<16xf32>,
    %swap3A_243 = vector.shape_cast %swap3A_242 : vector<16xf32> to vector<16xf32>
    %swap3A_244 = vector.shape_cast %broadcast_in_dim3A_240 : vector<16xf32> to vector<16xf32>
    tpu.vector_store %arg7[%swap3A_241], %swap3A_244 {strides = array<i32>} : memref<128xf32, #tpu.memory_space<vmem>>, vector<16xf32>,
    %broadcast_in_dim3A_245 = arith.constant 1.000000e+00 : f32
    %broadcast_in_dim3A_246 = vector.broadcast %broadcast_in_dim3A_245 : f32 to vector<16xf32>
    %swap3A_247 = arith.constant 16 : index
    %swap3A_248 = tpu.vector_load %arg7[%swap3A_247] {strides = array<i32>} : memref<128xf32, #tpu.memory_space<vmem>>, vector<16xf32>,
    %swap3A_249 = vector.shape_cast %swap3A_248 : vector<16xf32> to vector<16xf32>
    %swap3A_250 = vector.shape_cast %broadcast_in_dim3A_246 : vector<16xf32> to vector<16xf32>
    tpu.vector_store %arg7[%swap3A_247], %swap3A_250 {strides = array<i32>} : memref<128xf32, #tpu.memory_space<vmem>>, vector<16xf32>,
    %broadcast_in_dim3A_251 = arith.constant 1.000000e+00 : f32
    %broadcast_in_dim3A_252 = vector.broadcast %broadcast_in_dim3A_251 : f32 to vector<16xf32>
    %swap3A_253 = arith.constant 32 : index
    %swap3A_254 = tpu.vector_load %arg7[%swap3A_253] {strides = array<i32>} : memref<128xf32, #tpu.memory_space<vmem>>, vector<16xf32>,
    %swap3A_255 = vector.shape_cast %swap3A_254 : vector<16xf32> to vector<16xf32>
    %swap3A_256 = vector.shape_cast %broadcast_in_dim3A_252 : vector<16xf32> to vector<16xf32>
    tpu.vector_store %arg7[%swap3A_253], %swap3A_256 {strides = array<i32>} : memref<128xf32, #tpu.memory_space<vmem>>, vector<16xf32>,
    %broadcast_in_dim3A_257 = arith.constant 1.000000e+00 : f32
    %broadcast_in_dim3A_258 = vector.broadcast %broadcast_in_dim3A_257 : f32 to vector<16xf32>
    %swap3A_259 = arith.constant 48 : index
    %swap3A_260 = tpu.vector_load %arg7[%swap3A_259] {strides = array<i32>} : memref<128xf32, #tpu.memory_space<vmem>>, vector<16xf32>,
    %swap3A_261 = vector.shape_cast %swap3A_260 : vector<16xf32> to vector<16xf32>
    %swap3A_262 = vector.shape_cast %broadcast_in_dim3A_258 : vector<16xf32> to vector<16xf32>
    tpu.vector_store %arg7[%swap3A_259], %swap3A_262 {strides = array<i32>} : memref<128xf32, #tpu.memory_space<vmem>>, vector<16xf32>,
    %broadcast_in_dim3A_263 = arith.constant 1.000000e+00 : f32
    %broadcast_in_dim3A_264 = vector.broadcast %broadcast_in_dim3A_263 : f32 to vector<16xf32>
    %swap3A_265 = arith.constant 64 : index
    %swap3A_266 = tpu.vector_load %arg7[%swap3A_265] {strides = array<i32>} : memref<128xf32, #tpu.memory_space<vmem>>, vector<16xf32>,
    %swap3A_267 = vector.shape_cast %swap3A_266 : vector<16xf32> to vector<16xf32>
    %swap3A_268 = vector.shape_cast %broadcast_in_dim3A_264 : vector<16xf32> to vector<16xf32>
    tpu.vector_store %arg7[%swap3A_265], %swap3A_268 {strides = array<i32>} : memref<128xf32, #tpu.memory_space<vmem>>, vector<16xf32>,
    %broadcast_in_dim3A_269 = arith.constant 1.000000e+00 : f32
    %broadcast_in_dim3A_270 = vector.broadcast %broadcast_in_dim3A_269 : f32 to vector<16xf32>
    %swap3A_271 = arith.constant 80 : index
    %swap3A_272 = tpu.vector_load %arg7[%swap3A_271] {strides = array<i32>} : memref<128xf32, #tpu.memory_space<vmem>>, vector<16xf32>,
    %swap3A_273 = vector.shape_cast %swap3A_272 : vector<16xf32> to vector<16xf32>
    %swap3A_274 = vector.shape_cast %broadcast_in_dim3A_270 : vector<16xf32> to vector<16xf32>
    tpu.vector_store %arg7[%swap3A_271], %swap3A_274 {strides = array<i32>} : memref<128xf32, #tpu.memory_space<vmem>>, vector<16xf32>,
    %broadcast_in_dim3A_275 = arith.constant 1.000000e+00 : f32
    %broadcast_in_dim3A_276 = vector.broadcast %broadcast_in_dim3A_275 : f32 to vector<16xf32>
    %swap3A_277 = arith.constant 96 : index
    %swap3A_278 = tpu.vector_load %arg7[%swap3A_277] {strides = array<i32>} : memref<128xf32, #tpu.memory_space<vmem>>, vector<16xf32>,
    %swap3A_279 = vector.shape_cast %swap3A_278 : vector<16xf32> to vector<16xf32>
    %swap3A_280 = vector.shape_cast %broadcast_in_dim3A_276 : vector<16xf32> to vector<16xf32>
    tpu.vector_store %arg7[%swap3A_277], %swap3A_280 {strides = array<i32>} : memref<128xf32, #tpu.memory_space<vmem>>, vector<16xf32>,
    %broadcast_in_dim3A_281 = arith.constant 1.000000e+00 : f32
    %broadcast_in_dim3A_282 = vector.broadcast %broadcast_in_dim3A_281 : f32 to vector<16xf32>
    %swap3A_283 = arith.constant 112 : index
    %swap3A_284 = tpu.vector_load %arg7[%swap3A_283] {strides = array<i32>} : memref<128xf32, #tpu.memory_space<vmem>>, vector<16xf32>,
    %swap3A_285 = vector.shape_cast %swap3A_284 : vector<16xf32> to vector<16xf32>
    %swap3A_286 = vector.shape_cast %broadcast_in_dim3A_282 : vector<16xf32> to vector<16xf32>
    tpu.vector_store %arg7[%swap3A_283], %swap3A_286 {strides = array<i32>} : memref<128xf32, #tpu.memory_space<vmem>>, vector<16xf32>,
    %mul3A_287 = arith.constant 640 : i32
    %mul3A_288 = arith.muli %arg1, %mul3A_287 : i32
    "tpu.region"() ({
      %run_scoped3A_306 = tpu.sem_alloc : memref<!tpu.dma_semaphore, #tpu.memory_space<semaphore_mem>>
      %dma_start3A = tpu.memref_slice %arg9[%mul3A_288] : memref<10240xf32, #tpu.memory_space<vmem_shared>> -> memref<640xf32, #tpu.memory_space<vmem_shared>>
      %dma_start3A_307 = tpu.memref_slice %arg9[%mul3A_288] : memref<10240xf32, #tpu.memory_space<vmem_shared>> -> memref<640xf32, #tpu.memory_space<vmem_shared>>
      tpu.enqueue_dma source(%arg8 : memref<640xf32, #tpu.memory_space<vmem>>) target(%dma_start3A_307 : memref<640xf32, #tpu.memory_space<vmem_shared>>) target_semaphore(%run_scoped3A_306 : memref<!tpu.dma_semaphore, #tpu.memory_space<semaphore_mem>>)
      %dma_wait3A = tpu.memref_slice %arg9[%mul3A_288] : memref<10240xf32, #tpu.memory_space<vmem_shared>> -> memref<640xf32, #tpu.memory_space<vmem_shared>>
      %dma_wait3A_308 = tpu.memref_slice %arg9[%mul3A_288] : memref<10240xf32, #tpu.memory_space<vmem_shared>> -> memref<640xf32, #tpu.memory_space<vmem_shared>>
      tpu.wait_dma2 semaphore(%run_scoped3A_306 : memref<!tpu.dma_semaphore, #tpu.memory_space<semaphore_mem>>) src(%arg8 : memref<640xf32, #tpu.memory_space<vmem>>) dst(%dma_wait3A_308 : memref<640xf32, #tpu.memory_space<vmem_shared>>)
      tpu.yield
    }) : () -> ()
    %mul3A_289 = arith.constant 640 : i32
    %mul3A_290 = arith.muli %arg1, %mul3A_289 : i32
    "tpu.region"() ({
      %run_scoped3A_306 = tpu.sem_alloc : memref<!tpu.dma_semaphore, #tpu.memory_space<semaphore_mem>>
      %dma_start3A = tpu.memref_slice %arg10[%mul3A_290] : memref<10240xf32, #tpu.memory_space<vmem_shared>> -> memref<640xf32, #tpu.memory_space<vmem_shared>>
      %dma_start3A_307 = tpu.memref_slice %arg10[%mul3A_290] : memref<10240xf32, #tpu.memory_space<vmem_shared>> -> memref<640xf32, #tpu.memory_space<vmem_shared>>
      tpu.enqueue_dma source(%arg8 : memref<640xf32, #tpu.memory_space<vmem>>) target(%dma_start3A_307 : memref<640xf32, #tpu.memory_space<vmem_shared>>) target_semaphore(%run_scoped3A_306 : memref<!tpu.dma_semaphore, #tpu.memory_space<semaphore_mem>>)
      %dma_wait3A = tpu.memref_slice %arg10[%mul3A_290] : memref<10240xf32, #tpu.memory_space<vmem_shared>> -> memref<640xf32, #tpu.memory_space<vmem_shared>>
      %dma_wait3A_308 = tpu.memref_slice %arg10[%mul3A_290] : memref<10240xf32, #tpu.memory_space<vmem_shared>> -> memref<640xf32, #tpu.memory_space<vmem_shared>>
      tpu.wait_dma2 semaphore(%run_scoped3A_306 : memref<!tpu.dma_semaphore, #tpu.memory_space<semaphore_mem>>) src(%arg8 : memref<640xf32, #tpu.memory_space<vmem>>) dst(%dma_wait3A_308 : memref<640xf32, #tpu.memory_space<vmem_shared>>)
      tpu.yield
    }) : () -> ()
    %barrier3A = arith.constant 0 : index
    tpu.barrier barrier_id(%barrier3A)
    "tpu.region"() ({
      %run_scoped3A_306 = tpu.sem_alloc : memref<!tpu.dma_semaphore, #tpu.memory_space<semaphore_mem>>
      %dma_start3A = arith.constant 0 : i32
      %dma_start3A_307 = arith.constant 0 : i32
      %dma_start3A_308 = tpu.memref_slice %arg2[%add3A, %dma_start3A, %dma_start3A_307] : memref<32x80x128xi32, #tpu.memory_space<hbm>> -> memref<1x40x128xi32, #tpu.memory_space<hbm>>
      %dma_start3A_309 = tpu.memref_squeeze %dma_start3A_308 : memref<1x40x128xi32, #tpu.memory_space<hbm>> -> memref<40x128xi32, #tpu.memory_space<hbm>>
      %dma_start3A_310 = arith.constant 0 : i32
      %dma_start3A_311 = arith.constant 0 : i32
      %dma_start3A_312 = tpu.memref_slice %arg2[%add3A, %dma_start3A_310, %dma_start3A_311] : memref<32x80x128xi32, #tpu.memory_space<hbm>> -> memref<1x40x128xi32, #tpu.memory_space<hbm>>
      %dma_start3A_313 = tpu.memref_squeeze %dma_start3A_312 : memref<1x40x128xi32, #tpu.memory_space<hbm>> -> memref<40x128xi32, #tpu.memory_space<hbm>>
      tpu.enqueue_dma source(%dma_start3A_313 : memref<40x128xi32, #tpu.memory_space<hbm>>) target(%arg5 : memref<40x128xi32, #tpu.memory_space<vmem>>) target_semaphore(%run_scoped3A_306 : memref<!tpu.dma_semaphore, #tpu.memory_space<semaphore_mem>>)
      %dma_wait3A = arith.constant 0 : i32
      %dma_wait3A_314 = arith.constant 0 : i32
      %dma_wait3A_315 = tpu.memref_slice %arg2[%add3A, %dma_wait3A, %dma_wait3A_314] : memref<32x80x128xi32, #tpu.memory_space<hbm>> -> memref<1x40x128xi32, #tpu.memory_space<hbm>>
      %dma_wait3A_316 = tpu.memref_squeeze %dma_wait3A_315 : memref<1x40x128xi32, #tpu.memory_space<hbm>> -> memref<40x128xi32, #tpu.memory_space<hbm>>
      %dma_wait3A_317 = arith.constant 0 : i32
      %dma_wait3A_318 = arith.constant 0 : i32
      %dma_wait3A_319 = tpu.memref_slice %arg2[%add3A, %dma_wait3A_317, %dma_wait3A_318] : memref<32x80x128xi32, #tpu.memory_space<hbm>> -> memref<1x40x128xi32, #tpu.memory_space<hbm>>
      %dma_wait3A_320 = tpu.memref_squeeze %dma_wait3A_319 : memref<1x40x128xi32, #tpu.memory_space<hbm>> -> memref<40x128xi32, #tpu.memory_space<hbm>>
      tpu.wait_dma2 semaphore(%run_scoped3A_306 : memref<!tpu.dma_semaphore, #tpu.memory_space<semaphore_mem>>) src(%dma_wait3A_320 : memref<40x128xi32, #tpu.memory_space<hbm>>) dst(%arg5 : memref<40x128xi32, #tpu.memory_space<vmem>>)
      tpu.yield
    }) : () -> ()
    "tpu.region"() ({
      %run_scoped3A_306 = tpu.sem_alloc : memref<!tpu.dma_semaphore, #tpu.memory_space<semaphore_mem>>
      %dma_start3A = arith.constant 0 : i32
      %dma_start3A_307 = arith.constant 0 : i32
      %dma_start3A_308 = tpu.memref_slice %arg3[%add3A, %dma_start3A, %dma_start3A_307] : memref<32x80x128xi32, #tpu.memory_space<hbm>> -> memref<1x40x128xi32, #tpu.memory_space<hbm>>
      %dma_start3A_309 = tpu.memref_squeeze %dma_start3A_308 : memref<1x40x128xi32, #tpu.memory_space<hbm>> -> memref<40x128xi32, #tpu.memory_space<hbm>>
      %dma_start3A_310 = arith.constant 0 : i32
      %dma_start3A_311 = arith.constant 0 : i32
      %dma_start3A_312 = tpu.memref_slice %arg3[%add3A, %dma_start3A_310, %dma_start3A_311] : memref<32x80x128xi32, #tpu.memory_space<hbm>> -> memref<1x40x128xi32, #tpu.memory_space<hbm>>
      %dma_start3A_313 = tpu.memref_squeeze %dma_start3A_312 : memref<1x40x128xi32, #tpu.memory_space<hbm>> -> memref<40x128xi32, #tpu.memory_space<hbm>>
      tpu.enqueue_dma source(%dma_start3A_313 : memref<40x128xi32, #tpu.memory_space<hbm>>) target(%arg6 : memref<40x128xi32, #tpu.memory_space<vmem>>) target_semaphore(%run_scoped3A_306 : memref<!tpu.dma_semaphore, #tpu.memory_space<semaphore_mem>>)
      %dma_wait3A = arith.constant 0 : i32
      %dma_wait3A_314 = arith.constant 0 : i32
      %dma_wait3A_315 = tpu.memref_slice %arg3[%add3A, %dma_wait3A, %dma_wait3A_314] : memref<32x80x128xi32, #tpu.memory_space<hbm>> -> memref<1x40x128xi32, #tpu.memory_space<hbm>>
      %dma_wait3A_316 = tpu.memref_squeeze %dma_wait3A_315 : memref<1x40x128xi32, #tpu.memory_space<hbm>> -> memref<40x128xi32, #tpu.memory_space<hbm>>
      %dma_wait3A_317 = arith.constant 0 : i32
      %dma_wait3A_318 = arith.constant 0 : i32
      %dma_wait3A_319 = tpu.memref_slice %arg3[%add3A, %dma_wait3A_317, %dma_wait3A_318] : memref<32x80x128xi32, #tpu.memory_space<hbm>> -> memref<1x40x128xi32, #tpu.memory_space<hbm>>
      %dma_wait3A_320 = tpu.memref_squeeze %dma_wait3A_319 : memref<1x40x128xi32, #tpu.memory_space<hbm>> -> memref<40x128xi32, #tpu.memory_space<hbm>>
      tpu.wait_dma2 semaphore(%run_scoped3A_306 : memref<!tpu.dma_semaphore, #tpu.memory_space<semaphore_mem>>) src(%dma_wait3A_320 : memref<40x128xi32, #tpu.memory_space<hbm>>) dst(%arg6 : memref<40x128xi32, #tpu.memory_space<vmem>>)
      tpu.yield
    }) : () -> ()
    %scan3A = arith.constant 0 : i32
    %scan3A_291 = arith.constant 0 : i32
    %scan3A_292 = arith.constant 40 : i32
    %scan3A_293 = arith.addi %scan3A_291, %scan3A_292 : i32
    %scan3A_294 = arith.constant 1 : i32
    scf.for %scan3A_306 = %scan3A_291 to %scan3A_293 step %scan3A_294  : i32 {
      %dma_start3A = arith.constant 0 : i32
      %dma_start3A_307 = tpu.memref_slice %arg5[%scan3A_306, %dma_start3A] : memref<40x128xi32, #tpu.memory_space<vmem>> -> memref<1x128xi32, #tpu.memory_space<vmem>>
      %dma_start3A_308 = tpu.memref_squeeze %dma_start3A_307 : memref<1x128xi32, #tpu.memory_space<vmem>> -> memref<128xi32, #tpu.memory_space<vmem>>
      %dma_start3A_309 = arith.constant 0 : i32
      %dma_start3A_310 = tpu.memref_slice %arg9[%dma_start3A_309] : memref<10240xf32, #tpu.memory_space<vmem_shared>> -> memref<10240xf32, #tpu.memory_space<vmem_shared>>
      tpu.enqueue_indirect_dma source(%arg7 : memref<128xf32, #tpu.memory_space<vmem>>) target(%dma_start3A_310 : memref<10240xf32, #tpu.memory_space<vmem_shared>>) offsets(%dma_start3A_308 : memref<128xi32, #tpu.memory_space<vmem>>) semaphore(%arg11 : memref<!tpu.dma_semaphore, #tpu.memory_space<semaphore_mem>>) {add = true}
      %dma_start3A_311 = arith.constant 0 : i32
      %dma_start3A_312 = tpu.memref_slice %arg6[%scan3A_306, %dma_start3A_311] : memref<40x128xi32, #tpu.memory_space<vmem>> -> memref<1x128xi32, #tpu.memory_space<vmem>>
      %dma_start3A_313 = tpu.memref_squeeze %dma_start3A_312 : memref<1x128xi32, #tpu.memory_space<vmem>> -> memref<128xi32, #tpu.memory_space<vmem>>
      %dma_start3A_314 = arith.constant 0 : i32
      %dma_start3A_315 = tpu.memref_slice %arg10[%dma_start3A_314] : memref<10240xf32, #tpu.memory_space<vmem_shared>> -> memref<10240xf32, #tpu.memory_space<vmem_shared>>
      tpu.enqueue_indirect_dma source(%arg7 : memref<128xf32, #tpu.memory_space<vmem>>) target(%dma_start3A_315 : memref<10240xf32, #tpu.memory_space<vmem_shared>>) offsets(%dma_start3A_313 : memref<128xi32, #tpu.memory_space<vmem>>) semaphore(%arg12 : memref<!tpu.dma_semaphore, #tpu.memory_space<semaphore_mem>>) {add = true}
      %dma_wait3A = arith.constant 0 : i32
      %dma_wait3A_316 = tpu.memref_slice %arg5[%scan3A_306, %dma_wait3A] : memref<40x128xi32, #tpu.memory_space<vmem>> -> memref<1x128xi32, #tpu.memory_space<vmem>>
      %dma_wait3A_317 = tpu.memref_squeeze %dma_wait3A_316 : memref<1x128xi32, #tpu.memory_space<vmem>> -> memref<128xi32, #tpu.memory_space<vmem>>
      %dma_wait3A_318 = arith.constant 0 : i32
      %dma_wait3A_319 = tpu.memref_slice %arg9[%dma_wait3A_318] : memref<10240xf32, #tpu.memory_space<vmem_shared>> -> memref<10240xf32, #tpu.memory_space<vmem_shared>>
      tpu.wait_indirect_dma semaphore(%arg11 : memref<!tpu.dma_semaphore, #tpu.memory_space<semaphore_mem>>) src(%arg7 : memref<128xf32, #tpu.memory_space<vmem>>) dst(%dma_wait3A_319 : memref<10240xf32, #tpu.memory_space<vmem_shared>>)
      %dma_wait3A_320 = arith.constant 0 : i32
      %dma_wait3A_321 = tpu.memref_slice %arg6[%scan3A_306, %dma_wait3A_320] : memref<40x128xi32, #tpu.memory_space<vmem>> -> memref<1x128xi32, #tpu.memory_space<vmem>>
      %dma_wait3A_322 = tpu.memref_squeeze %dma_wait3A_321 : memref<1x128xi32, #tpu.memory_space<vmem>> -> memref<128xi32, #tpu.memory_space<vmem>>
      %dma_wait3A_323 = arith.constant 0 : i32
      %dma_wait3A_324 = tpu.memref_slice %arg10[%dma_wait3A_323] : memref<10240xf32, #tpu.memory_space<vmem_shared>> -> memref<10240xf32, #tpu.memory_space<vmem_shared>>
      tpu.wait_indirect_dma semaphore(%arg12 : memref<!tpu.dma_semaphore, #tpu.memory_space<semaphore_mem>>) src(%arg7 : memref<128xf32, #tpu.memory_space<vmem>>) dst(%dma_wait3A_324 : memref<10240xf32, #tpu.memory_space<vmem_shared>>)
    }
    %scan3A_295 = arith.constant 40 : i32
    "tpu.region"() ({
      %run_scoped3A_306 = tpu.sem_alloc : memref<!tpu.dma_semaphore, #tpu.memory_space<semaphore_mem>>
      %dma_start3A = arith.constant 40 : i32
      %dma_start3A_307 = arith.constant 0 : i32
      %dma_start3A_308 = tpu.memref_slice %arg2[%add3A, %dma_start3A, %dma_start3A_307] : memref<32x80x128xi32, #tpu.memory_space<hbm>> -> memref<1x40x128xi32, #tpu.memory_space<hbm>>
      %dma_start3A_309 = tpu.memref_squeeze %dma_start3A_308 : memref<1x40x128xi32, #tpu.memory_space<hbm>> -> memref<40x128xi32, #tpu.memory_space<hbm>>
      %dma_start3A_310 = arith.constant 40 : i32
      %dma_start3A_311 = arith.constant 0 : i32
      %dma_start3A_312 = tpu.memref_slice %arg2[%add3A, %dma_start3A_310, %dma_start3A_311] : memref<32x80x128xi32, #tpu.memory_space<hbm>> -> memref<1x40x128xi32, #tpu.memory_space<hbm>>
      %dma_start3A_313 = tpu.memref_squeeze %dma_start3A_312 : memref<1x40x128xi32, #tpu.memory_space<hbm>> -> memref<40x128xi32, #tpu.memory_space<hbm>>
      tpu.enqueue_dma source(%dma_start3A_313 : memref<40x128xi32, #tpu.memory_space<hbm>>) target(%arg5 : memref<40x128xi32, #tpu.memory_space<vmem>>) target_semaphore(%run_scoped3A_306 : memref<!tpu.dma_semaphore, #tpu.memory_space<semaphore_mem>>)
      %dma_wait3A = arith.constant 40 : i32
      %dma_wait3A_314 = arith.constant 0 : i32
      %dma_wait3A_315 = tpu.memref_slice %arg2[%add3A, %dma_wait3A, %dma_wait3A_314] : memref<32x80x128xi32, #tpu.memory_space<hbm>> -> memref<1x40x128xi32, #tpu.memory_space<hbm>>
      %dma_wait3A_316 = tpu.memref_squeeze %dma_wait3A_315 : memref<1x40x128xi32, #tpu.memory_space<hbm>> -> memref<40x128xi32, #tpu.memory_space<hbm>>
      %dma_wait3A_317 = arith.constant 40 : i32
      %dma_wait3A_318 = arith.constant 0 : i32
      %dma_wait3A_319 = tpu.memref_slice %arg2[%add3A, %dma_wait3A_317, %dma_wait3A_318] : memref<32x80x128xi32, #tpu.memory_space<hbm>> -> memref<1x40x128xi32, #tpu.memory_space<hbm>>
      %dma_wait3A_320 = tpu.memref_squeeze %dma_wait3A_319 : memref<1x40x128xi32, #tpu.memory_space<hbm>> -> memref<40x128xi32, #tpu.memory_space<hbm>>
      tpu.wait_dma2 semaphore(%run_scoped3A_306 : memref<!tpu.dma_semaphore, #tpu.memory_space<semaphore_mem>>) src(%dma_wait3A_320 : memref<40x128xi32, #tpu.memory_space<hbm>>) dst(%arg5 : memref<40x128xi32, #tpu.memory_space<vmem>>)
      tpu.yield
    }) : () -> ()
    "tpu.region"() ({
      %run_scoped3A_306 = tpu.sem_alloc : memref<!tpu.dma_semaphore, #tpu.memory_space<semaphore_mem>>
      %dma_start3A = arith.constant 40 : i32
      %dma_start3A_307 = arith.constant 0 : i32
      %dma_start3A_308 = tpu.memref_slice %arg3[%add3A, %dma_start3A, %dma_start3A_307] : memref<32x80x128xi32, #tpu.memory_space<hbm>> -> memref<1x40x128xi32, #tpu.memory_space<hbm>>
      %dma_start3A_309 = tpu.memref_squeeze %dma_start3A_308 : memref<1x40x128xi32, #tpu.memory_space<hbm>> -> memref<40x128xi32, #tpu.memory_space<hbm>>
      %dma_start3A_310 = arith.constant 40 : i32
      %dma_start3A_311 = arith.constant 0 : i32
      %dma_start3A_312 = tpu.memref_slice %arg3[%add3A, %dma_start3A_310, %dma_start3A_311] : memref<32x80x128xi32, #tpu.memory_space<hbm>> -> memref<1x40x128xi32, #tpu.memory_space<hbm>>
      %dma_start3A_313 = tpu.memref_squeeze %dma_start3A_312 : memref<1x40x128xi32, #tpu.memory_space<hbm>> -> memref<40x128xi32, #tpu.memory_space<hbm>>
      tpu.enqueue_dma source(%dma_start3A_313 : memref<40x128xi32, #tpu.memory_space<hbm>>) target(%arg6 : memref<40x128xi32, #tpu.memory_space<vmem>>) target_semaphore(%run_scoped3A_306 : memref<!tpu.dma_semaphore, #tpu.memory_space<semaphore_mem>>)
      %dma_wait3A = arith.constant 40 : i32
      %dma_wait3A_314 = arith.constant 0 : i32
      %dma_wait3A_315 = tpu.memref_slice %arg3[%add3A, %dma_wait3A, %dma_wait3A_314] : memref<32x80x128xi32, #tpu.memory_space<hbm>> -> memref<1x40x128xi32, #tpu.memory_space<hbm>>
      %dma_wait3A_316 = tpu.memref_squeeze %dma_wait3A_315 : memref<1x40x128xi32, #tpu.memory_space<hbm>> -> memref<40x128xi32, #tpu.memory_space<hbm>>
      %dma_wait3A_317 = arith.constant 40 : i32
      %dma_wait3A_318 = arith.constant 0 : i32
      %dma_wait3A_319 = tpu.memref_slice %arg3[%add3A, %dma_wait3A_317, %dma_wait3A_318] : memref<32x80x128xi32, #tpu.memory_space<hbm>> -> memref<1x40x128xi32, #tpu.memory_space<hbm>>
      %dma_wait3A_320 = tpu.memref_squeeze %dma_wait3A_319 : memref<1x40x128xi32, #tpu.memory_space<hbm>> -> memref<40x128xi32, #tpu.memory_space<hbm>>
      tpu.wait_dma2 semaphore(%run_scoped3A_306 : memref<!tpu.dma_semaphore, #tpu.memory_space<semaphore_mem>>) src(%dma_wait3A_320 : memref<40x128xi32, #tpu.memory_space<hbm>>) dst(%arg6 : memref<40x128xi32, #tpu.memory_space<vmem>>)
      tpu.yield
    }) : () -> ()
    %scan3A_296 = arith.constant 0 : i32
    %scan3A_297 = arith.constant 0 : i32
    %scan3A_298 = arith.constant 40 : i32
    %scan3A_299 = arith.addi %scan3A_297, %scan3A_298 : i32
    %scan3A_300 = arith.constant 1 : i32
    scf.for %scan3A_306 = %scan3A_297 to %scan3A_299 step %scan3A_300  : i32 {
      %dma_start3A = arith.constant 0 : i32
      %dma_start3A_307 = tpu.memref_slice %arg5[%scan3A_306, %dma_start3A] : memref<40x128xi32, #tpu.memory_space<vmem>> -> memref<1x128xi32, #tpu.memory_space<vmem>>
      %dma_start3A_308 = tpu.memref_squeeze %dma_start3A_307 : memref<1x128xi32, #tpu.memory_space<vmem>> -> memref<128xi32, #tpu.memory_space<vmem>>
      %dma_start3A_309 = arith.constant 0 : i32
      %dma_start3A_310 = tpu.memref_slice %arg9[%dma_start3A_309] : memref<10240xf32, #tpu.memory_space<vmem_shared>> -> memref<10240xf32, #tpu.memory_space<vmem_shared>>
      tpu.enqueue_indirect_dma source(%arg7 : memref<128xf32, #tpu.memory_space<vmem>>) target(%dma_start3A_310 : memref<10240xf32, #tpu.memory_space<vmem_shared>>) offsets(%dma_start3A_308 : memref<128xi32, #tpu.memory_space<vmem>>) semaphore(%arg11 : memref<!tpu.dma_semaphore, #tpu.memory_space<semaphore_mem>>) {add = true}
      %dma_start3A_311 = arith.constant 0 : i32
      %dma_start3A_312 = tpu.memref_slice %arg6[%scan3A_306, %dma_start3A_311] : memref<40x128xi32, #tpu.memory_space<vmem>> -> memref<1x128xi32, #tpu.memory_space<vmem>>
      %dma_start3A_313 = tpu.memref_squeeze %dma_start3A_312 : memref<1x128xi32, #tpu.memory_space<vmem>> -> memref<128xi32, #tpu.memory_space<vmem>>
      %dma_start3A_314 = arith.constant 0 : i32
      %dma_start3A_315 = tpu.memref_slice %arg10[%dma_start3A_314] : memref<10240xf32, #tpu.memory_space<vmem_shared>> -> memref<10240xf32, #tpu.memory_space<vmem_shared>>
      tpu.enqueue_indirect_dma source(%arg7 : memref<128xf32, #tpu.memory_space<vmem>>) target(%dma_start3A_315 : memref<10240xf32, #tpu.memory_space<vmem_shared>>) offsets(%dma_start3A_313 : memref<128xi32, #tpu.memory_space<vmem>>) semaphore(%arg12 : memref<!tpu.dma_semaphore, #tpu.memory_space<semaphore_mem>>) {add = true}
      %dma_wait3A = arith.constant 0 : i32
      %dma_wait3A_316 = tpu.memref_slice %arg5[%scan3A_306, %dma_wait3A] : memref<40x128xi32, #tpu.memory_space<vmem>> -> memref<1x128xi32, #tpu.memory_space<vmem>>
      %dma_wait3A_317 = tpu.memref_squeeze %dma_wait3A_316 : memref<1x128xi32, #tpu.memory_space<vmem>> -> memref<128xi32, #tpu.memory_space<vmem>>
      %dma_wait3A_318 = arith.constant 0 : i32
      %dma_wait3A_319 = tpu.memref_slice %arg9[%dma_wait3A_318] : memref<10240xf32, #tpu.memory_space<vmem_shared>> -> memref<10240xf32, #tpu.memory_space<vmem_shared>>
      tpu.wait_indirect_dma semaphore(%arg11 : memref<!tpu.dma_semaphore, #tpu.memory_space<semaphore_mem>>) src(%arg7 : memref<128xf32, #tpu.memory_space<vmem>>) dst(%dma_wait3A_319 : memref<10240xf32, #tpu.memory_space<vmem_shared>>)
      %dma_wait3A_320 = arith.constant 0 : i32
      %dma_wait3A_321 = tpu.memref_slice %arg6[%scan3A_306, %dma_wait3A_320] : memref<40x128xi32, #tpu.memory_space<vmem>> -> memref<1x128xi32, #tpu.memory_space<vmem>>
      %dma_wait3A_322 = tpu.memref_squeeze %dma_wait3A_321 : memref<1x128xi32, #tpu.memory_space<vmem>> -> memref<128xi32, #tpu.memory_space<vmem>>
      %dma_wait3A_323 = arith.constant 0 : i32
      %dma_wait3A_324 = tpu.memref_slice %arg10[%dma_wait3A_323] : memref<10240xf32, #tpu.memory_space<vmem_shared>> -> memref<10240xf32, #tpu.memory_space<vmem_shared>>
      tpu.wait_indirect_dma semaphore(%arg12 : memref<!tpu.dma_semaphore, #tpu.memory_space<semaphore_mem>>) src(%arg7 : memref<128xf32, #tpu.memory_space<vmem>>) dst(%dma_wait3A_324 : memref<10240xf32, #tpu.memory_space<vmem_shared>>)
    }
    %scan3A_301 = arith.constant 40 : i32
    %barrier3A_302 = arith.constant 0 : index
    tpu.barrier barrier_id(%barrier3A_302)
    %mul3A_303 = arith.constant 640 : i32
    %mul3A_304 = arith.muli %arg1, %mul3A_303 : i32
    %run_scoped3A = arith.constant 0 : i32
    "tpu.region"() ({
      %run_scoped3A_306 = tpu.sem_alloc : memref<!tpu.dma_semaphore, #tpu.memory_space<semaphore_mem>>
      %dma_start3A = tpu.memref_slice %arg4[%arg0, %run_scoped3A, %mul3A_304] : memref<2x2x10240xf32, #tpu.memory_space<hbm>> -> memref<1x1x640xf32, #tpu.memory_space<hbm>>
      %dma_start3A_307 = tpu.memref_squeeze %dma_start3A : memref<1x1x640xf32, #tpu.memory_space<hbm>> -> memref<640xf32, #tpu.memory_space<hbm>>
      %dma_start3A_308 = tpu.memref_slice %arg9[%mul3A_304] : memref<10240xf32, #tpu.memory_space<vmem_shared>> -> memref<640xf32, #tpu.memory_space<vmem_shared>>
      tpu.enqueue_dma source(%dma_start3A_308 : memref<640xf32, #tpu.memory_space<vmem_shared>>) target(%dma_start3A_307 : memref<640xf32, #tpu.memory_space<hbm>>) target_semaphore(%run_scoped3A_306 : memref<!tpu.dma_semaphore, #tpu.memory_space<semaphore_mem>>)
      %dma_wait3A = tpu.memref_slice %arg4[%arg0, %run_scoped3A, %mul3A_304] : memref<2x2x10240xf32, #tpu.memory_space<hbm>> -> memref<1x1x640xf32, #tpu.memory_space<hbm>>
      %dma_wait3A_309 = tpu.memref_squeeze %dma_wait3A : memref<1x1x640xf32, #tpu.memory_space<hbm>> -> memref<640xf32, #tpu.memory_space<hbm>>
      %dma_wait3A_310 = tpu.memref_slice %arg9[%mul3A_304] : memref<10240xf32, #tpu.memory_space<vmem_shared>> -> memref<640xf32, #tpu.memory_space<vmem_shared>>
      tpu.wait_dma2 semaphore(%run_scoped3A_306 : memref<!tpu.dma_semaphore, #tpu.memory_space<semaphore_mem>>) src(%dma_wait3A_310 : memref<640xf32, #tpu.memory_space<vmem_shared>>) dst(%dma_wait3A_309 : memref<640xf32, #tpu.memory_space<hbm>>)
      tpu.yield
    }) : () -> ()
    %run_scoped3A_305 = arith.constant 1 : i32
    "tpu.region"() ({
      %run_scoped3A_306 = tpu.sem_alloc : memref<!tpu.dma_semaphore, #tpu.memory_space<semaphore_mem>>
      %dma_start3A = tpu.memref_slice %arg4[%arg0, %run_scoped3A_305, %mul3A_304] : memref<2x2x10240xf32, #tpu.memory_space<hbm>> -> memref<1x1x640xf32, #tpu.memory_space<hbm>>
      %dma_start3A_307 = tpu.memref_squeeze %dma_start3A : memref<1x1x640xf32, #tpu.memory_space<hbm>> -> memref<640xf32, #tpu.memory_space<hbm>>
      %dma_start3A_308 = tpu.memref_slice %arg10[%mul3A_304] : memref<10240xf32, #tpu.memory_space<vmem_shared>> -> memref<640xf32, #tpu.memory_space<vmem_shared>>
      tpu.enqueue_dma source(%dma_start3A_308 : memref<640xf32, #tpu.memory_space<vmem_shared>>) target(%dma_start3A_307 : memref<640xf32, #tpu.memory_space<hbm>>) target_semaphore(%run_scoped3A_306 : memref<!tpu.dma_semaphore, #tpu.memory_space<semaphore_mem>>)
      %dma_wait3A = tpu.memref_slice %arg4[%arg0, %run_scoped3A_305, %mul3A_304] : memref<2x2x10240xf32, #tpu.memory_space<hbm>> -> memref<1x1x640xf32, #tpu.memory_space<hbm>>
      %dma_wait3A_309 = tpu.memref_squeeze %dma_wait3A : memref<1x1x640xf32, #tpu.memory_space<hbm>> -> memref<640xf32, #tpu.memory_space<hbm>>
      %dma_wait3A_310 = tpu.memref_slice %arg10[%mul3A_304] : memref<10240xf32, #tpu.memory_space<vmem_shared>> -> memref<640xf32, #tpu.memory_space<vmem_shared>>
      tpu.wait_dma2 semaphore(%run_scoped3A_306 : memref<!tpu.dma_semaphore, #tpu.memory_space<semaphore_mem>>) src(%dma_wait3A_310 : memref<640xf32, #tpu.memory_space<vmem_shared>>) dst(%dma_wait3A_309 : memref<640xf32, #tpu.memory_space<hbm>>)
      tpu.yield
    }) : () -> ()
    return
  }
}

module attributes {stable_mosaic.version = 14 : i64} {
  func.func @_tc_prep_body(%arg0: i32, %arg1: memref<1000x128xf32, #tpu.memory_space<vmem>>, %arg2: memref<1000x4xf32, #tpu.memory_space<vmem>>, %arg3: memref<1000x128xf32, #tpu.memory_space<vmem>>) attributes {dimension_semantics = [#tpu.dimension_semantics<arbitrary>], iteration_bounds = array<i64: 10>, scalar_prefetch = 0 : i64, scratch_operands = 0 : i64, tpu.core_type = #tpu.core_type<tc>, window_params = [{transform_indices = @transform_0, window_bounds = array<i64: 1000, 128>}, {transform_indices = @transform_1, window_bounds = array<i64: 1000, 4>}, {transform_indices = @transform_2, window_bounds = array<i64: 1000, 128>}]} {
    %get3A = arith.constant 0 : index
    %get3A_0 = arith.constant 0 : index
    %get3A_1 = vector.load %arg2[%get3A, %get3A_0] : memref<1000x4xf32, #tpu.memory_space<vmem>>, vector<1000x1xf32>
    %get3A_2 = arith.constant 0 : index
    %get3A_3 = arith.constant 2 : index
    %get3A_4 = vector.load %arg2[%get3A_2, %get3A_3] : memref<1000x4xf32, #tpu.memory_space<vmem>>, vector<1000x1xf32>
    %add3A = arith.addf %get3A_1, %get3A_4 : vector<1000x1xf32>
    %max3A = arith.constant 1.000000e+00 : f32
    %max3A_5 = vector.broadcast %max3A : f32 to vector<1000x1xf32>
    %max3A_6 = arith.maximumf %add3A, %max3A_5 : vector<1000x1xf32>
    %rsqrt3A = math.rsqrt %max3A_6 : vector<1000x1xf32>
    %get3A_7 = arith.constant 0 : index
    %get3A_8 = arith.constant 0 : index
    %get3A_9 = vector.load %arg1[%get3A_7, %get3A_8] : memref<1000x128xf32, #tpu.memory_space<vmem>>, vector<1000x128xf32>
    %mul3A = vector.broadcast %rsqrt3A : vector<1000x1xf32> to vector<1000x128xf32>
    %mul3A_10 = arith.mulf %get3A_9, %mul3A : vector<1000x128xf32>
    %swap3A = arith.constant 0 : index
    %swap3A_11 = arith.constant 0 : index
    %swap3A_12 = vector.load %arg3[%swap3A, %swap3A_11] : memref<1000x128xf32, #tpu.memory_space<vmem>>, vector<1000x128xf32>
    tpu.vector_store %arg3[%swap3A, %swap3A_11], %mul3A_10 {strides = array<i32>} : memref<1000x128xf32, #tpu.memory_space<vmem>>, vector<1000x128xf32>,
    return
  }
  func.func @transform_0(%arg0: i32) -> (i32, i32) {
    %c0_i32 = arith.constant 0 : i32
    %c0_i32_0 = arith.constant 0 : i32
    return %arg0, %c0_i32 : i32, i32
  }
  func.func @transform_1(%arg0: i32) -> (i32, i32) {
    %c0_i32 = arith.constant 0 : i32
    %c0_i32_0 = arith.constant 0 : i32
    return %arg0, %c0_i32 : i32, i32
  }
  func.func @transform_2(%arg0: i32) -> (i32, i32) {
    %c0_i32 = arith.constant 0 : i32
    %c0_i32_0 = arith.constant 0 : i32
    return %arg0, %c0_i32 : i32, i32
  }
}

module attributes {stable_mosaic.version = 14 : i64} {
  func.func @_tc_final_body(%arg0: i32, %arg1: memref<2x1000x128xf32, #tpu.memory_space<vmem>>, %arg2: memref<1000x4xf32, #tpu.memory_space<vmem>>, %arg3: memref<1000x128xf32, #tpu.memory_space<vmem>>) attributes {dimension_semantics = [#tpu.dimension_semantics<arbitrary>], iteration_bounds = array<i64: 10>, scalar_prefetch = 0 : i64, scratch_operands = 0 : i64, tpu.core_type = #tpu.core_type<tc>, window_params = [{transform_indices = @transform_0, window_bounds = array<i64: 2, 1000, 128>}, {transform_indices = @transform_1, window_bounds = array<i64: 1000, 4>}, {transform_indices = @transform_2, window_bounds = array<i64: 1000, 128>}]} {
    %get3A = arith.constant 0 : index
    %get3A_0 = arith.constant 1 : index
    %get3A_1 = vector.load %arg2[%get3A, %get3A_0] : memref<1000x4xf32, #tpu.memory_space<vmem>>, vector<1000x1xf32>
    %get3A_2 = arith.constant 0 : index
    %get3A_3 = arith.constant 3 : index
    %get3A_4 = vector.load %arg2[%get3A_2, %get3A_3] : memref<1000x4xf32, #tpu.memory_space<vmem>>, vector<1000x1xf32>
    %add3A = arith.addf %get3A_1, %get3A_4 : vector<1000x1xf32>
    %max3A = arith.constant 1.000000e+00 : f32
    %max3A_5 = vector.broadcast %max3A : f32 to vector<1000x1xf32>
    %max3A_6 = arith.maximumf %add3A, %max3A_5 : vector<1000x1xf32>
    %rsqrt3A = math.rsqrt %max3A_6 : vector<1000x1xf32>
    %get3A_7 = arith.constant 0 : index
    %get3A_8 = arith.constant 0 : index
    %get3A_9 = arith.constant 0 : index
    %get3A_10 = vector.load %arg1[%get3A_7, %get3A_8, %get3A_9] : memref<2x1000x128xf32, #tpu.memory_space<vmem>>, vector<1x1000x128xf32>
    %get3A_11 = vector.shape_cast %get3A_10 : vector<1x1000x128xf32> to vector<1000x128xf32>
    %get3A_12 = arith.constant 1 : index
    %get3A_13 = arith.constant 0 : index
    %get3A_14 = arith.constant 0 : index
    %get3A_15 = vector.load %arg1[%get3A_12, %get3A_13, %get3A_14] : memref<2x1000x128xf32, #tpu.memory_space<vmem>>, vector<1x1000x128xf32>
    %get3A_16 = vector.shape_cast %get3A_15 : vector<1x1000x128xf32> to vector<1000x128xf32>
    %add3A_17 = arith.addf %get3A_11, %get3A_16 : vector<1000x128xf32>
    %mul3A = vector.broadcast %rsqrt3A : vector<1000x1xf32> to vector<1000x128xf32>
    %mul3A_18 = arith.mulf %add3A_17, %mul3A : vector<1000x128xf32>
    %swap3A = arith.constant 0 : index
    %swap3A_19 = arith.constant 0 : index
    %swap3A_20 = vector.load %arg3[%swap3A, %swap3A_19] : memref<1000x128xf32, #tpu.memory_space<vmem>>, vector<1000x128xf32>
    tpu.vector_store %arg3[%swap3A, %swap3A_19], %mul3A_18 {strides = array<i32>} : memref<1000x128xf32, #tpu.memory_space<vmem>>, vector<1000x128xf32>,
    return
  }
  func.func @transform_0(%arg0: i32) -> (i32, i32, i32) {
    %c0_i32 = arith.constant 0 : i32
    %c0_i32_0 = arith.constant 0 : i32
    %c0_i32_1 = arith.constant 0 : i32
    return %c0_i32, %arg0, %c0_i32_0 : i32, i32, i32
  }
  func.func @transform_1(%arg0: i32) -> (i32, i32) {
    %c0_i32 = arith.constant 0 : i32
    %c0_i32_0 = arith.constant 0 : i32
    return %arg0, %c0_i32 : i32, i32
  }
  func.func @transform_2(%arg0: i32) -> (i32, i32) {
    %c0_i32 = arith.constant 0 : i32
    %c0_i32_0 = arith.constant 0 : i32
    return %arg0, %c0_i32 : i32, i32
  }
}

</mosaic_0001>

<sc_bundles>
// kernel: kernel.6.cloned.1.call-start
scs
__scs_entry_jumppad:
0x0: {  	(pc) =	sbr.rel $0x88, $3  }
0x1: {  	(tag) =	ssettag $0x0;
	lr =	simm.s32 $0x1  }
0x2: {  	[smem:$0x3F9F] =	sst lr;
	_ =	strace $0xD0000000  }
0x3: {  	_ = 	snop  }
0x4: {  	_ = 	snop  }
0x5: {  	_ = 	snop  }
0x6: {  	_ = 	snop  }
0x7: {  	_ = 	snop  }
__scs_overlays_trampoline_lowered:
0x8: {  	[smem:$0x3FAE] =	sst s0  }
0x9: {  	[smem:$0x3FAF] =	sst s1  }
0xa: {  	[smem:$0x3FB0] =	sst s2  }
0xb: {  	[smem:$0x3FB1] =	sst s3  }
0xc: {  	[smem:$0x3FB2] =	sst s4  }
0xd: {  	[smem:$0x3FB3] =	sst s5  }
0xe: {  	[smem:$0x3FB4] =	sst s6  }
0xf: {  	[smem:$0x3FB5] =	sst s7  }
0x10: {  	[smem:$0x3FB6] =	sst s8  }
0x11: {  	[smem:$0x3FB7] =	sst s9;
	s0 =	simm.s32 @!p0 $0x0  }
0x12: {  	s1 =	sld [smem:$0x3F9D];
	s0 =	simm.s32 @p0 $0x1  }
0x13: {  	[smem:$0x3FB8] =	sst s0;
	s0 =	simm.s32 @!p1 $0x0  }
0x14: {  	s2 =	sld [smem:$0x3F9C];
	s0 =	simm.s32 @p1 $0x1  }
0x15: {  	[smem:$0x3FB9] =	sst s0;
	s0 =	simm.s32 @!p2 $0x0  }
0x16: {  	s3 =	sld [smem:$0x3FDB];
	s0 =	simm.s32 @p2 $0x1  }
0x17: {  	s4 =	simm.s32 $0x1BF5;
	[smem:$0x3FBB] =	sst s0  }
0x18: {  	s0 =	sld [smem:$0x3F9E];
	_ =	swait.ge [sflag:s4], $0x0  }
0x19: {  	s7 =	sld [smem:$0x3F9F]  }
0x1a: {  	s8 =	sadd.s32 $0xFFFFE003, lr  }
0x1b: {  	s9 =	sadd.s32 $0xFFFFFEF7, lr;
	s5 =	simm.s32 $0xFFFFFFFF;
	p2 =	slt.u32 s8, $0xFFFFF086  }
0x1c: {  	p1 =	slt.u32 s9, $0xF7A;
	s5 =	simm.s32 @!p2 $0x0  }
0x1d: {  	s5 =	simm.s32 @p1 $0x1;
	p0 =	seq.s32 s7, s2  }
0x1e: {  	s7 =	smul.u32 @!p0 $0xF7A, s2;
	p2 =	seq.s32 @!p0 s5, $0x0  }
0x1f: {  	s9 =	smul.u32 $0xF7A, s1;
	s8 =	simm.s32 @!p0 $0x1BF5;
	p2 =	por !p2, p0  }
0x20: {  	[sflag:s8] =	ssyncset.s32 @!p0 $0xFFFFF086;
	s6 =	sadd.s32 @!p0 s3, s7;
	s7 =	simm.s32 @!p0 $0x108  }
0x21: {  	s3 =	sadd.s32 s3, s9;
	s6 =	sadd.s32 @!p0 $0x88, s6;
	s7 =	simm.s32 @p2 $0x1082  }
0x22: {  	[simem:s7], [sflag:s8] =	dma.local @!p0 [hbm:s6], $0xF7A  }
0x23: {  	s9 =	sor.u32 $0xD0000000, s2;
	s6 =	simm.s32 $0x108;
	_ =	swait.ge @!p0 [sflag:s8], $0x0  }
0x24: {  	s3 =	sadd.s32 $0x88, s3;
	s6 =	simm.s32 @!p1 $0x1082;
	[sflag:s4] =	ssyncset.s32 $0xFFFFF086  }
0x25: {  	[simem:s6], [sflag:s4] =	dma.local [hbm:s3], $0xF7A  }
0x26: {  	[smem:$0x3F9F] =	sst s1;
	(tag) =	ssettag s2;
	_ =	strace s9  }
0x27: {  	s1 =	sld [smem:$0x3FAF]  }
0x28: {  	s2 =	sld [smem:$0x3FB0]  }
0x29: {  	s4 =	sld [smem:$0x3FB2]  }
0x2a: {  	p0 =	seq.s32 s5, $0x0;
	s5 =	sld [smem:$0x3FB3]  }
0x2b: {  	s6 =	sld [smem:$0x3FB4]  }
0x2c: {  	s7 =	sld [smem:$0x3FB5]  }
0x2d: {  	s3 =	simm.s32 $0x108;
	s8 =	sld [smem:$0x3FB6]  }
0x2e: {  	s3 =	simm.s32 @!p0 $0x1082;
	s9 =	sld [smem:$0x3FB7]  }
0x2f: {  	lr =	sadd.s32 s0, s3;
	s0 =	sld [smem:$0x3FAE]  }
0x30: {  	s3 =	sld [smem:$0x3FB1]  }
0x31: {  	[smem:$0x3FBA] =	sst s10  }
0x32: {  	s10 =	sld [smem:$0x3FB8];
	_ =	sdelay $0x3  }
0x33: {  	p0 =	seq.s32 s10, $0x1;
	s10 =	sld [smem:$0x3FBA];
	_ =	sdelay $0x3  }
0x34: {  	[smem:$0x3FBA] =	sst s10  }
0x35: {  	s10 =	sld [smem:$0x3FB9];
	_ =	sdelay $0x3  }
0x36: {  	p1 =	seq.s32 s10, $0x1;
	s10 =	sld [smem:$0x3FBA];
	_ =	sdelay $0x3  }
0x37: {  	[smem:$0x3FBA] =	sst s10  }
0x38: {  	s10 =	sld [smem:$0x3FBB]  }
0x39: {  	_ = 	snop;
	(pc) =	sbr.ind lr, $3  }
0x3a: {  	_ = 	snop  }
0x3b: {  	_ = 	snop  }
0x3c: {  	p2 =	seq.s32 s10, $0x1;
	s10 =	sld [smem:$0x3FBA]  }
0x3d: {  	_ =	shalt  }
0x3e: {  	_ =	shalt  }
0x3f: {  	_ =	shalt  }
0x40: {  	_ =	shalt  }
0x41: {  	_ =	shalt  }
0x42: {  	_ =	shalt  }
0x43: {  	_ =	shalt  }
0x44: {  	_ =	shalt  }
0x45: {  	_ =	shalt  }
0x46: {  	_ =	shalt  }
0x47: {  	_ =	shalt  }
0x48: {  	_ =	shalt  }
0x49: {  	_ =	shalt  }
0x4a: {  	_ =	shalt  }
0x4b: {  	_ =	shalt  }
0x4c: {  	_ =	shalt  }
0x4d: {  	_ =	shalt  }
0x4e: {  	_ =	shalt  }
0x4f: {  	_ =	shalt  }
0x50: {  	_ =	shalt  }
0x51: {  	_ =	shalt  }
0x52: {  	_ =	shalt  }
0x53: {  	_ =	shalt  }
0x54: {  	_ =	shalt  }
0x55: {  	_ =	shalt  }
0x56: {  	_ =	shalt  }
0x57: {  	_ =	shalt  }
0x58: {  	_ =	shalt  }
0x59: {  	_ =	shalt  }
0x5a: {  	_ =	shalt  }
0x5b: {  	_ =	shalt  }
0x5c: {  	_ =	shalt  }
0x5d: {  	_ =	shalt  }
0x5e: {  	_ =	shalt  }
0x5f: {  	_ =	shalt  }
0x60: {  	_ =	shalt  }
0x61: {  	_ =	shalt  }
0x62: {  	_ =	shalt  }
0x63: {  	_ =	shalt  }
0x64: {  	_ =	shalt  }
0x65: {  	_ =	shalt  }
0x66: {  	_ =	shalt  }
0x67: {  	_ =	shalt  }
0x68: {  	_ =	shalt  }
0x69: {  	_ =	shalt  }
0x6a: {  	_ =	shalt  }
0x6b: {  	_ =	shalt  }
0x6c: {  	_ =	shalt  }
0x6d: {  	_ =	shalt  }
0x6e: {  	_ =	shalt  }
0x6f: {  	_ =	shalt  }
0x70: {  	_ =	shalt  }
0x71: {  	_ =	shalt  }
0x72: {  	_ =	shalt  }
0x73: {  	_ =	shalt  }
0x74: {  	_ =	shalt  }
0x75: {  	_ =	shalt  }
0x76: {  	_ =	shalt  }
0x77: {  	_ =	shalt  }
0x78: {  	_ =	shalt  }
0x79: {  	_ =	shalt  }
0x7a: {  	_ =	shalt  }
0x7b: {  	_ =	shalt  }
0x7c: {  	_ =	shalt  }
0x7d: {  	_ =	shalt  }
0x7e: {  	_ =	shalt  }
0x7f: {  	_ =	shalt  }
0x80: {  	_ =	shalt  }
0x81: {  	_ =	shalt  }
0x82: {  	_ =	shalt  }
0x83: {  	_ =	shalt  }
0x84: {  	_ =	shalt  }
0x85: {  	_ =	shalt  }
0x86: {  	_ =	shalt  }
0x87: {  	_ =	shalt  }
.Lfunc_end0:
.L_simem_size_0:
called_computation_lowered:
.L_overlay_start_0:
0x88: {  	s2 =	sld [smem:$0x3FD9]  }
0x89: {  	s3 =	sld [smem:$0x3FFE];
	_ =	sdelay $0x1  }
0x8a: {  	s1 =	srdreg.scid  }
0x8b: {  	s0 =	sand.u32 $0x1, s1  }
0x8c: {  	s17 =	sshll.u32 s0, $0xA;
	s2 =	sadd.s32 s3, s2  }
0x8d: {  	s2 =	sadd.s32 s2, s17  }
0x8e: {  	[smem:$0x3FC6] =	sst s2  }
0x8f: {  	_ = 	snop  }
0x90: {  	s2 =	sld [smem:$0x3FD0];
	(tm) =	ssettm $0x1  }
0x91: {  	s18 =	sld [smem:$0x3FFB];
	_ =	sdelay $0x3  }
0x92: {  	_ =	strace s18  }
0x93: {  	s3 =	sld [smem:$0x3FFC];
	_ =	sdelay $0x3  }
0x94: {  	_ =	strace s3  }
0x95: {  	s3 =	sld [smem:$0x3FFD];
	_ =	sdelay $0x3  }
0x96: {  	_ =	strace s3  }
0x97: {  	_ =	strace $0x8FFFFFFF  }
0x98: {  	s19 =	sld [smem:$0x3FDB];
	_ =	sdelay $0x1  }
0x99: {  	s4 =	simm.s32 $_scs_section_size  }
0x9a: {  	s5 =	simm.s32 $_size__tile_overlayer_lowered;
	s6 =	simm.s32 $_tile_overlayer_lowered  }
0x9b: {  	s22 =	simm.s32 $0x1BFF;
	s21 =	sshll.u32 s6, $0x1;
	s3 =	sadd.s32 s4, s19  }
0x9c: {  	s7 =	simm.s32 $0x0;
	s20 =	sshll.u32 s5, $0x1;
	s5 =	sadd.s32 s21, s3  }
0x9d: {  	[timem:s7], [sflag:s22] =	dma.local [hbm:s5], s20  }
0x9e: {  	_ =	swait.ge [sflag:s22], s20  }
0x9f: {  	s4 =	ssub.s32 $0x0, s20;
	[sflag:s22] =	ssyncset.done $0x0  }
0xa0: {  	[sflag:s22] =	ssyncadd.s32 s4;
	_ =	sdelay $0x1  }
0xa1: {  	s23 =	simm.s32 $0x1B8B  }
0xa2: {  	_ =	swait.ge [sflag:s23], $0x1  }
0xa3: {  	[sflag:s23] =	ssyncset.done $0x0  }
0xa4: {  	s25 =	simm.s32 $0x1B8E;
	s24 =	sld [smem:$0x3FFE];
	[sflag:s23] =	ssyncadd.s32 $0xFFFFFFFF  }
0xa5: {  	s26 =	simm.s32 $execute0_lowered;
	[smem:$0x3FD2] =	sst s25  }
0xa6: {  	s5 =	sshll.u32 s26, $0x1;
	_ =	strace $0x80000046;
	[dreg:$0x1] =	wrdreg $0xFFFFFFFF  }
0xa7: {  	s28 =	simm.s32 $_size_execute0_lowered;
	s3 =	sadd.s32 s3, s5;
	[dreg:$0x0] =	wrdreg $0x0  }
0xa8: {  	s5 =	sshll.u32 s28, $0x1;
	[dreg:$0x2] =	wrdreg s3  }
0xa9: {  	[dreg:$0x3] =	wrdreg s5  }
0xaa: {  	[dreg:$0x4] =	wrdreg $0xC0  }
0xab: {  	_ =	task [dreg:s7], $0x5FFFF  }
0xac: {  	[dreg:$0x1] =	wrdreg $0xFFFFFFFF  }
0xad: {  	[dreg:$0x0] =	wrdreg $0x60  }
0xae: {  	[dreg:$0x2] =	wrdreg s24  }
0xaf: {  	[dreg:$0x3] =	wrdreg s2  }
0xb0: {  	[dreg:$0x4] =	wrdreg $0x2B000  }
0xb1: {  	[dreg:$0x5] =	wrdreg $0x2D800  }
0xb2: {  	[dreg:$0x6] =	wrdreg $0x9  }
0xb3: {  	_ =	task.clear_ibuf [dreg:s7], $0x7FFFF;
	_ =	strace $0x90000046  }
0xb4: {  	s29 =	simm.s32 $0x9;
	_ =	strace $0x80000048  }
0xb5: {  	_ =	swait.ge [sflag:s29], $0x1  }
0xb6: {  	[sflag:s29] =	ssyncadd.s32 $0xFFFFFFFF  }
0xb7: {  	_ =	strace $0x90000048  }
0xb8: {  	_ =	sfence  }
0xb9: {  	s30 =	sld [smem:$0x0];
	_ =	sdelay $0x2  }
0xba: {  	s31 =	sshll.u32 s1, $0xD;
	s1 =	sshrl.u32 s1, $0x2  }
0xbb: {  	s3 =	sand.u32 $0x4000, s31;
	s1 =	sadd.s32 s1, s30  }
0xbc: {  	s0 =	sor.u32 s3, s0;
	s1 =	sshll.u32 s1, $0x11  }
0xbd: {  	s0 =	sor.u32 s1, s0  }
0xbe: {  	s0 =	sadd.s32 $0x8F2B, s0  }
0xbf: {  	[sflag:s0] =	ssyncadd.remote.s32 $0x1  }
0xc0: {  	_ =	sfence.sel $0xFFFF  }
0xc1: {  	[dreg:$0x0] =	wrdreg $0xFFFFFFFF;
	(pc) =	sbr.abs _section_cstart, $3  }
0xc2: {  	[dreg:$0x1] =	wrdreg $0xFFFFFFFF  }
0xc3: {  	_ =	task.clear_ibuf [dreg:s7], $0x2FFFF;
	_ =	strace $0x9FFFFFFF  }
0xc4: {  	(tm) =	ssettm $0x7FFFFFFF  }
0xc5: {  	_ =	shalt  }
tec
execute0_lowered:
.L_overlay_start_1:
0x0: {  	(tag) =	ssettag $0x1  }
0x1: {  	s5 =	rddreg [dreg:$0x0]  }
0x2: {  	s10 =	rddreg [dreg:$0x1]  }
0x3: {  	s2 =	rddreg [dreg:$0x2];
	s0 =	srdreg.scid  }
0x4: {  	s3 =	rddreg [dreg:$0x3];
	s1 =	stileid.u32  }
0x5: {  	s4 =	simm.s32 $0x0;
	s15 =	simm.s32 $0x3;
	s16 =	simm.s32 $0x1400  }
0x6: {  	s17 =	simm.s32 $0x80;
	s18 =	simm.s32 $0x2800;
	s19 =	simm.s32 $0x1  }
0x7: {  	s20 =	simm.s32 $0x2;
	s21 =	simm.s32 $0x20;
	s22 =	simm.s32 $0x10  }
0x8: {  	s6 =	sand.u32 $0x1, s0;
	s0 =	rddreg [dreg:$0x4];
	s8 =	smul.u32 $0x500, s1  }
0x9: {  	s23 =	simm.s32 $0x0;
	[smem:$0x7FF] =	sst s4;
	s7 =	smul.u32 $0x5000, s6  }
0xa: {  	s9 =	smul.u32 $0x280, s1;
	s12 =	sadd.s32 $0x1600, s5;
	s29 =	sshll.u32 s6, $0x4  }
0xb: {  	s6 =	ssub.s32 $0x2, s6;
	s7 =	sadd.s32 s8, s7;
	s8 =	sor.u32 s1, s29  }
0xc: {  	_ =	strace $0x80000047;
	s11 =	sshrl.u32 s6, $0x1;
	s8 =	smul.u32 $0x2800, s8  }
0xd: {  	s14 =	ssub.s32 s6, s11;
	s6 =	sadd.s32 s9, s3;
	s7 =	sshrl.u32 s7, $0x3  }
0xe: {  	s13 =	sadd.s32 s7, s5;
	s5 =	sadd.s32 s9, s2;
	s30 =	sshrl.u32 s8, $0x3  }
0xf: {  	s11 =	sadd.s32 $0xB600, s13;
	s7 =	sadd.s32 s12, s30;
	s31 =	sadd.s32 $0x280, s30  }
0x10: {  	s8 =	sadd.s32 s10, s30;
	s9 =	sadd.s32 s12, s31;
	s10 =	sadd.s32 s10, s31  }
0x11: {  	v0 =	vimm.f32 $0.0e+00;
	v1 =	vimm.f32 $1.000000000e+00;
	s12 =	sadd.s32 $0xB610, s13;
	s13 =	smax.u32 s14, $0x1;
	s14 =	simm.s32 $0x2880  }
.LBB2_1:
0x12: {  	[tilespmem:$0x2880] =	vst v0  }
0x13: {  	[tilespmem:$0x2890] =	vst v0  }
0x14: {  	[tilespmem:$0x28A0] =	vst v0  }
0x15: {  	[tilespmem:$0x28B0] =	vst v0  }
0x16: {  	[tilespmem:$0x28C0] =	vst v0  }
0x17: {  	[tilespmem:$0x28D0] =	vst v0  }
0x18: {  	[tilespmem:$0x28E0] =	vst v0  }
0x19: {  	[tilespmem:$0x28F0] =	vst v0  }
0x1a: {  	[tilespmem:$0x2900] =	vst v0  }
0x1b: {  	[tilespmem:$0x2910] =	vst v0  }
0x1c: {  	[tilespmem:$0x2920] =	vst v0  }
0x1d: {  	[tilespmem:$0x2930] =	vst v0  }
0x1e: {  	[tilespmem:$0x2940] =	vst v0  }
0x1f: {  	[tilespmem:$0x2950] =	vst v0  }
0x20: {  	[tilespmem:$0x2960] =	vst v0  }
0x21: {  	[tilespmem:$0x2970] =	vst v0  }
0x22: {  	[tilespmem:$0x2980] =	vst v0  }
0x23: {  	[tilespmem:$0x2990] =	vst v0  }
0x24: {  	[tilespmem:$0x29A0] =	vst v0  }
0x25: {  	[tilespmem:$0x29B0] =	vst v0  }
0x26: {  	[tilespmem:$0x29C0] =	vst v0  }
0x27: {  	[tilespmem:$0x29D0] =	vst v0  }
0x28: {  	[tilespmem:$0x29E0] =	vst v0  }
0x29: {  	[tilespmem:$0x29F0] =	vst v0  }
0x2a: {  	[tilespmem:$0x2A00] =	vst v0  }
0x2b: {  	[tilespmem:$0x2A10] =	vst v0  }
0x2c: {  	[tilespmem:$0x2A20] =	vst v0  }
0x2d: {  	[tilespmem:$0x2A30] =	vst v0  }
0x2e: {  	[tilespmem:$0x2A40] =	vst v0  }
0x2f: {  	[tilespmem:$0x2A50] =	vst v0  }
0x30: {  	[tilespmem:$0x2A60] =	vst v0  }
0x31: {  	[tilespmem:$0x2A70] =	vst v0  }
0x32: {  	[tilespmem:$0x2A80] =	vst v0  }
0x33: {  	[tilespmem:$0x2A90] =	vst v0  }
0x34: {  	[tilespmem:$0x2AA0] =	vst v0  }
0x35: {  	[tilespmem:$0x2AB0] =	vst v0  }
0x36: {  	[tilespmem:$0x2AC0] =	vst v0  }
0x37: {  	[tilespmem:$0x2AD0] =	vst v0  }
0x38: {  	[tilespmem:$0x2AE0] =	vst v0  }
0x39: {  	[tilespmem:$0x2AF0] =	vst v0  }
0x3a: {  	[tilespmem:$0x2800] =	vst v1  }
0x3b: {  	[tilespmem:$0x2810] =	vst v1  }
0x3c: {  	[tilespmem:$0x2820] =	vst v1  }
0x3d: {  	[tilespmem:$0x2830] =	vst v1  }
0x3e: {  	[tilespmem:$0x2840] =	vst v1  }
0x3f: {  	[tilespmem:$0x2850] =	vst v1  }
0x40: {  	[tilespmem:$0x2860] =	vst v1  }
0x41: {  	[tilespmem:$0x2870] =	vst v1  }
0x42: {  	[spmem:s5] =	stream.linear.scatter [tilespmem:s14], [sflag:$0x3], $0x280, $0x38;
	[tilespmem:$0x3000] =	vst v63  }
0x43: {  	_ =	swait.ge [sflag:s15], $0x280  }
0x44: {  	[sflag:s15] =	ssyncset.done $0x0  }
0x45: {  	[sflag:s15] =	ssyncadd.s32 $0xFFFFFD80  }
0x46: {  	[spmem:s6] =	stream.linear.scatter [tilespmem:s14], [sflag:$0x3], $0x280, $0x38;
	[tilespmem:$0x3000] =	vst v63  }
0x47: {  	_ =	swait.ge [sflag:s15], $0x280  }
0x48: {  	[sflag:s15] =	ssyncset.done $0x0  }
0x49: {  	[sflag:s15] =	ssyncadd.s32 $0xFFFFFD80  }
0x4a: {  	[bflag:$0x0] =	sbarrier.arrive $0xFFFF  }
0x4b: {  	[tilespmem:s4], [sflag:$0x3] =	stream.linear.gather [hbm4b:s7+s4], $0x1400, $0x38;
	[tilespmem:$0x3000] =	vst v63  }
0x4c: {  	_ =	swait.ge [sflag:s15], $0x1400  }
0x4d: {  	[sflag:s15] =	ssyncset.done $0x0  }
0x4e: {  	[sflag:s15] =	ssyncadd.s32 $0xFFFFEC00  }
0x4f: {  	[tilespmem:s16], [sflag:$0x3] =	stream.linear.gather [hbm4b:s8+s4], $0x1400, $0x38;
	[tilespmem:$0x3000] =	vst v63  }
0x50: {  	_ =	swait.ge [sflag:s15], $0x1400  }
0x51: {  	[sflag:s15] =	ssyncset.done $0x0  }
0x52: {  	s24 =	simm.s32 $0x0;
	[sflag:s15] =	ssyncadd.s32 $0xFFFFEC00  }
0x53: {  	[spmem:s2] =	stream.indirect.scatter.add.f32 [tilespmem:s18], [sflag:$0x1], $0x1, s24, s17, $0xb8;
	[tilespmem:$0x3000] =	vst v63  }
0x54: {  	s31 =	simm.s32 $0x1400  }
0x55: {  	[spmem:s3] =	stream.indirect.scatter.add.f32 [tilespmem:s18], [sflag:$0x2], $0x1, s31, s17, $0xb8;
	[tilespmem:$0x3000] =	vst v63  }
0x56: {  	_ =	swait.ge [sflag:s19], $0x80  }
0x57: {  	[sflag:s19] =	ssyncset.done $0x0  }
0x58: {  	[sflag:s19] =	ssyncadd.s32 $0xFFFFFF80  }
0x59: {  	_ =	swait.ge [sflag:s20], $0x80  }
0x5a: {  	s25 =	simm.s32 $0x400;
	s24 =	simm.s32 $0x200;
	[sflag:s20] =	ssyncset.done $0x0  }
.LBB2_2:
0x5b: {  	s26 =	sshra.s32 s24, $0x2  }
0x5c: {  	[sflag:s20] =	ssyncadd.s32 $0xFFFFFF80;
	s24 =	smov.u32 s25;
	s28 =	sadd.s32 $0x200, s25  }
0x5d: {  	[spmem:s2] =	stream.indirect.scatter.add.f32 [tilespmem:s18], [sflag:$0x1], $0x1, s26, s17, $0xb8;
	[tilespmem:$0x3000] =	vst v63  }
0x5e: {  	p0 =	sne.s32 s25, $0x4E00;
	s25 =	sadd.s32 $0x1400, s26  }
0x5f: {  	[spmem:s3] =	stream.indirect.scatter.add.f32 [tilespmem:s18], [sflag:$0x2], $0x1, s25, s17, $0xb8;
	[tilespmem:$0x3000] =	vst v63  }
.Ltmp0:
0x60: {  	_ =	swait.ge [sflag:s19], $0x80;
	(pc) =	sbr.rel @p0 .LBB2_2-.Ltmp0, $4  }
0x61: {  	[sflag:s19] =	ssyncset.done $0x0  }
0x62: {  	[sflag:s19] =	ssyncadd.s32 $0xFFFFFF80  }
0x63: {  	_ =	swait.ge [sflag:s20], $0x80  }
0x64: {  	s25 =	smov.u32 s28;
	[sflag:s20] =	ssyncset.done $0x0  }
0x65: {  	s24 =	sshra.s32 s24, $0x2;
	[sflag:s20] =	ssyncadd.s32 $0xFFFFFF80  }
0x66: {  	[spmem:s2] =	stream.indirect.scatter.add.f32 [tilespmem:s18], [sflag:$0x1], $0x1, s24, s17, $0xb8;
	[tilespmem:$0x3000] =	vst v63  }
0x67: {  	s24 =	sadd.s32 $0x1400, s24  }
0x68: {  	[spmem:s3] =	stream.indirect.scatter.add.f32 [tilespmem:s18], [sflag:$0x2], $0x1, s24, s17, $0xb8;
	[tilespmem:$0x3000] =	vst v63  }
0x69: {  	_ =	swait.ge [sflag:s19], $0x80  }
0x6a: {  	[sflag:s19] =	ssyncset.done $0x0  }
0x6b: {  	[sflag:s19] =	ssyncadd.s32 $0xFFFFFF80  }
0x6c: {  	_ =	swait.ge [sflag:s20], $0x80  }
0x6d: {  	[sflag:s20] =	ssyncset.done $0x0  }
0x6e: {  	s29 =	simm.s32 $0x0;
	[sflag:s20] =	ssyncadd.s32 $0xFFFFFF80  }
0x6f: {  	[tilespmem:s29], [sflag:$0x3] =	stream.linear.gather [hbm4b:s9+s29], $0x1400, $0x38;
	[tilespmem:$0x3000] =	vst v63  }
0x70: {  	_ =	swait.ge [sflag:s15], $0x1400  }
0x71: {  	[sflag:s15] =	ssyncset.done $0x0  }
0x72: {  	[sflag:s15] =	ssyncadd.s32 $0xFFFFEC00  }
0x73: {  	[tilespmem:s16], [sflag:$0x3] =	stream.linear.gather [hbm4b:s10+s29], $0x1400, $0x38;
	[tilespmem:$0x3000] =	vst v63  }
0x74: {  	_ =	swait.ge [sflag:s15], $0x1400  }
0x75: {  	[sflag:s15] =	ssyncset.done $0x0  }
0x76: {  	s30 =	simm.s32 $0x0;
	[sflag:s15] =	ssyncadd.s32 $0xFFFFEC00  }
0x77: {  	[spmem:s2] =	stream.indirect.scatter.add.f32 [tilespmem:s18], [sflag:$0x1], $0x1, s30, s17, $0xb8;
	[tilespmem:$0x3000] =	vst v63  }
0x78: {  	s31 =	simm.s32 $0x1400  }
0x79: {  	[spmem:s3] =	stream.indirect.scatter.add.f32 [tilespmem:s18], [sflag:$0x2], $0x1, s31, s17, $0xb8;
	[tilespmem:$0x3000] =	vst v63  }
0x7a: {  	_ =	swait.ge [sflag:s19], $0x80  }
0x7b: {  	[sflag:s19] =	ssyncset.done $0x0  }
0x7c: {  	[sflag:s19] =	ssyncadd.s32 $0xFFFFFF80  }
0x7d: {  	_ =	swait.ge [sflag:s20], $0x80  }
0x7e: {  	s25 =	simm.s32 $0x400;
	s24 =	simm.s32 $0x200;
	[sflag:s20] =	ssyncset.done $0x0  }
.LBB2_4:
0x7f: {  	s26 =	sshra.s32 s24, $0x2  }
0x80: {  	[sflag:s20] =	ssyncadd.s32 $0xFFFFFF80;
	s24 =	smov.u32 s25;
	s28 =	sadd.s32 $0x200, s25  }
0x81: {  	[spmem:s2] =	stream.indirect.scatter.add.f32 [tilespmem:s18], [sflag:$0x1], $0x1, s26, s17, $0xb8;
	[tilespmem:$0x3000] =	vst v63  }
0x82: {  	p0 =	sne.s32 s25, $0x4E00;
	s25 =	sadd.s32 $0x1400, s26  }
0x83: {  	[spmem:s3] =	stream.indirect.scatter.add.f32 [tilespmem:s18], [sflag:$0x2], $0x1, s25, s17, $0xb8;
	[tilespmem:$0x3000] =	vst v63  }
.Ltmp1:
0x84: {  	_ =	swait.ge [sflag:s19], $0x80;
	(pc) =	sbr.rel @p0 .LBB2_4-.Ltmp1, $4  }
0x85: {  	[sflag:s19] =	ssyncset.done $0x0  }
0x86: {  	[sflag:s19] =	ssyncadd.s32 $0xFFFFFF80  }
0x87: {  	_ =	swait.ge [sflag:s20], $0x80  }
0x88: {  	s25 =	smov.u32 s28;
	[sflag:s20] =	ssyncset.done $0x0  }
0x89: {  	s24 =	sshra.s32 s24, $0x2;
	[sflag:s20] =	ssyncadd.s32 $0xFFFFFF80  }
0x8a: {  	[spmem:s2] =	stream.indirect.scatter.add.f32 [tilespmem:s18], [sflag:$0x1], $0x1, s24, s17, $0xb8;
	[tilespmem:$0x3000] =	vst v63  }
0x8b: {  	s24 =	sadd.s32 $0x1400, s24  }
0x8c: {  	[spmem:s3] =	stream.indirect.scatter.add.f32 [tilespmem:s18], [sflag:$0x2], $0x1, s24, s17, $0xb8;
	[tilespmem:$0x3000] =	vst v63  }
0x8d: {  	_ =	swait.ge [sflag:s19], $0x80  }
0x8e: {  	[sflag:s19] =	ssyncset.done $0x0  }
0x8f: {  	[sflag:s19] =	ssyncadd.s32 $0xFFFFFF80  }
0x90: {  	_ =	swait.ge [sflag:s20], $0x80  }
0x91: {  	[sflag:s20] =	ssyncset.done $0x0  }
0x92: {  	s30 =	sshll.u32 s1, $0x6;
	[sflag:s20] =	ssyncadd.s32 $0xFFFFFF80  }
0x93: {  	s25 =	sshrl.u32 s5, $0x3;
	s24 =	sor.u32 $0x1C03, s30;
	[bflag:$0x0] =	sbarrier.arrive $0xFFFF  }
0x94: {  	[hbm:s11@s21], [sflag:s24] =	dma.strided [spmem:s25@s22], $0x50, s19, $0x10   }
0x95: {  	s23 =	sadd.s32 $0x1, s23;
	_ =	swait.ge [sflag:s15], $0x50  }
0x96: {  	p0 =	sne.s32 s23, s13;
	[sflag:s15] =	ssyncset.done $0x0  }
.Ltmp2:
0x97: {  	s31 =	sshrl.u32 s6, $0x3;
	[sflag:s15] =	ssyncadd.s32 $0xFFFFFFB0;
	(pc) =	sbr.rel @p0 .LBB2_1-.Ltmp2, $4  }
0x98: {  	[hbm:s12@s21], [sflag:s24] =	dma.strided [spmem:s31@s22], $0x50, s19, $0x10   }
0x99: {  	_ =	swait.ge [sflag:s15], $0x50  }
0x9a: {  	[sflag:s15] =	ssyncset.done $0x0  }
0x9b: {  	[sflag:s15] =	ssyncadd.s32 $0xFFFFFFB0  }
0x9c: {  	_ =	sfence.sel $0x180000  }
0x9d: {  	[bflag:$0x0] =	sbarrier.arrive $0xFFFF  }
0x9e: {  	p0 =	sne.s32 s1, $0x0;
	_ =	strace $0x90000047  }
0x9f: {  	s0 =	sadd.s32 @!p0 $0x100000, s0;
	[bflag:$0x2] =	sbarrier.arrive $0xFFFF  }
0xa0: {  	[sflag:s0] =	ssyncadd.tile.s32 @!p0 $0x1;
	_ =	shalt  }
.Lfunc_end2:
_tile_overlayer_lowered:
.L_overlay_start_2:
0xa1: {  	(tag) =	ssettag $0x2  }
0xa2: {  	s0 =	rddreg [dreg:$0x0];
	s2 =	stileid.u32  }
0xa3: {  	s1 =	rddreg [dreg:$0x1];
	p0 =	sne.s32 s2, $0x0  }
0xa4: {  	s3 =	rddreg [dreg:$0x2];
	[bflag:$0x3] =	sbarrier.arrive $0xFFFF;
	s2 =	simm.s32 @!p0 $0x1C03  }
0xa5: {  	[timem:s3], [sflag:s2] =	dma.local @!p0 [hbm:s0], s1  }
0xa6: {  	s0 =	simm.s32 @!p0 $0x3  }
0xa7: {  	_ =	swait.ge @!p0 [sflag:s0], s1  }
0xa8: {  	s1 =	ssub.s32 @!p0 $0x0, s1;
	[sflag:s0] =	ssyncset.done @!p0 $0x0  }
0xa9: {  	[sflag:s0] =	ssyncadd.s32 @!p0 s1  }
0xaa: {  	[bflag:$0x3] =	sbarrier.arrive $0xFFFF  }
0xab: {  	_ =	shalt  }

// kernel: kernel.9.cloned.1.call-start
scs
__scs_entry_jumppad:
0x0: {  	(pc) =	sbr.rel $0x88, $3  }
0x1: {  	(tag) =	ssettag $0x0;
	lr =	simm.s32 $0x1  }
0x2: {  	[smem:$0x3F9F] =	sst lr;
	_ =	strace $0xD0000000  }
0x3: {  	_ = 	snop  }
0x4: {  	_ = 	snop  }
0x5: {  	_ = 	snop  }
0x6: {  	_ = 	snop  }
0x7: {  	_ = 	snop  }
__scs_overlays_trampoline_lowered:
0x8: {  	[smem:$0x3FAE] =	sst s0  }
0x9: {  	[smem:$0x3FAF] =	sst s1  }
0xa: {  	[smem:$0x3FB0] =	sst s2  }
0xb: {  	[smem:$0x3FB1] =	sst s3  }
0xc: {  	[smem:$0x3FB2] =	sst s4  }
0xd: {  	[smem:$0x3FB3] =	sst s5  }
0xe: {  	[smem:$0x3FB4] =	sst s6  }
0xf: {  	[smem:$0x3FB5] =	sst s7  }
0x10: {  	[smem:$0x3FB6] =	sst s8  }
0x11: {  	[smem:$0x3FB7] =	sst s9;
	s0 =	simm.s32 @!p0 $0x0  }
0x12: {  	s1 =	sld [smem:$0x3F9D];
	s0 =	simm.s32 @p0 $0x1  }
0x13: {  	[smem:$0x3FB8] =	sst s0;
	s0 =	simm.s32 @!p1 $0x0  }
0x14: {  	s2 =	sld [smem:$0x3F9C];
	s0 =	simm.s32 @p1 $0x1  }
0x15: {  	[smem:$0x3FB9] =	sst s0;
	s0 =	simm.s32 @!p2 $0x0  }
0x16: {  	s3 =	sld [smem:$0x3FDB];
	s0 =	simm.s32 @p2 $0x1  }
0x17: {  	s4 =	simm.s32 $0x1BF5;
	[smem:$0x3FBB] =	sst s0  }
0x18: {  	s0 =	sld [smem:$0x3F9E];
	_ =	swait.ge [sflag:s4], $0x0  }
0x19: {  	s7 =	sld [smem:$0x3F9F]  }
0x1a: {  	s8 =	sadd.s32 $0xFFFFE003, lr  }
0x1b: {  	s9 =	sadd.s32 $0xFFFFFEF7, lr;
	s5 =	simm.s32 $0xFFFFFFFF;
	p2 =	slt.u32 s8, $0xFFFFF086  }
0x1c: {  	p1 =	slt.u32 s9, $0xF7A;
	s5 =	simm.s32 @!p2 $0x0  }
0x1d: {  	s5 =	simm.s32 @p1 $0x1;
	p0 =	seq.s32 s7, s2  }
0x1e: {  	s7 =	smul.u32 @!p0 $0xF7A, s2;
	p2 =	seq.s32 @!p0 s5, $0x0  }
0x1f: {  	s9 =	smul.u32 $0xF7A, s1;
	s8 =	simm.s32 @!p0 $0x1BF5;
	p2 =	por !p2, p0  }
0x20: {  	[sflag:s8] =	ssyncset.s32 @!p0 $0xFFFFF086;
	s6 =	sadd.s32 @!p0 s3, s7;
	s7 =	simm.s32 @!p0 $0x108  }
0x21: {  	s3 =	sadd.s32 s3, s9;
	s6 =	sadd.s32 @!p0 $0x88, s6;
	s7 =	simm.s32 @p2 $0x1082  }
0x22: {  	[simem:s7], [sflag:s8] =	dma.local @!p0 [hbm:s6], $0xF7A  }
0x23: {  	s9 =	sor.u32 $0xD0000000, s2;
	s6 =	simm.s32 $0x108;
	_ =	swait.ge @!p0 [sflag:s8], $0x0  }
0x24: {  	s3 =	sadd.s32 $0x88, s3;
	s6 =	simm.s32 @!p1 $0x1082;
	[sflag:s4] =	ssyncset.s32 $0xFFFFF086  }
0x25: {  	[simem:s6], [sflag:s4] =	dma.local [hbm:s3], $0xF7A  }
0x26: {  	[smem:$0x3F9F] =	sst s1;
	(tag) =	ssettag s2;
	_ =	strace s9  }
0x27: {  	s1 =	sld [smem:$0x3FAF]  }
0x28: {  	s2 =	sld [smem:$0x3FB0]  }
0x29: {  	s4 =	sld [smem:$0x3FB2]  }
0x2a: {  	p0 =	seq.s32 s5, $0x0;
	s5 =	sld [smem:$0x3FB3]  }
0x2b: {  	s6 =	sld [smem:$0x3FB4]  }
0x2c: {  	s7 =	sld [smem:$0x3FB5]  }
0x2d: {  	s3 =	simm.s32 $0x108;
	s8 =	sld [smem:$0x3FB6]  }
0x2e: {  	s3 =	simm.s32 @!p0 $0x1082;
	s9 =	sld [smem:$0x3FB7]  }
0x2f: {  	lr =	sadd.s32 s0, s3;
	s0 =	sld [smem:$0x3FAE]  }
0x30: {  	s3 =	sld [smem:$0x3FB1]  }
0x31: {  	[smem:$0x3FBA] =	sst s10  }
0x32: {  	s10 =	sld [smem:$0x3FB8];
	_ =	sdelay $0x3  }
0x33: {  	p0 =	seq.s32 s10, $0x1;
	s10 =	sld [smem:$0x3FBA];
	_ =	sdelay $0x3  }
0x34: {  	[smem:$0x3FBA] =	sst s10  }
0x35: {  	s10 =	sld [smem:$0x3FB9];
	_ =	sdelay $0x3  }
0x36: {  	p1 =	seq.s32 s10, $0x1;
	s10 =	sld [smem:$0x3FBA];
	_ =	sdelay $0x3  }
0x37: {  	[smem:$0x3FBA] =	sst s10  }
0x38: {  	s10 =	sld [smem:$0x3FBB]  }
0x39: {  	_ = 	snop;
	(pc) =	sbr.ind lr, $3  }
0x3a: {  	_ = 	snop  }
0x3b: {  	_ = 	snop  }
0x3c: {  	p2 =	seq.s32 s10, $0x1;
	s10 =	sld [smem:$0x3FBA]  }
0x3d: {  	_ =	shalt  }
0x3e: {  	_ =	shalt  }
0x3f: {  	_ =	shalt  }
0x40: {  	_ =	shalt  }
0x41: {  	_ =	shalt  }
0x42: {  	_ =	shalt  }
0x43: {  	_ =	shalt  }
0x44: {  	_ =	shalt  }
0x45: {  	_ =	shalt  }
0x46: {  	_ =	shalt  }
0x47: {  	_ =	shalt  }
0x48: {  	_ =	shalt  }
0x49: {  	_ =	shalt  }
0x4a: {  	_ =	shalt  }
0x4b: {  	_ =	shalt  }
0x4c: {  	_ =	shalt  }
0x4d: {  	_ =	shalt  }
0x4e: {  	_ =	shalt  }
0x4f: {  	_ =	shalt  }
0x50: {  	_ =	shalt  }
0x51: {  	_ =	shalt  }
0x52: {  	_ =	shalt  }
0x53: {  	_ =	shalt  }
0x54: {  	_ =	shalt  }
0x55: {  	_ =	shalt  }
0x56: {  	_ =	shalt  }
0x57: {  	_ =	shalt  }
0x58: {  	_ =	shalt  }
0x59: {  	_ =	shalt  }
0x5a: {  	_ =	shalt  }
0x5b: {  	_ =	shalt  }
0x5c: {  	_ =	shalt  }
0x5d: {  	_ =	shalt  }
0x5e: {  	_ =	shalt  }
0x5f: {  	_ =	shalt  }
0x60: {  	_ =	shalt  }
0x61: {  	_ =	shalt  }
0x62: {  	_ =	shalt  }
0x63: {  	_ =	shalt  }
0x64: {  	_ =	shalt  }
0x65: {  	_ =	shalt  }
0x66: {  	_ =	shalt  }
0x67: {  	_ =	shalt  }
0x68: {  	_ =	shalt  }
0x69: {  	_ =	shalt  }
0x6a: {  	_ =	shalt  }
0x6b: {  	_ =	shalt  }
0x6c: {  	_ =	shalt  }
0x6d: {  	_ =	shalt  }
0x6e: {  	_ =	shalt  }
0x6f: {  	_ =	shalt  }
0x70: {  	_ =	shalt  }
0x71: {  	_ =	shalt  }
0x72: {  	_ =	shalt  }
0x73: {  	_ =	shalt  }
0x74: {  	_ =	shalt  }
0x75: {  	_ =	shalt  }
0x76: {  	_ =	shalt  }
0x77: {  	_ =	shalt  }
0x78: {  	_ =	shalt  }
0x79: {  	_ =	shalt  }
0x7a: {  	_ =	shalt  }
0x7b: {  	_ =	shalt  }
0x7c: {  	_ =	shalt  }
0x7d: {  	_ =	shalt  }
0x7e: {  	_ =	shalt  }
0x7f: {  	_ =	shalt  }
0x80: {  	_ =	shalt  }
0x81: {  	_ =	shalt  }
0x82: {  	_ =	shalt  }
0x83: {  	_ =	shalt  }
0x84: {  	_ =	shalt  }
0x85: {  	_ =	shalt  }
0x86: {  	_ =	shalt  }
0x87: {  	_ =	shalt  }
.Lfunc_end0:
.L_simem_size_0:
called_computation.1_lowered:
.L_overlay_start_0:
0x88: {  	s2 =	sld [smem:$0x3FD9]  }
0x89: {  	s3 =	sld [smem:$0x3FFE];
	_ =	sdelay $0x1  }
0x8a: {  	s1 =	srdreg.scid  }
0x8b: {  	s0 =	sand.u32 $0x1, s1  }
0x8c: {  	s17 =	sshll.u32 s0, $0xA;
	s2 =	sadd.s32 s3, s2  }
0x8d: {  	s2 =	sadd.s32 s2, s17  }
0x8e: {  	[smem:$0x3FC6] =	sst s2  }
0x8f: {  	_ = 	snop  }
0x90: {  	s2 =	sld [smem:$0x3FD0];
	(tm) =	ssettm $0x1  }
0x91: {  	s18 =	sld [smem:$0x3FFB];
	_ =	sdelay $0x3  }
0x92: {  	_ =	strace s18  }
0x93: {  	s3 =	sld [smem:$0x3FFC];
	_ =	sdelay $0x3  }
0x94: {  	_ =	strace s3  }
0x95: {  	s3 =	sld [smem:$0x3FFD];
	_ =	sdelay $0x3  }
0x96: {  	_ =	strace s3  }
0x97: {  	_ =	strace $0x8FFFFFFF  }
0x98: {  	s19 =	sld [smem:$0x3FDB];
	_ =	sdelay $0x1  }
0x99: {  	s4 =	simm.s32 $_scs_section_size  }
0x9a: {  	s5 =	simm.s32 $_size__tile_overlayer_lowered;
	s6 =	simm.s32 $_tile_overlayer_lowered  }
0x9b: {  	s22 =	simm.s32 $0x1BFF;
	s21 =	sshll.u32 s6, $0x1;
	s3 =	sadd.s32 s4, s19  }
0x9c: {  	s7 =	simm.s32 $0x0;
	s20 =	sshll.u32 s5, $0x1;
	s5 =	sadd.s32 s21, s3  }
0x9d: {  	[timem:s7], [sflag:s22] =	dma.local [hbm:s5], s20  }
0x9e: {  	_ =	swait.ge [sflag:s22], s20  }
0x9f: {  	s4 =	ssub.s32 $0x0, s20;
	[sflag:s22] =	ssyncset.done $0x0  }
0xa0: {  	[sflag:s22] =	ssyncadd.s32 s4;
	_ =	sdelay $0x1  }
0xa1: {  	s23 =	simm.s32 $0x1B8B  }
0xa2: {  	_ =	swait.ge [sflag:s23], $0x1  }
0xa3: {  	[sflag:s23] =	ssyncset.done $0x0  }
0xa4: {  	s25 =	simm.s32 $0x1B8E;
	s24 =	sld [smem:$0x3FFE];
	[sflag:s23] =	ssyncadd.s32 $0xFFFFFFFF  }
0xa5: {  	s26 =	simm.s32 $execute0_lowered;
	[smem:$0x3FD2] =	sst s25  }
0xa6: {  	s5 =	sshll.u32 s26, $0x1;
	_ =	strace $0x80000049;
	[dreg:$0x1] =	wrdreg $0xFFFFFFFF  }
0xa7: {  	s28 =	simm.s32 $_size_execute0_lowered;
	s3 =	sadd.s32 s3, s5;
	[dreg:$0x0] =	wrdreg $0x0  }
0xa8: {  	s5 =	sshll.u32 s28, $0x1;
	[dreg:$0x2] =	wrdreg s3  }
0xa9: {  	[dreg:$0x3] =	wrdreg s5  }
0xaa: {  	[dreg:$0x4] =	wrdreg $0xC0  }
0xab: {  	_ =	task [dreg:s7], $0x5FFFF  }
0xac: {  	[dreg:$0x1] =	wrdreg $0xFFFFFFFF  }
0xad: {  	[dreg:$0x0] =	wrdreg $0x60  }
0xae: {  	[dreg:$0x2] =	wrdreg s24  }
0xaf: {  	[dreg:$0x3] =	wrdreg s2  }
0xb0: {  	[dreg:$0x4] =	wrdreg $0xA0000  }
0xb1: {  	[dreg:$0x5] =	wrdreg $0x9  }
0xb2: {  	_ =	task.clear_ibuf [dreg:s7], $0x6FFFF;
	_ =	strace $0x90000049  }
0xb3: {  	s29 =	simm.s32 $0x9;
	_ =	strace $0x8000004B  }
0xb4: {  	_ =	swait.ge [sflag:s29], $0x1  }
0xb5: {  	[sflag:s29] =	ssyncadd.s32 $0xFFFFFFFF  }
0xb6: {  	_ =	strace $0x9000004B  }
0xb7: {  	_ =	sfence  }
0xb8: {  	s30 =	sld [smem:$0x0];
	_ =	sdelay $0x2  }
0xb9: {  	s31 =	sshll.u32 s1, $0xD;
	s1 =	sshrl.u32 s1, $0x2  }
0xba: {  	s3 =	sand.u32 $0x4000, s31;
	s1 =	sadd.s32 s1, s30  }
0xbb: {  	s0 =	sor.u32 s3, s0;
	s1 =	sshll.u32 s1, $0x11  }
0xbc: {  	s0 =	sor.u32 s1, s0  }
0xbd: {  	s0 =	sadd.s32 $0x8F2B, s0  }
0xbe: {  	[sflag:s0] =	ssyncadd.remote.s32 $0x1  }
0xbf: {  	_ =	sfence.sel $0xFFFF  }
0xc0: {  	[dreg:$0x0] =	wrdreg $0xFFFFFFFF;
	(pc) =	sbr.abs _section_cstart, $3  }
0xc1: {  	[dreg:$0x1] =	wrdreg $0xFFFFFFFF  }
0xc2: {  	_ =	task.clear_ibuf [dreg:s7], $0x2FFFF;
	_ =	strace $0x9FFFFFFF  }
0xc3: {  	(tm) =	ssettm $0x7FFFFFFF  }
tec
execute0_lowered:
.L_overlay_start_1:
0x0: {  	(tag) =	ssettag $0x1  }
0x1: {  	s0 =	rddreg [dreg:$0x0]  }
0x2: {  	s2 =	rddreg [dreg:$0x1]  }
0x3: {  	s1 =	rddreg [dreg:$0x2]  }
0x4: {  	s3 =	srdreg.scid;
	s11 =	stileid.u32;
	s30 =	simm.s32 $0x80  }
0x5: {  	s31 =	simm.s32 $0x6000;
	s29 =	simm.s32 $0x1000;
	s28 =	simm.s32 $0x1B00  }
0x6: {  	s5 =	sand.u32 $0x1, s3;
	s3 =	simm.s32 $0x0;
	s7 =	smul.u32 $0x14000, s11  }
0x7: {  	s4 =	sadd.s32 $0xB600, s0;
	s26 =	smul.u32 $0x50000, s11;
	s8 =	sadd.s32 $0x1600, s0  }
0x8: {  	s6 =	smul.u32 $0x140000, s5;
	[smem:$0x7FF] =	sst s3;
	s9 =	sshll.u32 s5, $0x4  }
0x9: {  	s10 =	ssub.s32 $0x2, s5;
	_ =	strace $0x8000004A;
	s9 =	sor.u32 s11, s9  }
0xa: {  	s11 =	sshrl.u32 s10, $0x1;
	s6 =	sadd.s32 s7, s6;
	s7 =	sshrl.u32 s26, $0x2  }
0xb: {  	s9 =	smul.u32 $0x2800, s9;
	s12 =	ssub.s32 s10, s11;
	s5 =	sadd.s32 s7, s1  }
0xc: {  	s11 =	simm.s32 $0x1100;
	s26 =	smax.u32 s12, $0x1;
	[dreg:$0x14] =	wrdreg s5  }
0xd: {  	s6 =	sshrl.u32 s6, $0x3;
	s13 =	sadd.s32 $0x4000, s5;
	[dreg:$0x13] =	wrdreg s26  }
0xe: {  	s12 =	simm.s32 $0x1880;
	s14 =	sadd.s32 $0x8000, s5;
	[dreg:$0x4] =	wrdreg s13  }
0xf: {  	s0 =	sadd.s32 s6, s0;
	s15 =	sadd.s32 $0xC000, s5;
	[dreg:$0x5] =	wrdreg s14  }
0x10: {  	s16 =	sshrl.u32 s9, $0x3;
	s17 =	sadd.s32 $0x10000, s5;
	[dreg:$0x6] =	wrdreg s15  }
0x11: {  	s26 =	simm.s32 $0x6;
	s6 =	simm.s32 $0x0;
	[dreg:$0x7] =	wrdreg s17  }
0x12: {  	s18 =	sadd.s32 s8, s16;
	s19 =	sadd.s32 $0x100, s16;
	s20 =	sadd.s32 s2, s16  }
0x13: {  	s22 =	sadd.s32 $0x200, s16;
	s24 =	sadd.s32 $0x300, s16;
	s7 =	sadd.s32 $0x400, s16  }
0x14: {  	s0 =	sadd.s32 $0x33600, s0;
	s13 =	simm.s32 $0x1180;
	[dreg:$0x8] =	wrdreg s18  }
0x15: {  	s14 =	simm.s32 $0x1900;
	s15 =	simm.s32 $0x1200;
	[dreg:$0x9] =	wrdreg s20  }
0x16: {  	s16 =	simm.s32 $0x1980;
	s21 =	sadd.s32 s8, s19;
	[dreg:$0x12] =	wrdreg s0  }
0x17: {  	s17 =	simm.s32 $0x1280;
	s9 =	sadd.s32 s2, s19;
	[dreg:$0xa] =	wrdreg s21  }
0x18: {  	s23 =	sadd.s32 s8, s22;
	s10 =	sadd.s32 s2, s22;
	[dreg:$0xb] =	wrdreg s9  }
0x19: {  	s25 =	sadd.s32 s8, s24;
	s8 =	sadd.s32 s8, s7;
	[dreg:$0xc] =	wrdreg s23  }
0x1a: {  	s22 =	simm.s32 $0x2000;
	s0 =	simm.s32 $0x1;
	[dreg:$0xd] =	wrdreg s10  }
0x1b: {  	s18 =	simm.s32 $0x1A00;
	s19 =	simm.s32 $0x1300;
	[dreg:$0xe] =	wrdreg s25  }
0x1c: {  	s20 =	simm.s32 $0x1A80;
	s9 =	sadd.s32 s2, s24;
	[dreg:$0x10] =	wrdreg s8  }
0x1d: {  	s2 =	sadd.s32 s2, s7;
	s24 =	simm.s32 $0x3;
	s25 =	simm.s32 $0x5  }
0x1e: {  	s8 =	simm.s32 $0x4;
	s23 =	simm.s32 $0x1080;
	[dreg:$0xf] =	wrdreg s9  }
0x1f: {  	v0 =	vimm.f32 $0.0e+00;
	s21 =	simm.s32 $0x1380;
	[dreg:$0x11] =	wrdreg s2;
	s2 =	simm.s32 $0x2  }
.LBB2_1:
0x20: {  	s7 =	simm.s32 $0x0;
	s9 =	simm.s32 $0x200  }
.LBB2_2:
0x21: {  	p0 =	sne.s32 s9, $0xFE00;
	[tilespmem:s7+$0x2070] =	vst v0  }
0x22: {  	[tilespmem:s7+$0x2000] =	vst v0  }
0x23: {  	[tilespmem:s7+$0x2010] =	vst v0  }
.Ltmp0:
0x24: {  	[tilespmem:s7+$0x2020] =	vst v0;
	(pc) =	sbr.rel @p0 .LBB2_2-.Ltmp0, $4  }
0x25: {  	[tilespmem:s7+$0x2030] =	vst v0  }
0x26: {  	[tilespmem:s7+$0x2040] =	vst v0  }
0x27: {  	[tilespmem:s7+$0x2050] =	vst v0  }
0x28: {  	[tilespmem:s7+$0x2060] =	vst v0;
	s7 =	sshra.s32 s9, $0x2;
	s9 =	sadd.s32 $0x200, s9  }
0x29: {  	[tilespmem:s7+$0x2070] =	vst v0  }
0x2a: {  	[tilespmem:s7+$0x2000] =	vst v0  }
0x2b: {  	[tilespmem:s7+$0x2010] =	vst v0  }
0x2c: {  	[tilespmem:s7+$0x2020] =	vst v0  }
0x2d: {  	[tilespmem:s7+$0x2030] =	vst v0  }
0x2e: {  	[tilespmem:s7+$0x2040] =	vst v0  }
0x2f: {  	[tilespmem:s7+$0x2050] =	vst v0  }
0x30: {  	[tilespmem:s7+$0x2060] =	vst v0;
	s5 =	rddreg [dreg:$0x14]  }
0x31: {  	[spmem:s5] =	stream.linear.scatter [tilespmem:s22], [sflag:$0x3], $0x4000, $0x38;
	[tilespmem:$0x1E000] =	vst v63  }
0x32: {  	s5 =	rddreg [dreg:$0x4]  }
0x33: {  	[spmem:s5] =	stream.linear.scatter [tilespmem:s22], [sflag:$0x3], $0x4000, $0x38;
	[tilespmem:$0x1E000] =	vst v63  }
0x34: {  	s9 =	rddreg [dreg:$0x5]  }
0x35: {  	[spmem:s9] =	stream.linear.scatter [tilespmem:s22], [sflag:$0x3], $0x4000, $0x38;
	[tilespmem:$0x1E000] =	vst v63  }
0x36: {  	s10 =	rddreg [dreg:$0x6]  }
0x37: {  	[spmem:s10] =	stream.linear.scatter [tilespmem:s22], [sflag:$0x3], $0x4000, $0x38;
	[tilespmem:$0x1E000] =	vst v63  }
0x38: {  	s5 =	rddreg [dreg:$0x7]  }
0x39: {  	[spmem:s5] =	stream.linear.scatter [tilespmem:s22], [sflag:$0x3], $0x4000, $0x38;
	[tilespmem:$0x1E000] =	vst v63  }
0x3a: {  	s9 =	rddreg [dreg:$0x8]  }
0x3b: {  	[tilespmem:s3], [sflag:$0x5] =	stream.linear.gather [hbm4b:s9+s3], $0x800, $0x38;
	[tilespmem:$0x1E000] =	vst v63  }
0x3c: {  	s10 =	rddreg [dreg:$0x9];
	s5 =	simm.s32 $0x800  }
0x3d: {  	[tilespmem:s5], [sflag:$0x6] =	stream.linear.gather [hbm4b:s10+s3], $0x800, $0x38;
	[tilespmem:$0x1E000] =	vst v63  }
0x3e: {  	_ =	swait.ge [sflag:s24], $0x4000  }
0x3f: {  	[sflag:s24] =	ssyncset.done $0x0  }
0x40: {  	[sflag:s24] =	ssyncadd.s32 $0xFFFFC000  }
0x41: {  	_ =	swait.ge [sflag:s24], $0x4000  }
0x42: {  	[sflag:s24] =	ssyncset.done $0x0  }
0x43: {  	[sflag:s24] =	ssyncadd.s32 $0xFFFFC000  }
0x44: {  	_ =	swait.ge [sflag:s24], $0x4000  }
0x45: {  	[sflag:s24] =	ssyncset.done $0x0  }
0x46: {  	[sflag:s24] =	ssyncadd.s32 $0xFFFFC000  }
0x47: {  	_ =	swait.ge [sflag:s24], $0x4000  }
0x48: {  	[sflag:s24] =	ssyncset.done $0x0  }
0x49: {  	[sflag:s24] =	ssyncadd.s32 $0xFFFFC000  }
0x4a: {  	_ =	swait.ge [sflag:s24], $0x4000  }
0x4b: {  	[sflag:s24] =	ssyncset.done $0x0  }
0x4c: {  	[sflag:s24] =	ssyncadd.s32 $0xFFFFC000  }
0x4d: {  	[bflag:$0x0] =	sbarrier.arrive $0xFFFF  }
0x4e: {  	_ =	swait.ge [sflag:s25], $0x800  }
0x4f: {  	[sflag:s25] =	ssyncset.done $0x0  }
0x50: {  	[sflag:s25] =	ssyncadd.s32 $0xFFFFF800  }
0x51: {  	_ =	swait.ge [sflag:s26], $0x800  }
0x52: {  	[sflag:s26] =	ssyncset.done $0x0  }
0x53: {  	s9 =	rddreg [dreg:$0xa];
	[sflag:s26] =	ssyncadd.s32 $0xFFFFF800  }
0x54: {  	[tilespmem:s29], [sflag:$0x5] =	stream.linear.gather [hbm4b:s9+s3], $0x800, $0x38;
	[tilespmem:$0x1E000] =	vst v63  }
0x55: {  	s10 =	rddreg [dreg:$0xb];
	s9 =	simm.s32 $0x1800  }
0x56: {  	[tilespmem:s9], [sflag:$0x6] =	stream.linear.gather [hbm4b:s10+s3], $0x800, $0x38;
	[tilespmem:$0x1E000] =	vst v63  }
0x57: {  	_ = 	snop  }
0x58: {  	[tilespmem:s22], [sflag:$0x1] =	stream.indirect.gather [hbm4b:s4+s30], $0x80, s3, s30, $0xb8;
	[tilespmem:$0x1E000] =	vst v63  }
0x59: {  	_ = 	snop  }
0x5a: {  	[tilespmem:s31], [sflag:$0x2] =	stream.indirect.gather [hbm4b:s4+s30], $0x80, s30, s30, $0xb8;
	[tilespmem:$0x1E000] =	vst v63  }
0x5b: {  	_ =	swait.ge [sflag:s0], $0x4000  }
0x5c: {  	[sflag:s0] =	ssyncset.done $0x0  }
0x5d: {  	[sflag:s0] =	ssyncadd.s32 $0xFFFFC000  }
0x5e: {  	[spmem:s1] =	stream.indirect.scatter.add.f32 [tilespmem:s22], [sflag:$0x3], $0x80, s5, s30, $0xb8;
	[tilespmem:$0x1E000] =	vst v63  }
0x5f: {  	_ =	swait.ge [sflag:s2], $0x4000  }
0x60: {  	[sflag:s2] =	ssyncset.done $0x0  }
0x61: {  	[sflag:s2] =	ssyncadd.s32 $0xFFFFC000  }
0x62: {  	_ =	swait.ge [sflag:s24], $0x4000  }
0x63: {  	[sflag:s24] =	ssyncset.done $0x0  }
0x64: {  	s10 =	simm.s32 $0x100;
	[sflag:s24] =	ssyncadd.s32 $0xFFFFC000  }
0x65: {  	[tilespmem:s22], [sflag:$0x1] =	stream.indirect.gather [hbm4b:s4+s30], $0x80, s10, s30, $0xb8;
	[tilespmem:$0x1E000] =	vst v63  }
0x66: {  	s10 =	simm.s32 $0x880  }
0x67: {  	[spmem:s1] =	stream.indirect.scatter.add.f32 [tilespmem:s31], [sflag:$0x4], $0x80, s10, s30, $0xb8;
	[tilespmem:$0x1E000] =	vst v63  }
0x68: {  	_ =	swait.ge [sflag:s8], $0x4000  }
0x69: {  	[sflag:s8] =	ssyncset.done $0x0  }
0x6a: {  	s10 =	simm.s32 $0x180;
	[sflag:s8] =	ssyncadd.s32 $0xFFFFC000  }
0x6b: {  	[tilespmem:s31], [sflag:$0x2] =	stream.indirect.gather [hbm4b:s4+s30], $0x80, s10, s30, $0xb8;
	[tilespmem:$0x1E000] =	vst v63  }
0x6c: {  	_ =	swait.ge [sflag:s0], $0x4000  }
0x6d: {  	[sflag:s0] =	ssyncset.done $0x0  }
0x6e: {  	s10 =	simm.s32 $0x900;
	[sflag:s0] =	ssyncadd.s32 $0xFFFFC000  }
0x6f: {  	[spmem:s1] =	stream.indirect.scatter.add.f32 [tilespmem:s22], [sflag:$0x3], $0x80, s10, s30, $0xb8;
	[tilespmem:$0x1E000] =	vst v63  }
0x70: {  	_ =	swait.ge [sflag:s2], $0x4000  }
0x71: {  	[sflag:s2] =	ssyncset.done $0x0  }
0x72: {  	[sflag:s2] =	ssyncadd.s32 $0xFFFFC000  }
0x73: {  	_ =	swait.ge [sflag:s24], $0x4000  }
0x74: {  	[sflag:s24] =	ssyncset.done $0x0  }
0x75: {  	s10 =	simm.s32 $0x200;
	[sflag:s24] =	ssyncadd.s32 $0xFFFFC000  }
0x76: {  	[tilespmem:s22], [sflag:$0x1] =	stream.indirect.gather [hbm4b:s4+s30], $0x80, s10, s30, $0xb8;
	[tilespmem:$0x1E000] =	vst v63  }
0x77: {  	s10 =	simm.s32 $0x980  }
0x78: {  	[spmem:s1] =	stream.indirect.scatter.add.f32 [tilespmem:s31], [sflag:$0x4], $0x80, s10, s30, $0xb8;
	[tilespmem:$0x1E000] =	vst v63  }
0x79: {  	_ =	swait.ge [sflag:s8], $0x4000  }
0x7a: {  	[sflag:s8] =	ssyncset.done $0x0  }
0x7b: {  	s10 =	simm.s32 $0x280;
	[sflag:s8] =	ssyncadd.s32 $0xFFFFC000  }
0x7c: {  	[tilespmem:s31], [sflag:$0x2] =	stream.indirect.gather [hbm4b:s4+s30], $0x80, s10, s30, $0xb8;
	[tilespmem:$0x1E000] =	vst v63  }
0x7d: {  	_ =	swait.ge [sflag:s0], $0x4000  }
0x7e: {  	[sflag:s0] =	ssyncset.done $0x0  }
0x7f: {  	s10 =	simm.s32 $0xA00;
	[sflag:s0] =	ssyncadd.s32 $0xFFFFC000  }
0x80: {  	[spmem:s1] =	stream.indirect.scatter.add.f32 [tilespmem:s22], [sflag:$0x3], $0x80, s10, s30, $0xb8;
	[tilespmem:$0x1E000] =	vst v63  }
0x81: {  	_ =	swait.ge [sflag:s2], $0x4000  }
0x82: {  	[sflag:s2] =	ssyncset.done $0x0  }
0x83: {  	[sflag:s2] =	ssyncadd.s32 $0xFFFFC000  }
0x84: {  	_ =	swait.ge [sflag:s24], $0x4000  }
0x85: {  	[sflag:s24] =	ssyncset.done $0x0  }
0x86: {  	s10 =	simm.s32 $0x300;
	[sflag:s24] =	ssyncadd.s32 $0xFFFFC000  }
0x87: {  	[tilespmem:s22], [sflag:$0x1] =	stream.indirect.gather [hbm4b:s4+s30], $0x80, s10, s30, $0xb8;
	[tilespmem:$0x1E000] =	vst v63  }
0x88: {  	s10 =	simm.s32 $0xA80  }
0x89: {  	[spmem:s1] =	stream.indirect.scatter.add.f32 [tilespmem:s31], [sflag:$0x4], $0x80, s10, s30, $0xb8;
	[tilespmem:$0x1E000] =	vst v63  }
0x8a: {  	_ =	swait.ge [sflag:s8], $0x4000  }
0x8b: {  	[sflag:s8] =	ssyncset.done $0x0  }
0x8c: {  	s10 =	simm.s32 $0x380;
	[sflag:s8] =	ssyncadd.s32 $0xFFFFC000  }
0x8d: {  	[tilespmem:s31], [sflag:$0x2] =	stream.indirect.gather [hbm4b:s4+s30], $0x80, s10, s30, $0xb8;
	[tilespmem:$0x1E000] =	vst v63  }
0x8e: {  	_ =	swait.ge [sflag:s0], $0x4000  }
0x8f: {  	[sflag:s0] =	ssyncset.done $0x0  }
0x90: {  	s10 =	simm.s32 $0xB00;
	[sflag:s0] =	ssyncadd.s32 $0xFFFFC000  }
0x91: {  	[spmem:s1] =	stream.indirect.scatter.add.f32 [tilespmem:s22], [sflag:$0x3], $0x80, s10, s30, $0xb8;
	[tilespmem:$0x1E000] =	vst v63  }
0x92: {  	_ =	swait.ge [sflag:s2], $0x4000  }
0x93: {  	[sflag:s2] =	ssyncset.done $0x0  }
0x94: {  	[sflag:s2] =	ssyncadd.s32 $0xFFFFC000  }
0x95: {  	_ =	swait.ge [sflag:s24], $0x4000  }
0x96: {  	[sflag:s24] =	ssyncset.done $0x0  }
0x97: {  	s10 =	simm.s32 $0x400;
	[sflag:s24] =	ssyncadd.s32 $0xFFFFC000  }
0x98: {  	[tilespmem:s22], [sflag:$0x1] =	stream.indirect.gather [hbm4b:s4+s30], $0x80, s10, s30, $0xb8;
	[tilespmem:$0x1E000] =	vst v63  }
0x99: {  	s10 =	simm.s32 $0xB80  }
0x9a: {  	[spmem:s1] =	stream.indirect.scatter.add.f32 [tilespmem:s31], [sflag:$0x4], $0x80, s10, s30, $0xb8;
	[tilespmem:$0x1E000] =	vst v63  }
0x9b: {  	_ =	swait.ge [sflag:s8], $0x4000  }
0x9c: {  	[sflag:s8] =	ssyncset.done $0x0  }
0x9d: {  	s10 =	simm.s32 $0x480;
	[sflag:s8] =	ssyncadd.s32 $0xFFFFC000  }
0x9e: {  	[tilespmem:s31], [sflag:$0x2] =	stream.indirect.gather [hbm4b:s4+s30], $0x80, s10, s30, $0xb8;
	[tilespmem:$0x1E000] =	vst v63  }
0x9f: {  	_ =	swait.ge [sflag:s0], $0x4000  }
0xa0: {  	[sflag:s0] =	ssyncset.done $0x0  }
0xa1: {  	s10 =	simm.s32 $0xC00;
	[sflag:s0] =	ssyncadd.s32 $0xFFFFC000  }
0xa2: {  	[spmem:s1] =	stream.indirect.scatter.add.f32 [tilespmem:s22], [sflag:$0x3], $0x80, s10, s30, $0xb8;
	[tilespmem:$0x1E000] =	vst v63  }
0xa3: {  	_ =	swait.ge [sflag:s2], $0x4000  }
0xa4: {  	[sflag:s2] =	ssyncset.done $0x0  }
0xa5: {  	[sflag:s2] =	ssyncadd.s32 $0xFFFFC000  }
0xa6: {  	_ =	swait.ge [sflag:s24], $0x4000  }
0xa7: {  	[sflag:s24] =	ssyncset.done $0x0  }
0xa8: {  	s10 =	simm.s32 $0x500;
	[sflag:s24] =	ssyncadd.s32 $0xFFFFC000  }
0xa9: {  	[tilespmem:s22], [sflag:$0x1] =	stream.indirect.gather [hbm4b:s4+s30], $0x80, s10, s30, $0xb8;
	[tilespmem:$0x1E000] =	vst v63  }
0xaa: {  	s10 =	simm.s32 $0xC80  }
0xab: {  	[spmem:s1] =	stream.indirect.scatter.add.f32 [tilespmem:s31], [sflag:$0x4], $0x80, s10, s30, $0xb8;
	[tilespmem:$0x1E000] =	vst v63  }
0xac: {  	_ =	swait.ge [sflag:s8], $0x4000  }
0xad: {  	[sflag:s8] =	ssyncset.done $0x0  }
0xae: {  	s10 =	simm.s32 $0x580;
	[sflag:s8] =	ssyncadd.s32 $0xFFFFC000  }
0xaf: {  	[tilespmem:s31], [sflag:$0x2] =	stream.indirect.gather [hbm4b:s4+s30], $0x80, s10, s30, $0xb8;
	[tilespmem:$0x1E000] =	vst v63  }
0xb0: {  	_ =	swait.ge [sflag:s0], $0x4000  }
0xb1: {  	[sflag:s0] =	ssyncset.done $0x0  }
0xb2: {  	s10 =	simm.s32 $0xD00;
	[sflag:s0] =	ssyncadd.s32 $0xFFFFC000  }
0xb3: {  	[spmem:s1] =	stream.indirect.scatter.add.f32 [tilespmem:s22], [sflag:$0x3], $0x80, s10, s30, $0xb8;
	[tilespmem:$0x1E000] =	vst v63  }
0xb4: {  	_ =	swait.ge [sflag:s2], $0x4000  }
0xb5: {  	[sflag:s2] =	ssyncset.done $0x0  }
0xb6: {  	[sflag:s2] =	ssyncadd.s32 $0xFFFFC000  }
0xb7: {  	_ =	swait.ge [sflag:s24], $0x4000  }
0xb8: {  	[sflag:s24] =	ssyncset.done $0x0  }
0xb9: {  	s10 =	simm.s32 $0x600;
	[sflag:s24] =	ssyncadd.s32 $0xFFFFC000  }
0xba: {  	[tilespmem:s22], [sflag:$0x1] =	stream.indirect.gather [hbm4b:s4+s30], $0x80, s10, s30, $0xb8;
	[tilespmem:$0x1E000] =	vst v63  }
0xbb: {  	s10 =	simm.s32 $0xD80  }
0xbc: {  	[spmem:s1] =	stream.indirect.scatter.add.f32 [tilespmem:s31], [sflag:$0x4], $0x80, s10, s30, $0xb8;
	[tilespmem:$0x1E000] =	vst v63  }
0xbd: {  	_ =	swait.ge [sflag:s8], $0x4000  }
0xbe: {  	[sflag:s8] =	ssyncset.done $0x0  }
0xbf: {  	s10 =	simm.s32 $0x680;
	[sflag:s8] =	ssyncadd.s32 $0xFFFFC000  }
0xc0: {  	[tilespmem:s31], [sflag:$0x2] =	stream.indirect.gather [hbm4b:s4+s30], $0x80, s10, s30, $0xb8;
	[tilespmem:$0x1E000] =	vst v63  }
0xc1: {  	_ =	swait.ge [sflag:s0], $0x4000  }
0xc2: {  	[sflag:s0] =	ssyncset.done $0x0  }
0xc3: {  	s10 =	simm.s32 $0xE00;
	[sflag:s0] =	ssyncadd.s32 $0xFFFFC000  }
0xc4: {  	[spmem:s1] =	stream.indirect.scatter.add.f32 [tilespmem:s22], [sflag:$0x3], $0x80, s10, s30, $0xb8;
	[tilespmem:$0x1E000] =	vst v63  }
0xc5: {  	_ =	swait.ge [sflag:s2], $0x4000  }
0xc6: {  	[sflag:s2] =	ssyncset.done $0x0  }
0xc7: {  	[sflag:s2] =	ssyncadd.s32 $0xFFFFC000  }
0xc8: {  	_ =	swait.ge [sflag:s24], $0x4000  }
0xc9: {  	[sflag:s24] =	ssyncset.done $0x0  }
0xca: {  	s10 =	simm.s32 $0x700;
	[sflag:s24] =	ssyncadd.s32 $0xFFFFC000  }
0xcb: {  	[tilespmem:s22], [sflag:$0x1] =	stream.indirect.gather [hbm4b:s4+s30], $0x80, s10, s30, $0xb8;
	[tilespmem:$0x1E000] =	vst v63  }
0xcc: {  	s10 =	simm.s32 $0xE80  }
0xcd: {  	[spmem:s1] =	stream.indirect.scatter.add.f32 [tilespmem:s31], [sflag:$0x4], $0x80, s10, s30, $0xb8;
	[tilespmem:$0x1E000] =	vst v63  }
0xce: {  	_ =	swait.ge [sflag:s8], $0x4000  }
0xcf: {  	[sflag:s8] =	ssyncset.done $0x0  }
0xd0: {  	s10 =	simm.s32 $0x780;
	[sflag:s8] =	ssyncadd.s32 $0xFFFFC000  }
0xd1: {  	[tilespmem:s31], [sflag:$0x2] =	stream.indirect.gather [hbm4b:s4+s30], $0x80, s10, s30, $0xb8;
	[tilespmem:$0x1E000] =	vst v63  }
0xd2: {  	_ =	swait.ge [sflag:s0], $0x4000  }
0xd3: {  	[sflag:s0] =	ssyncset.done $0x0  }
0xd4: {  	s10 =	simm.s32 $0xF00;
	[sflag:s0] =	ssyncadd.s32 $0xFFFFC000  }
0xd5: {  	[spmem:s1] =	stream.indirect.scatter.add.f32 [tilespmem:s22], [sflag:$0x3], $0x80, s10, s30, $0xb8;
	[tilespmem:$0x1E000] =	vst v63  }
0xd6: {  	_ =	swait.ge [sflag:s2], $0x4000  }
0xd7: {  	[sflag:s2] =	ssyncset.done $0x0  }
0xd8: {  	[sflag:s2] =	ssyncadd.s32 $0xFFFFC000  }
0xd9: {  	_ =	swait.ge [sflag:s24], $0x4000  }
0xda: {  	[sflag:s24] =	ssyncset.done $0x0  }
0xdb: {  	s10 =	simm.s32 $0xF80;
	[sflag:s24] =	ssyncadd.s32 $0xFFFFC000  }
0xdc: {  	[spmem:s1] =	stream.indirect.scatter.add.f32 [tilespmem:s31], [sflag:$0x4], $0x80, s10, s30, $0xb8;
	[tilespmem:$0x1E000] =	vst v63  }
0xdd: {  	_ =	swait.ge [sflag:s8], $0x4000  }
0xde: {  	[sflag:s8] =	ssyncset.done $0x0  }
0xdf: {  	[sflag:s8] =	ssyncadd.s32 $0xFFFFC000  }
0xe0: {  	_ =	swait.ge [sflag:s25], $0x800  }
0xe1: {  	[sflag:s25] =	ssyncset.done $0x0  }
0xe2: {  	[sflag:s25] =	ssyncadd.s32 $0xFFFFF800  }
0xe3: {  	_ =	swait.ge [sflag:s26], $0x800  }
0xe4: {  	[sflag:s26] =	ssyncset.done $0x0  }
0xe5: {  	s10 =	rddreg [dreg:$0xc];
	[sflag:s26] =	ssyncadd.s32 $0xFFFFF800  }
0xe6: {  	[tilespmem:s3], [sflag:$0x5] =	stream.linear.gather [hbm4b:s10+s3], $0x800, $0x38;
	[tilespmem:$0x1E000] =	vst v63  }
0xe7: {  	s10 =	rddreg [dreg:$0xd]  }
0xe8: {  	[tilespmem:s5], [sflag:$0x6] =	stream.linear.gather [hbm4b:s10+s3], $0x800, $0x38;
	[tilespmem:$0x1E000] =	vst v63  }
0xe9: {  	_ = 	snop  }
0xea: {  	[tilespmem:s22], [sflag:$0x1] =	stream.indirect.gather [hbm4b:s4+s30], $0x80, s29, s30, $0xb8;
	[tilespmem:$0x1E000] =	vst v63  }
0xeb: {  	_ = 	snop  }
0xec: {  	[tilespmem:s31], [sflag:$0x2] =	stream.indirect.gather [hbm4b:s4+s30], $0x80, s23, s30, $0xb8;
	[tilespmem:$0x1E000] =	vst v63  }
0xed: {  	_ =	swait.ge [sflag:s0], $0x4000  }
0xee: {  	[sflag:s0] =	ssyncset.done $0x0  }
0xef: {  	[sflag:s0] =	ssyncadd.s32 $0xFFFFC000  }
0xf0: {  	[spmem:s1] =	stream.indirect.scatter.add.f32 [tilespmem:s22], [sflag:$0x3], $0x80, s9, s30, $0xb8;
	[tilespmem:$0x1E000] =	vst v63  }
0xf1: {  	_ =	swait.ge [sflag:s2], $0x4000  }
0xf2: {  	[sflag:s2] =	ssyncset.done $0x0  }
0xf3: {  	[sflag:s2] =	ssyncadd.s32 $0xFFFFC000  }
0xf4: {  	_ =	swait.ge [sflag:s24], $0x4000  }
0xf5: {  	[sflag:s24] =	ssyncset.done $0x0  }
0xf6: {  	[sflag:s24] =	ssyncadd.s32 $0xFFFFC000  }
0xf7: {  	[tilespmem:s22], [sflag:$0x1] =	stream.indirect.gather [hbm4b:s4+s30], $0x80, s11, s30, $0xb8;
	[tilespmem:$0x1E000] =	vst v63  }
0xf8: {  	_ = 	snop  }
0xf9: {  	[spmem:s1] =	stream.indirect.scatter.add.f32 [tilespmem:s31], [sflag:$0x4], $0x80, s12, s30, $0xb8;
	[tilespmem:$0x1E000] =	vst v63  }
0xfa: {  	_ =	swait.ge [sflag:s8], $0x4000  }
0xfb: {  	[sflag:s8] =	ssyncset.done $0x0  }
0xfc: {  	[sflag:s8] =	ssyncadd.s32 $0xFFFFC000  }
0xfd: {  	[tilespmem:s31], [sflag:$0x2] =	stream.indirect.gather [hbm4b:s4+s30], $0x80, s13, s30, $0xb8;
	[tilespmem:$0x1E000] =	vst v63  }
0xfe: {  	_ =	swait.ge [sflag:s0], $0x4000  }
0xff: {  	[sflag:s0] =	ssyncset.done $0x0  }
0x100: {  	[sflag:s0] =	ssyncadd.s32 $0xFFFFC000  }
0x101: {  	[spmem:s1] =	stream.indirect.scatter.add.f32 [tilespmem:s22], [sflag:$0x3], $0x80, s14, s30, $0xb8;
	[tilespmem:$0x1E000] =	vst v63  }
0x102: {  	_ =	swait.ge [sflag:s2], $0x4000  }
0x103: {  	[sflag:s2] =	ssyncset.done $0x0  }
0x104: {  	[sflag:s2] =	ssyncadd.s32 $0xFFFFC000  }
0x105: {  	_ =	swait.ge [sflag:s24], $0x4000  }
0x106: {  	[sflag:s24] =	ssyncset.done $0x0  }
0x107: {  	[sflag:s24] =	ssyncadd.s32 $0xFFFFC000  }
0x108: {  	[tilespmem:s22], [sflag:$0x1] =	stream.indirect.gather [hbm4b:s4+s30], $0x80, s15, s30, $0xb8;
	[tilespmem:$0x1E000] =	vst v63  }
0x109: {  	_ = 	snop  }
0x10a: {  	[spmem:s1] =	stream.indirect.scatter.add.f32 [tilespmem:s31], [sflag:$0x4], $0x80, s16, s30, $0xb8;
	[tilespmem:$0x1E000] =	vst v63  }
0x10b: {  	_ =	swait.ge [sflag:s8], $0x4000  }
0x10c: {  	[sflag:s8] =	ssyncset.done $0x0  }
0x10d: {  	[sflag:s8] =	ssyncadd.s32 $0xFFFFC000  }
0x10e: {  	[tilespmem:s31], [sflag:$0x2] =	stream.indirect.gather [hbm4b:s4+s30], $0x80, s17, s30, $0xb8;
	[tilespmem:$0x1E000] =	vst v63  }
0x10f: {  	_ =	swait.ge [sflag:s0], $0x4000  }
0x110: {  	[sflag:s0] =	ssyncset.done $0x0  }
0x111: {  	[sflag:s0] =	ssyncadd.s32 $0xFFFFC000  }
0x112: {  	[spmem:s1] =	stream.indirect.scatter.add.f32 [tilespmem:s22], [sflag:$0x3], $0x80, s18, s30, $0xb8;
	[tilespmem:$0x1E000] =	vst v63  }
0x113: {  	_ =	swait.ge [sflag:s2], $0x4000  }
0x114: {  	[sflag:s2] =	ssyncset.done $0x0  }
0x115: {  	[sflag:s2] =	ssyncadd.s32 $0xFFFFC000  }
0x116: {  	_ =	swait.ge [sflag:s24], $0x4000  }
0x117: {  	[sflag:s24] =	ssyncset.done $0x0  }
0x118: {  	[sflag:s24] =	ssyncadd.s32 $0xFFFFC000  }
0x119: {  	[tilespmem:s22], [sflag:$0x1] =	stream.indirect.gather [hbm4b:s4+s30], $0x80, s19, s30, $0xb8;
	[tilespmem:$0x1E000] =	vst v63  }
0x11a: {  	_ = 	snop  }
0x11b: {  	[spmem:s1] =	stream.indirect.scatter.add.f32 [tilespmem:s31], [sflag:$0x4], $0x80, s20, s30, $0xb8;
	[tilespmem:$0x1E000] =	vst v63  }
0x11c: {  	_ =	swait.ge [sflag:s8], $0x4000  }
0x11d: {  	[sflag:s8] =	ssyncset.done $0x0  }
0x11e: {  	[sflag:s8] =	ssyncadd.s32 $0xFFFFC000  }
0x11f: {  	[tilespmem:s31], [sflag:$0x2] =	stream.indirect.gather [hbm4b:s4+s30], $0x80, s21, s30, $0xb8;
	[tilespmem:$0x1E000] =	vst v63  }
0x120: {  	_ =	swait.ge [sflag:s0], $0x4000  }
0x121: {  	[sflag:s0] =	ssyncset.done $0x0  }
0x122: {  	[sflag:s0] =	ssyncadd.s32 $0xFFFFC000  }
0x123: {  	[spmem:s1] =	stream.indirect.scatter.add.f32 [tilespmem:s22], [sflag:$0x3], $0x80, s28, s30, $0xb8;
	[tilespmem:$0x1E000] =	vst v63  }
0x124: {  	_ =	swait.ge [sflag:s2], $0x4000  }
0x125: {  	[sflag:s2] =	ssyncset.done $0x0  }
0x126: {  	[sflag:s2] =	ssyncadd.s32 $0xFFFFC000  }
0x127: {  	_ =	swait.ge [sflag:s24], $0x4000  }
0x128: {  	[sflag:s24] =	ssyncset.done $0x0  }
0x129: {  	s10 =	simm.s32 $0x1400;
	[sflag:s24] =	ssyncadd.s32 $0xFFFFC000  }
0x12a: {  	[tilespmem:s22], [sflag:$0x1] =	stream.indirect.gather [hbm4b:s4+s30], $0x80, s10, s30, $0xb8;
	[tilespmem:$0x1E000] =	vst v63  }
0x12b: {  	s7 =	simm.s32 $0x1B80  }
0x12c: {  	[spmem:s1] =	stream.indirect.scatter.add.f32 [tilespmem:s31], [sflag:$0x4], $0x80, s7, s30, $0xb8;
	[tilespmem:$0x1E000] =	vst v63  }
0x12d: {  	_ =	swait.ge [sflag:s8], $0x4000  }
0x12e: {  	[sflag:s8] =	ssyncset.done $0x0  }
0x12f: {  	s7 =	simm.s32 $0x1480;
	[sflag:s8] =	ssyncadd.s32 $0xFFFFC000  }
0x130: {  	[tilespmem:s31], [sflag:$0x2] =	stream.indirect.gather [hbm4b:s4+s30], $0x80, s7, s30, $0xb8;
	[tilespmem:$0x1E000] =	vst v63  }
0x131: {  	_ =	swait.ge [sflag:s0], $0x4000  }
0x132: {  	[sflag:s0] =	ssyncset.done $0x0  }
0x133: {  	s7 =	simm.s32 $0x1C00;
	[sflag:s0] =	ssyncadd.s32 $0xFFFFC000  }
0x134: {  	[spmem:s1] =	stream.indirect.scatter.add.f32 [tilespmem:s22], [sflag:$0x3], $0x80, s7, s30, $0xb8;
	[tilespmem:$0x1E000] =	vst v63  }
0x135: {  	_ =	swait.ge [sflag:s2], $0x4000  }
0x136: {  	[sflag:s2] =	ssyncset.done $0x0  }
0x137: {  	[sflag:s2] =	ssyncadd.s32 $0xFFFFC000  }
0x138: {  	_ =	swait.ge [sflag:s24], $0x4000  }
0x139: {  	[sflag:s24] =	ssyncset.done $0x0  }
0x13a: {  	s7 =	simm.s32 $0x1500;
	[sflag:s24] =	ssyncadd.s32 $0xFFFFC000  }
0x13b: {  	[tilespmem:s22], [sflag:$0x1] =	stream.indirect.gather [hbm4b:s4+s30], $0x80, s7, s30, $0xb8;
	[tilespmem:$0x1E000] =	vst v63  }
0x13c: {  	s7 =	simm.s32 $0x1C80  }
0x13d: {  	[spmem:s1] =	stream.indirect.scatter.add.f32 [tilespmem:s31], [sflag:$0x4], $0x80, s7, s30, $0xb8;
	[tilespmem:$0x1E000] =	vst v63  }
0x13e: {  	_ =	swait.ge [sflag:s8], $0x4000  }
0x13f: {  	[sflag:s8] =	ssyncset.done $0x0  }
0x140: {  	s7 =	simm.s32 $0x1580;
	[sflag:s8] =	ssyncadd.s32 $0xFFFFC000  }
0x141: {  	[tilespmem:s31], [sflag:$0x2] =	stream.indirect.gather [hbm4b:s4+s30], $0x80, s7, s30, $0xb8;
	[tilespmem:$0x1E000] =	vst v63  }
0x142: {  	_ =	swait.ge [sflag:s0], $0x4000  }
0x143: {  	[sflag:s0] =	ssyncset.done $0x0  }
0x144: {  	s7 =	simm.s32 $0x1D00;
	[sflag:s0] =	ssyncadd.s32 $0xFFFFC000  }
0x145: {  	[spmem:s1] =	stream.indirect.scatter.add.f32 [tilespmem:s22], [sflag:$0x3], $0x80, s7, s30, $0xb8;
	[tilespmem:$0x1E000] =	vst v63  }
0x146: {  	_ =	swait.ge [sflag:s2], $0x4000  }
0x147: {  	[sflag:s2] =	ssyncset.done $0x0  }
0x148: {  	[sflag:s2] =	ssyncadd.s32 $0xFFFFC000  }
0x149: {  	_ =	swait.ge [sflag:s24], $0x4000  }
0x14a: {  	[sflag:s24] =	ssyncset.done $0x0  }
0x14b: {  	s7 =	simm.s32 $0x1600;
	[sflag:s24] =	ssyncadd.s32 $0xFFFFC000  }
0x14c: {  	[tilespmem:s22], [sflag:$0x1] =	stream.indirect.gather [hbm4b:s4+s30], $0x80, s7, s30, $0xb8;
	[tilespmem:$0x1E000] =	vst v63  }
0x14d: {  	s7 =	simm.s32 $0x1D80  }
0x14e: {  	[spmem:s1] =	stream.indirect.scatter.add.f32 [tilespmem:s31], [sflag:$0x4], $0x80, s7, s30, $0xb8;
	[tilespmem:$0x1E000] =	vst v63  }
0x14f: {  	_ =	swait.ge [sflag:s8], $0x4000  }
0x150: {  	[sflag:s8] =	ssyncset.done $0x0  }
0x151: {  	s7 =	simm.s32 $0x1680;
	[sflag:s8] =	ssyncadd.s32 $0xFFFFC000  }
0x152: {  	[tilespmem:s31], [sflag:$0x2] =	stream.indirect.gather [hbm4b:s4+s30], $0x80, s7, s30, $0xb8;
	[tilespmem:$0x1E000] =	vst v63  }
0x153: {  	_ =	swait.ge [sflag:s0], $0x4000  }
0x154: {  	[sflag:s0] =	ssyncset.done $0x0  }
0x155: {  	s7 =	simm.s32 $0x1E00;
	[sflag:s0] =	ssyncadd.s32 $0xFFFFC000  }
0x156: {  	[spmem:s1] =	stream.indirect.scatter.add.f32 [tilespmem:s22], [sflag:$0x3], $0x80, s7, s30, $0xb8;
	[tilespmem:$0x1E000] =	vst v63  }
0x157: {  	_ =	swait.ge [sflag:s2], $0x4000  }
0x158: {  	[sflag:s2] =	ssyncset.done $0x0  }
0x159: {  	[sflag:s2] =	ssyncadd.s32 $0xFFFFC000  }
0x15a: {  	_ =	swait.ge [sflag:s24], $0x4000  }
0x15b: {  	[sflag:s24] =	ssyncset.done $0x0  }
0x15c: {  	s7 =	simm.s32 $0x1700;
	[sflag:s24] =	ssyncadd.s32 $0xFFFFC000  }
0x15d: {  	[tilespmem:s22], [sflag:$0x1] =	stream.indirect.gather [hbm4b:s4+s30], $0x80, s7, s30, $0xb8;
	[tilespmem:$0x1E000] =	vst v63  }
0x15e: {  	s7 =	simm.s32 $0x1E80  }
0x15f: {  	[spmem:s1] =	stream.indirect.scatter.add.f32 [tilespmem:s31], [sflag:$0x4], $0x80, s7, s30, $0xb8;
	[tilespmem:$0x1E000] =	vst v63  }
0x160: {  	_ =	swait.ge [sflag:s8], $0x4000  }
0x161: {  	[sflag:s8] =	ssyncset.done $0x0  }
0x162: {  	s7 =	simm.s32 $0x1780;
	[sflag:s8] =	ssyncadd.s32 $0xFFFFC000  }
0x163: {  	[tilespmem:s31], [sflag:$0x2] =	stream.indirect.gather [hbm4b:s4+s30], $0x80, s7, s30, $0xb8;
	[tilespmem:$0x1E000] =	vst v63  }
0x164: {  	_ =	swait.ge [sflag:s0], $0x4000  }
0x165: {  	[sflag:s0] =	ssyncset.done $0x0  }
0x166: {  	s7 =	simm.s32 $0x1F00;
	[sflag:s0] =	ssyncadd.s32 $0xFFFFC000  }
0x167: {  	[spmem:s1] =	stream.indirect.scatter.add.f32 [tilespmem:s22], [sflag:$0x3], $0x80, s7, s30, $0xb8;
	[tilespmem:$0x1E000] =	vst v63  }
0x168: {  	_ =	swait.ge [sflag:s2], $0x4000  }
0x169: {  	[sflag:s2] =	ssyncset.done $0x0  }
0x16a: {  	[sflag:s2] =	ssyncadd.s32 $0xFFFFC000  }
0x16b: {  	_ =	swait.ge [sflag:s24], $0x4000  }
0x16c: {  	[sflag:s24] =	ssyncset.done $0x0  }
0x16d: {  	s7 =	simm.s32 $0x1F80;
	[sflag:s24] =	ssyncadd.s32 $0xFFFFC000  }
0x16e: {  	[spmem:s1] =	stream.indirect.scatter.add.f32 [tilespmem:s31], [sflag:$0x4], $0x80, s7, s30, $0xb8;
	[tilespmem:$0x1E000] =	vst v63  }
0x16f: {  	_ =	swait.ge [sflag:s8], $0x4000  }
0x170: {  	[sflag:s8] =	ssyncset.done $0x0  }
0x171: {  	[sflag:s8] =	ssyncadd.s32 $0xFFFFC000  }
0x172: {  	_ =	swait.ge [sflag:s25], $0x800  }
0x173: {  	[sflag:s25] =	ssyncset.done $0x0  }
0x174: {  	[sflag:s25] =	ssyncadd.s32 $0xFFFFF800  }
0x175: {  	_ =	swait.ge [sflag:s26], $0x800  }
0x176: {  	[sflag:s26] =	ssyncset.done $0x0  }
0x177: {  	s7 =	rddreg [dreg:$0xe];
	[sflag:s26] =	ssyncadd.s32 $0xFFFFF800  }
0x178: {  	[tilespmem:s29], [sflag:$0x5] =	stream.linear.gather [hbm4b:s7+s3], $0x800, $0x38;
	[tilespmem:$0x1E000] =	vst v63  }
0x179: {  	s7 =	rddreg [dreg:$0xf]  }
0x17a: {  	[tilespmem:s9], [sflag:$0x6] =	stream.linear.gather [hbm4b:s7+s3], $0x800, $0x38;
	[tilespmem:$0x1E000] =	vst v63  }
0x17b: {  	_ = 	snop  }
0x17c: {  	[tilespmem:s22], [sflag:$0x1] =	stream.indirect.gather [hbm4b:s4+s30], $0x80, s3, s30, $0xb8;
	[tilespmem:$0x1E000] =	vst v63  }
0x17d: {  	_ = 	snop  }
0x17e: {  	[tilespmem:s31], [sflag:$0x2] =	stream.indirect.gather [hbm4b:s4+s30], $0x80, s30, s30, $0xb8;
	[tilespmem:$0x1E000] =	vst v63  }
0x17f: {  	_ =	swait.ge [sflag:s0], $0x4000  }
0x180: {  	[sflag:s0] =	ssyncset.done $0x0  }
0x181: {  	[sflag:s0] =	ssyncadd.s32 $0xFFFFC000  }
0x182: {  	[spmem:s1] =	stream.indirect.scatter.add.f32 [tilespmem:s22], [sflag:$0x3], $0x80, s5, s30, $0xb8;
	[tilespmem:$0x1E000] =	vst v63  }
0x183: {  	_ =	swait.ge [sflag:s2], $0x4000  }
0x184: {  	[sflag:s2] =	ssyncset.done $0x0  }
0x185: {  	[sflag:s2] =	ssyncadd.s32 $0xFFFFC000  }
0x186: {  	_ =	swait.ge [sflag:s24], $0x4000  }
0x187: {  	[sflag:s24] =	ssyncset.done $0x0  }
0x188: {  	s7 =	simm.s32 $0x100;
	[sflag:s24] =	ssyncadd.s32 $0xFFFFC000  }
0x189: {  	[tilespmem:s22], [sflag:$0x1] =	stream.indirect.gather [hbm4b:s4+s30], $0x80, s7, s30, $0xb8;
	[tilespmem:$0x1E000] =	vst v63  }
0x18a: {  	s7 =	simm.s32 $0x880  }
0x18b: {  	[spmem:s1] =	stream.indirect.scatter.add.f32 [tilespmem:s31], [sflag:$0x4], $0x80, s7, s30, $0xb8;
	[tilespmem:$0x1E000] =	vst v63  }
0x18c: {  	_ =	swait.ge [sflag:s8], $0x4000  }
0x18d: {  	[sflag:s8] =	ssyncset.done $0x0  }
0x18e: {  	s7 =	simm.s32 $0x180;
	[sflag:s8] =	ssyncadd.s32 $0xFFFFC000  }
0x18f: {  	[tilespmem:s31], [sflag:$0x2] =	stream.indirect.gather [hbm4b:s4+s30], $0x80, s7, s30, $0xb8;
	[tilespmem:$0x1E000] =	vst v63  }
0x190: {  	_ =	swait.ge [sflag:s0], $0x4000  }
0x191: {  	[sflag:s0] =	ssyncset.done $0x0  }
0x192: {  	s7 =	simm.s32 $0x900;
	[sflag:s0] =	ssyncadd.s32 $0xFFFFC000  }
0x193: {  	[spmem:s1] =	stream.indirect.scatter.add.f32 [tilespmem:s22], [sflag:$0x3], $0x80, s7, s30, $0xb8;
	[tilespmem:$0x1E000] =	vst v63  }
0x194: {  	_ =	swait.ge [sflag:s2], $0x4000  }
0x195: {  	[sflag:s2] =	ssyncset.done $0x0  }
0x196: {  	[sflag:s2] =	ssyncadd.s32 $0xFFFFC000  }
0x197: {  	_ =	swait.ge [sflag:s24], $0x4000  }
0x198: {  	[sflag:s24] =	ssyncset.done $0x0  }
0x199: {  	s7 =	simm.s32 $0x200;
	[sflag:s24] =	ssyncadd.s32 $0xFFFFC000  }
0x19a: {  	[tilespmem:s22], [sflag:$0x1] =	stream.indirect.gather [hbm4b:s4+s30], $0x80, s7, s30, $0xb8;
	[tilespmem:$0x1E000] =	vst v63  }
0x19b: {  	s7 =	simm.s32 $0x980  }
0x19c: {  	[spmem:s1] =	stream.indirect.scatter.add.f32 [tilespmem:s31], [sflag:$0x4], $0x80, s7, s30, $0xb8;
	[tilespmem:$0x1E000] =	vst v63  }
0x19d: {  	_ =	swait.ge [sflag:s8], $0x4000  }
0x19e: {  	[sflag:s8] =	ssyncset.done $0x0  }
0x19f: {  	s7 =	simm.s32 $0x280;
	[sflag:s8] =	ssyncadd.s32 $0xFFFFC000  }
0x1a0: {  	[tilespmem:s31], [sflag:$0x2] =	stream.indirect.gather [hbm4b:s4+s30], $0x80, s7, s30, $0xb8;
	[tilespmem:$0x1E000] =	vst v63  }
0x1a1: {  	_ =	swait.ge [sflag:s0], $0x4000  }
0x1a2: {  	[sflag:s0] =	ssyncset.done $0x0  }
0x1a3: {  	s7 =	simm.s32 $0xA00;
	[sflag:s0] =	ssyncadd.s32 $0xFFFFC000  }
0x1a4: {  	[spmem:s1] =	stream.indirect.scatter.add.f32 [tilespmem:s22], [sflag:$0x3], $0x80, s7, s30, $0xb8;
	[tilespmem:$0x1E000] =	vst v63  }
0x1a5: {  	_ =	swait.ge [sflag:s2], $0x4000  }
0x1a6: {  	[sflag:s2] =	ssyncset.done $0x0  }
0x1a7: {  	[sflag:s2] =	ssyncadd.s32 $0xFFFFC000  }
0x1a8: {  	_ =	swait.ge [sflag:s24], $0x4000  }
0x1a9: {  	[sflag:s24] =	ssyncset.done $0x0  }
0x1aa: {  	s7 =	simm.s32 $0x300;
	[sflag:s24] =	ssyncadd.s32 $0xFFFFC000  }
0x1ab: {  	[tilespmem:s22], [sflag:$0x1] =	stream.indirect.gather [hbm4b:s4+s30], $0x80, s7, s30, $0xb8;
	[tilespmem:$0x1E000] =	vst v63  }
0x1ac: {  	s7 =	simm.s32 $0xA80  }
0x1ad: {  	[spmem:s1] =	stream.indirect.scatter.add.f32 [tilespmem:s31], [sflag:$0x4], $0x80, s7, s30, $0xb8;
	[tilespmem:$0x1E000] =	vst v63  }
0x1ae: {  	_ =	swait.ge [sflag:s8], $0x4000  }
0x1af: {  	[sflag:s8] =	ssyncset.done $0x0  }
0x1b0: {  	s7 =	simm.s32 $0x380;
	[sflag:s8] =	ssyncadd.s32 $0xFFFFC000  }
0x1b1: {  	[tilespmem:s31], [sflag:$0x2] =	stream.indirect.gather [hbm4b:s4+s30], $0x80, s7, s30, $0xb8;
	[tilespmem:$0x1E000] =	vst v63  }
0x1b2: {  	_ =	swait.ge [sflag:s0], $0x4000  }
0x1b3: {  	[sflag:s0] =	ssyncset.done $0x0  }
0x1b4: {  	s7 =	simm.s32 $0xB00;
	[sflag:s0] =	ssyncadd.s32 $0xFFFFC000  }
0x1b5: {  	[spmem:s1] =	stream.indirect.scatter.add.f32 [tilespmem:s22], [sflag:$0x3], $0x80, s7, s30, $0xb8;
	[tilespmem:$0x1E000] =	vst v63  }
0x1b6: {  	_ =	swait.ge [sflag:s2], $0x4000  }
0x1b7: {  	[sflag:s2] =	ssyncset.done $0x0  }
0x1b8: {  	[sflag:s2] =	ssyncadd.s32 $0xFFFFC000  }
0x1b9: {  	_ =	swait.ge [sflag:s24], $0x4000  }
0x1ba: {  	[sflag:s24] =	ssyncset.done $0x0  }
0x1bb: {  	s7 =	simm.s32 $0x400;
	[sflag:s24] =	ssyncadd.s32 $0xFFFFC000  }
0x1bc: {  	[tilespmem:s22], [sflag:$0x1] =	stream.indirect.gather [hbm4b:s4+s30], $0x80, s7, s30, $0xb8;
	[tilespmem:$0x1E000] =	vst v63  }
0x1bd: {  	s7 =	simm.s32 $0xB80  }
0x1be: {  	[spmem:s1] =	stream.indirect.scatter.add.f32 [tilespmem:s31], [sflag:$0x4], $0x80, s7, s30, $0xb8;
	[tilespmem:$0x1E000] =	vst v63  }
0x1bf: {  	_ =	swait.ge [sflag:s8], $0x4000  }
0x1c0: {  	[sflag:s8] =	ssyncset.done $0x0  }
0x1c1: {  	s7 =	simm.s32 $0x480;
	[sflag:s8] =	ssyncadd.s32 $0xFFFFC000  }
0x1c2: {  	[tilespmem:s31], [sflag:$0x2] =	stream.indirect.gather [hbm4b:s4+s30], $0x80, s7, s30, $0xb8;
	[tilespmem:$0x1E000] =	vst v63  }
0x1c3: {  	_ =	swait.ge [sflag:s0], $0x4000  }
0x1c4: {  	[sflag:s0] =	ssyncset.done $0x0  }
0x1c5: {  	s7 =	simm.s32 $0xC00;
	[sflag:s0] =	ssyncadd.s32 $0xFFFFC000  }
0x1c6: {  	[spmem:s1] =	stream.indirect.scatter.add.f32 [tilespmem:s22], [sflag:$0x3], $0x80, s7, s30, $0xb8;
	[tilespmem:$0x1E000] =	vst v63  }
0x1c7: {  	_ =	swait.ge [sflag:s2], $0x4000  }
0x1c8: {  	[sflag:s2] =	ssyncset.done $0x0  }
0x1c9: {  	[sflag:s2] =	ssyncadd.s32 $0xFFFFC000  }
0x1ca: {  	_ =	swait.ge [sflag:s24], $0x4000  }
0x1cb: {  	[sflag:s24] =	ssyncset.done $0x0  }
0x1cc: {  	s7 =	simm.s32 $0x500;
	[sflag:s24] =	ssyncadd.s32 $0xFFFFC000  }
0x1cd: {  	[tilespmem:s22], [sflag:$0x1] =	stream.indirect.gather [hbm4b:s4+s30], $0x80, s7, s30, $0xb8;
	[tilespmem:$0x1E000] =	vst v63  }
0x1ce: {  	s7 =	simm.s32 $0xC80  }
0x1cf: {  	[spmem:s1] =	stream.indirect.scatter.add.f32 [tilespmem:s31], [sflag:$0x4], $0x80, s7, s30, $0xb8;
	[tilespmem:$0x1E000] =	vst v63  }
0x1d0: {  	_ =	swait.ge [sflag:s8], $0x4000  }
0x1d1: {  	[sflag:s8] =	ssyncset.done $0x0  }
0x1d2: {  	s7 =	simm.s32 $0x580;
	[sflag:s8] =	ssyncadd.s32 $0xFFFFC000  }
0x1d3: {  	[tilespmem:s31], [sflag:$0x2] =	stream.indirect.gather [hbm4b:s4+s30], $0x80, s7, s30, $0xb8;
	[tilespmem:$0x1E000] =	vst v63  }
0x1d4: {  	_ =	swait.ge [sflag:s0], $0x4000  }
0x1d5: {  	[sflag:s0] =	ssyncset.done $0x0  }
0x1d6: {  	s7 =	simm.s32 $0xD00;
	[sflag:s0] =	ssyncadd.s32 $0xFFFFC000  }
0x1d7: {  	[spmem:s1] =	stream.indirect.scatter.add.f32 [tilespmem:s22], [sflag:$0x3], $0x80, s7, s30, $0xb8;
	[tilespmem:$0x1E000] =	vst v63  }
0x1d8: {  	_ =	swait.ge [sflag:s2], $0x4000  }
0x1d9: {  	[sflag:s2] =	ssyncset.done $0x0  }
0x1da: {  	[sflag:s2] =	ssyncadd.s32 $0xFFFFC000  }
0x1db: {  	_ =	swait.ge [sflag:s24], $0x4000  }
0x1dc: {  	[sflag:s24] =	ssyncset.done $0x0  }
0x1dd: {  	s7 =	simm.s32 $0x600;
	[sflag:s24] =	ssyncadd.s32 $0xFFFFC000  }
0x1de: {  	[tilespmem:s22], [sflag:$0x1] =	stream.indirect.gather [hbm4b:s4+s30], $0x80, s7, s30, $0xb8;
	[tilespmem:$0x1E000] =	vst v63  }
0x1df: {  	s7 =	simm.s32 $0xD80  }
0x1e0: {  	[spmem:s1] =	stream.indirect.scatter.add.f32 [tilespmem:s31], [sflag:$0x4], $0x80, s7, s30, $0xb8;
	[tilespmem:$0x1E000] =	vst v63  }
0x1e1: {  	_ =	swait.ge [sflag:s8], $0x4000  }
0x1e2: {  	[sflag:s8] =	ssyncset.done $0x0  }
0x1e3: {  	s7 =	simm.s32 $0x680;
	[sflag:s8] =	ssyncadd.s32 $0xFFFFC000  }
0x1e4: {  	[tilespmem:s31], [sflag:$0x2] =	stream.indirect.gather [hbm4b:s4+s30], $0x80, s7, s30, $0xb8;
	[tilespmem:$0x1E000] =	vst v63  }
0x1e5: {  	_ =	swait.ge [sflag:s0], $0x4000  }
0x1e6: {  	[sflag:s0] =	ssyncset.done $0x0  }
0x1e7: {  	s7 =	simm.s32 $0xE00;
	[sflag:s0] =	ssyncadd.s32 $0xFFFFC000  }
0x1e8: {  	[spmem:s1] =	stream.indirect.scatter.add.f32 [tilespmem:s22], [sflag:$0x3], $0x80, s7, s30, $0xb8;
	[tilespmem:$0x1E000] =	vst v63  }
0x1e9: {  	_ =	swait.ge [sflag:s2], $0x4000  }
0x1ea: {  	[sflag:s2] =	ssyncset.done $0x0  }
0x1eb: {  	[sflag:s2] =	ssyncadd.s32 $0xFFFFC000  }
0x1ec: {  	_ =	swait.ge [sflag:s24], $0x4000  }
0x1ed: {  	[sflag:s24] =	ssyncset.done $0x0  }
0x1ee: {  	s7 =	simm.s32 $0x700;
	[sflag:s24] =	ssyncadd.s32 $0xFFFFC000  }
0x1ef: {  	[tilespmem:s22], [sflag:$0x1] =	stream.indirect.gather [hbm4b:s4+s30], $0x80, s7, s30, $0xb8;
	[tilespmem:$0x1E000] =	vst v63  }
0x1f0: {  	s7 =	simm.s32 $0xE80  }
0x1f1: {  	[spmem:s1] =	stream.indirect.scatter.add.f32 [tilespmem:s31], [sflag:$0x4], $0x80, s7, s30, $0xb8;
	[tilespmem:$0x1E000] =	vst v63  }
0x1f2: {  	_ =	swait.ge [sflag:s8], $0x4000  }
0x1f3: {  	[sflag:s8] =	ssyncset.done $0x0  }
0x1f4: {  	s7 =	simm.s32 $0x780;
	[sflag:s8] =	ssyncadd.s32 $0xFFFFC000  }
0x1f5: {  	[tilespmem:s31], [sflag:$0x2] =	stream.indirect.gather [hbm4b:s4+s30], $0x80, s7, s30, $0xb8;
	[tilespmem:$0x1E000] =	vst v63  }
0x1f6: {  	_ =	swait.ge [sflag:s0], $0x4000  }
0x1f7: {  	[sflag:s0] =	ssyncset.done $0x0  }
0x1f8: {  	s7 =	simm.s32 $0xF00;
	[sflag:s0] =	ssyncadd.s32 $0xFFFFC000  }
0x1f9: {  	[spmem:s1] =	stream.indirect.scatter.add.f32 [tilespmem:s22], [sflag:$0x3], $0x80, s7, s30, $0xb8;
	[tilespmem:$0x1E000] =	vst v63  }
0x1fa: {  	_ =	swait.ge [sflag:s2], $0x4000  }
0x1fb: {  	[sflag:s2] =	ssyncset.done $0x0  }
0x1fc: {  	[sflag:s2] =	ssyncadd.s32 $0xFFFFC000  }
0x1fd: {  	_ =	swait.ge [sflag:s24], $0x4000  }
0x1fe: {  	[sflag:s24] =	ssyncset.done $0x0  }
0x1ff: {  	s7 =	simm.s32 $0xF80;
	[sflag:s24] =	ssyncadd.s32 $0xFFFFC000  }
0x200: {  	[spmem:s1] =	stream.indirect.scatter.add.f32 [tilespmem:s31], [sflag:$0x4], $0x80, s7, s30, $0xb8;
	[tilespmem:$0x1E000] =	vst v63  }
0x201: {  	_ =	swait.ge [sflag:s8], $0x4000  }
0x202: {  	[sflag:s8] =	ssyncset.done $0x0  }
0x203: {  	[sflag:s8] =	ssyncadd.s32 $0xFFFFC000  }
0x204: {  	_ =	swait.ge [sflag:s25], $0x800  }
0x205: {  	[sflag:s25] =	ssyncset.done $0x0  }
0x206: {  	[sflag:s25] =	ssyncadd.s32 $0xFFFFF800  }
0x207: {  	_ =	swait.ge [sflag:s26], $0x800  }
0x208: {  	[sflag:s26] =	ssyncset.done $0x0  }
0x209: {  	s7 =	rddreg [dreg:$0x10];
	[sflag:s26] =	ssyncadd.s32 $0xFFFFF800  }
0x20a: {  	[tilespmem:s3], [sflag:$0x5] =	stream.linear.gather [hbm4b:s7+s3], $0x800, $0x38;
	[tilespmem:$0x1E000] =	vst v63  }
0x20b: {  	s7 =	rddreg [dreg:$0x11]  }
0x20c: {  	[tilespmem:s5], [sflag:$0x6] =	stream.linear.gather [hbm4b:s7+s3], $0x800, $0x38;
	[tilespmem:$0x1E000] =	vst v63  }
0x20d: {  	_ = 	snop  }
0x20e: {  	[tilespmem:s22], [sflag:$0x1] =	stream.indirect.gather [hbm4b:s4+s30], $0x80, s29, s30, $0xb8;
	[tilespmem:$0x1E000] =	vst v63  }
0x20f: {  	_ = 	snop  }
0x210: {  	[tilespmem:s31], [sflag:$0x2] =	stream.indirect.gather [hbm4b:s4+s30], $0x80, s23, s30, $0xb8;
	[tilespmem:$0x1E000] =	vst v63  }
0x211: {  	_ =	swait.ge [sflag:s0], $0x4000  }
0x212: {  	[sflag:s0] =	ssyncset.done $0x0  }
0x213: {  	[sflag:s0] =	ssyncadd.s32 $0xFFFFC000  }
0x214: {  	[spmem:s1] =	stream.indirect.scatter.add.f32 [tilespmem:s22], [sflag:$0x3], $0x80, s9, s30, $0xb8;
	[tilespmem:$0x1E000] =	vst v63  }
0x215: {  	_ =	swait.ge [sflag:s2], $0x4000  }
0x216: {  	[sflag:s2] =	ssyncset.done $0x0  }
0x217: {  	[sflag:s2] =	ssyncadd.s32 $0xFFFFC000  }
0x218: {  	_ =	swait.ge [sflag:s24], $0x4000  }
0x219: {  	[sflag:s24] =	ssyncset.done $0x0  }
0x21a: {  	[sflag:s24] =	ssyncadd.s32 $0xFFFFC000  }
0x21b: {  	[tilespmem:s22], [sflag:$0x1] =	stream.indirect.gather [hbm4b:s4+s30], $0x80, s11, s30, $0xb8;
	[tilespmem:$0x1E000] =	vst v63  }
0x21c: {  	_ = 	snop  }
0x21d: {  	[spmem:s1] =	stream.indirect.scatter.add.f32 [tilespmem:s31], [sflag:$0x4], $0x80, s12, s30, $0xb8;
	[tilespmem:$0x1E000] =	vst v63  }
0x21e: {  	_ =	swait.ge [sflag:s8], $0x4000  }
0x21f: {  	[sflag:s8] =	ssyncset.done $0x0  }
0x220: {  	[sflag:s8] =	ssyncadd.s32 $0xFFFFC000  }
0x221: {  	[tilespmem:s31], [sflag:$0x2] =	stream.indirect.gather [hbm4b:s4+s30], $0x80, s13, s30, $0xb8;
	[tilespmem:$0x1E000] =	vst v63  }
0x222: {  	_ =	swait.ge [sflag:s0], $0x4000  }
0x223: {  	[sflag:s0] =	ssyncset.done $0x0  }
0x224: {  	[sflag:s0] =	ssyncadd.s32 $0xFFFFC000  }
0x225: {  	[spmem:s1] =	stream.indirect.scatter.add.f32 [tilespmem:s22], [sflag:$0x3], $0x80, s14, s30, $0xb8;
	[tilespmem:$0x1E000] =	vst v63  }
0x226: {  	_ =	swait.ge [sflag:s2], $0x4000  }
0x227: {  	[sflag:s2] =	ssyncset.done $0x0  }
0x228: {  	[sflag:s2] =	ssyncadd.s32 $0xFFFFC000  }
0x229: {  	_ =	swait.ge [sflag:s24], $0x4000  }
0x22a: {  	[sflag:s24] =	ssyncset.done $0x0  }
0x22b: {  	[sflag:s24] =	ssyncadd.s32 $0xFFFFC000  }
0x22c: {  	[tilespmem:s22], [sflag:$0x1] =	stream.indirect.gather [hbm4b:s4+s30], $0x80, s15, s30, $0xb8;
	[tilespmem:$0x1E000] =	vst v63  }
0x22d: {  	_ = 	snop  }
0x22e: {  	[spmem:s1] =	stream.indirect.scatter.add.f32 [tilespmem:s31], [sflag:$0x4], $0x80, s16, s30, $0xb8;
	[tilespmem:$0x1E000] =	vst v63  }
0x22f: {  	_ =	swait.ge [sflag:s8], $0x4000  }
0x230: {  	[sflag:s8] =	ssyncset.done $0x0  }
0x231: {  	[sflag:s8] =	ssyncadd.s32 $0xFFFFC000  }
0x232: {  	[tilespmem:s31], [sflag:$0x2] =	stream.indirect.gather [hbm4b:s4+s30], $0x80, s17, s30, $0xb8;
	[tilespmem:$0x1E000] =	vst v63  }
0x233: {  	_ =	swait.ge [sflag:s0], $0x4000  }
0x234: {  	[sflag:s0] =	ssyncset.done $0x0  }
0x235: {  	[sflag:s0] =	ssyncadd.s32 $0xFFFFC000  }
0x236: {  	[spmem:s1] =	stream.indirect.scatter.add.f32 [tilespmem:s22], [sflag:$0x3], $0x80, s18, s30, $0xb8;
	[tilespmem:$0x1E000] =	vst v63  }
0x237: {  	_ =	swait.ge [sflag:s2], $0x4000  }
0x238: {  	[sflag:s2] =	ssyncset.done $0x0  }
0x239: {  	[sflag:s2] =	ssyncadd.s32 $0xFFFFC000  }
0x23a: {  	_ =	swait.ge [sflag:s24], $0x4000  }
0x23b: {  	[sflag:s24] =	ssyncset.done $0x0  }
0x23c: {  	[sflag:s24] =	ssyncadd.s32 $0xFFFFC000  }
0x23d: {  	[tilespmem:s22], [sflag:$0x1] =	stream.indirect.gather [hbm4b:s4+s30], $0x80, s19, s30, $0xb8;
	[tilespmem:$0x1E000] =	vst v63  }
0x23e: {  	_ = 	snop  }
0x23f: {  	[spmem:s1] =	stream.indirect.scatter.add.f32 [tilespmem:s31], [sflag:$0x4], $0x80, s20, s30, $0xb8;
	[tilespmem:$0x1E000] =	vst v63  }
0x240: {  	_ =	swait.ge [sflag:s8], $0x4000  }
0x241: {  	[sflag:s8] =	ssyncset.done $0x0  }
0x242: {  	[sflag:s8] =	ssyncadd.s32 $0xFFFFC000  }
0x243: {  	[tilespmem:s31], [sflag:$0x2] =	stream.indirect.gather [hbm4b:s4+s30], $0x80, s21, s30, $0xb8;
	[tilespmem:$0x1E000] =	vst v63  }
0x244: {  	_ =	swait.ge [sflag:s0], $0x4000  }
0x245: {  	[sflag:s0] =	ssyncset.done $0x0  }
0x246: {  	[sflag:s0] =	ssyncadd.s32 $0xFFFFC000  }
0x247: {  	[spmem:s1] =	stream.indirect.scatter.add.f32 [tilespmem:s22], [sflag:$0x3], $0x80, s28, s30, $0xb8;
	[tilespmem:$0x1E000] =	vst v63  }
0x248: {  	_ =	swait.ge [sflag:s2], $0x4000  }
0x249: {  	[sflag:s2] =	ssyncset.done $0x0  }
0x24a: {  	[sflag:s2] =	ssyncadd.s32 $0xFFFFC000  }
0x24b: {  	_ =	swait.ge [sflag:s24], $0x4000  }
0x24c: {  	[sflag:s24] =	ssyncset.done $0x0  }
0x24d: {  	[sflag:s24] =	ssyncadd.s32 $0xFFFFC000  }
0x24e: {  	[tilespmem:s22], [sflag:$0x1] =	stream.indirect.gather [hbm4b:s4+s30], $0x80, s10, s30, $0xb8;
	[tilespmem:$0x1E000] =	vst v63  }
0x24f: {  	s9 =	simm.s32 $0x1B80  }
0x250: {  	[spmem:s1] =	stream.indirect.scatter.add.f32 [tilespmem:s31], [sflag:$0x4], $0x80, s9, s30, $0xb8;
	[tilespmem:$0x1E000] =	vst v63  }
0x251: {  	_ =	swait.ge [sflag:s8], $0x4000  }
0x252: {  	[sflag:s8] =	ssyncset.done $0x0  }
0x253: {  	s10 =	simm.s32 $0x1480;
	[sflag:s8] =	ssyncadd.s32 $0xFFFFC000  }
0x254: {  	[tilespmem:s31], [sflag:$0x2] =	stream.indirect.gather [hbm4b:s4+s30], $0x80, s10, s30, $0xb8;
	[tilespmem:$0x1E000] =	vst v63  }
0x255: {  	_ =	swait.ge [sflag:s0], $0x4000  }
0x256: {  	[sflag:s0] =	ssyncset.done $0x0  }
0x257: {  	s9 =	simm.s32 $0x1C00;
	[sflag:s0] =	ssyncadd.s32 $0xFFFFC000  }
0x258: {  	[spmem:s1] =	stream.indirect.scatter.add.f32 [tilespmem:s22], [sflag:$0x3], $0x80, s9, s30, $0xb8;
	[tilespmem:$0x1E000] =	vst v63  }
0x259: {  	_ =	swait.ge [sflag:s2], $0x4000  }
0x25a: {  	[sflag:s2] =	ssyncset.done $0x0  }
0x25b: {  	[sflag:s2] =	ssyncadd.s32 $0xFFFFC000  }
0x25c: {  	_ =	swait.ge [sflag:s24], $0x4000  }
0x25d: {  	[sflag:s24] =	ssyncset.done $0x0  }
0x25e: {  	s10 =	simm.s32 $0x1500;
	[sflag:s24] =	ssyncadd.s32 $0xFFFFC000  }
0x25f: {  	[tilespmem:s22], [sflag:$0x1] =	stream.indirect.gather [hbm4b:s4+s30], $0x80, s10, s30, $0xb8;
	[tilespmem:$0x1E000] =	vst v63  }
0x260: {  	s9 =	simm.s32 $0x1C80  }
0x261: {  	[spmem:s1] =	stream.indirect.scatter.add.f32 [tilespmem:s31], [sflag:$0x4], $0x80, s9, s30, $0xb8;
	[tilespmem:$0x1E000] =	vst v63  }
0x262: {  	_ =	swait.ge [sflag:s8], $0x4000  }
0x263: {  	[sflag:s8] =	ssyncset.done $0x0  }
0x264: {  	s10 =	simm.s32 $0x1580;
	[sflag:s8] =	ssyncadd.s32 $0xFFFFC000  }
0x265: {  	[tilespmem:s31], [sflag:$0x2] =	stream.indirect.gather [hbm4b:s4+s30], $0x80, s10, s30, $0xb8;
	[tilespmem:$0x1E000] =	vst v63  }
0x266: {  	_ =	swait.ge [sflag:s0], $0x4000  }
0x267: {  	[sflag:s0] =	ssyncset.done $0x0  }
0x268: {  	s9 =	simm.s32 $0x1D00;
	[sflag:s0] =	ssyncadd.s32 $0xFFFFC000  }
0x269: {  	[spmem:s1] =	stream.indirect.scatter.add.f32 [tilespmem:s22], [sflag:$0x3], $0x80, s9, s30, $0xb8;
	[tilespmem:$0x1E000] =	vst v63  }
0x26a: {  	_ =	swait.ge [sflag:s2], $0x4000  }
0x26b: {  	[sflag:s2] =	ssyncset.done $0x0  }
0x26c: {  	[sflag:s2] =	ssyncadd.s32 $0xFFFFC000  }
0x26d: {  	_ =	swait.ge [sflag:s24], $0x4000  }
0x26e: {  	[sflag:s24] =	ssyncset.done $0x0  }
0x26f: {  	s10 =	simm.s32 $0x1600;
	[sflag:s24] =	ssyncadd.s32 $0xFFFFC000  }
0x270: {  	[tilespmem:s22], [sflag:$0x1] =	stream.indirect.gather [hbm4b:s4+s30], $0x80, s10, s30, $0xb8;
	[tilespmem:$0x1E000] =	vst v63  }
0x271: {  	s9 =	simm.s32 $0x1D80  }
0x272: {  	[spmem:s1] =	stream.indirect.scatter.add.f32 [tilespmem:s31], [sflag:$0x4], $0x80, s9, s30, $0xb8;
	[tilespmem:$0x1E000] =	vst v63  }
0x273: {  	_ =	swait.ge [sflag:s8], $0x4000  }
0x274: {  	[sflag:s8] =	ssyncset.done $0x0  }
0x275: {  	s10 =	simm.s32 $0x1680;
	[sflag:s8] =	ssyncadd.s32 $0xFFFFC000  }
0x276: {  	[tilespmem:s31], [sflag:$0x2] =	stream.indirect.gather [hbm4b:s4+s30], $0x80, s10, s30, $0xb8;
	[tilespmem:$0x1E000] =	vst v63  }
0x277: {  	_ =	swait.ge [sflag:s0], $0x4000  }
0x278: {  	[sflag:s0] =	ssyncset.done $0x0  }
0x279: {  	s9 =	simm.s32 $0x1E00;
	[sflag:s0] =	ssyncadd.s32 $0xFFFFC000  }
0x27a: {  	[spmem:s1] =	stream.indirect.scatter.add.f32 [tilespmem:s22], [sflag:$0x3], $0x80, s9, s30, $0xb8;
	[tilespmem:$0x1E000] =	vst v63  }
0x27b: {  	_ =	swait.ge [sflag:s2], $0x4000  }
0x27c: {  	[sflag:s2] =	ssyncset.done $0x0  }
0x27d: {  	[sflag:s2] =	ssyncadd.s32 $0xFFFFC000  }
0x27e: {  	_ =	swait.ge [sflag:s24], $0x4000  }
0x27f: {  	[sflag:s24] =	ssyncset.done $0x0  }
0x280: {  	s10 =	simm.s32 $0x1700;
	[sflag:s24] =	ssyncadd.s32 $0xFFFFC000  }
0x281: {  	[tilespmem:s22], [sflag:$0x1] =	stream.indirect.gather [hbm4b:s4+s30], $0x80, s10, s30, $0xb8;
	[tilespmem:$0x1E000] =	vst v63  }
0x282: {  	s9 =	simm.s32 $0x1E80  }
0x283: {  	[spmem:s1] =	stream.indirect.scatter.add.f32 [tilespmem:s31], [sflag:$0x4], $0x80, s9, s30, $0xb8;
	[tilespmem:$0x1E000] =	vst v63  }
0x284: {  	_ =	swait.ge [sflag:s8], $0x4000  }
0x285: {  	[sflag:s8] =	ssyncset.done $0x0  }
0x286: {  	s10 =	simm.s32 $0x1780;
	[sflag:s8] =	ssyncadd.s32 $0xFFFFC000  }
0x287: {  	[tilespmem:s31], [sflag:$0x2] =	stream.indirect.gather [hbm4b:s4+s30], $0x80, s10, s30, $0xb8;
	[tilespmem:$0x1E000] =	vst v63  }
0x288: {  	_ =	swait.ge [sflag:s0], $0x4000  }
0x289: {  	[sflag:s0] =	ssyncset.done $0x0  }
0x28a: {  	s9 =	simm.s32 $0x1F00;
	[sflag:s0] =	ssyncadd.s32 $0xFFFFC000  }
0x28b: {  	[spmem:s1] =	stream.indirect.scatter.add.f32 [tilespmem:s22], [sflag:$0x3], $0x80, s9, s30, $0xb8;
	[tilespmem:$0x1E000] =	vst v63  }
0x28c: {  	_ =	swait.ge [sflag:s2], $0x4000  }
0x28d: {  	[sflag:s2] =	ssyncset.done $0x0  }
0x28e: {  	[sflag:s2] =	ssyncadd.s32 $0xFFFFC000  }
0x28f: {  	_ =	swait.ge [sflag:s24], $0x4000  }
0x290: {  	[sflag:s24] =	ssyncset.done $0x0  }
0x291: {  	s10 =	simm.s32 $0x1F80;
	[sflag:s24] =	ssyncadd.s32 $0xFFFFC000  }
0x292: {  	[spmem:s1] =	stream.indirect.scatter.add.f32 [tilespmem:s31], [sflag:$0x4], $0x80, s10, s30, $0xb8;
	[tilespmem:$0x1E000] =	vst v63  }
0x293: {  	_ =	swait.ge [sflag:s8], $0x4000  }
0x294: {  	[sflag:s8] =	ssyncset.done $0x0  }
0x295: {  	[sflag:s8] =	ssyncadd.s32 $0xFFFFC000  }
0x296: {  	_ =	swait.ge [sflag:s25], $0x800  }
0x297: {  	[sflag:s25] =	ssyncset.done $0x0  }
0x298: {  	[sflag:s25] =	ssyncadd.s32 $0xFFFFF800  }
0x299: {  	_ =	swait.ge [sflag:s26], $0x800  }
0x29a: {  	[sflag:s26] =	ssyncset.done $0x0  }
0x29b: {  	[sflag:s26] =	ssyncadd.s32 $0xFFFFF800  }
0x29c: {  	[tilespmem:s22], [sflag:$0x1] =	stream.indirect.gather [hbm4b:s4+s30], $0x80, s3, s30, $0xb8;
	[tilespmem:$0x1E000] =	vst v63  }
0x29d: {  	_ = 	snop  }
0x29e: {  	[tilespmem:s31], [sflag:$0x2] =	stream.indirect.gather [hbm4b:s4+s30], $0x80, s30, s30, $0xb8;
	[tilespmem:$0x1E000] =	vst v63  }
0x29f: {  	_ =	swait.ge [sflag:s0], $0x4000  }
0x2a0: {  	[sflag:s0] =	ssyncset.done $0x0  }
0x2a1: {  	[sflag:s0] =	ssyncadd.s32 $0xFFFFC000  }
0x2a2: {  	[spmem:s1] =	stream.indirect.scatter.add.f32 [tilespmem:s22], [sflag:$0x3], $0x80, s5, s30, $0xb8;
	[tilespmem:$0x1E000] =	vst v63  }
0x2a3: {  	_ =	swait.ge [sflag:s2], $0x4000  }
0x2a4: {  	[sflag:s2] =	ssyncset.done $0x0  }
0x2a5: {  	[sflag:s2] =	ssyncadd.s32 $0xFFFFC000  }
0x2a6: {  	_ =	swait.ge [sflag:s24], $0x4000  }
0x2a7: {  	[sflag:s24] =	ssyncset.done $0x0  }
0x2a8: {  	s9 =	simm.s32 $0x100;
	[sflag:s24] =	ssyncadd.s32 $0xFFFFC000  }
0x2a9: {  	[tilespmem:s22], [sflag:$0x1] =	stream.indirect.gather [hbm4b:s4+s30], $0x80, s9, s30, $0xb8;
	[tilespmem:$0x1E000] =	vst v63  }
0x2aa: {  	s10 =	simm.s32 $0x880  }
0x2ab: {  	[spmem:s1] =	stream.indirect.scatter.add.f32 [tilespmem:s31], [sflag:$0x4], $0x80, s10, s30, $0xb8;
	[tilespmem:$0x1E000] =	vst v63  }
0x2ac: {  	_ =	swait.ge [sflag:s8], $0x4000  }
0x2ad: {  	[sflag:s8] =	ssyncset.done $0x0  }
0x2ae: {  	s7 =	simm.s32 $0x180;
	[sflag:s8] =	ssyncadd.s32 $0xFFFFC000  }
0x2af: {  	[tilespmem:s31], [sflag:$0x2] =	stream.indirect.gather [hbm4b:s4+s30], $0x80, s7, s30, $0xb8;
	[tilespmem:$0x1E000] =	vst v63  }
0x2b0: {  	_ =	swait.ge [sflag:s0], $0x4000  }
0x2b1: {  	[sflag:s0] =	ssyncset.done $0x0  }
0x2b2: {  	s9 =	simm.s32 $0x900;
	[sflag:s0] =	ssyncadd.s32 $0xFFFFC000  }
0x2b3: {  	[spmem:s1] =	stream.indirect.scatter.add.f32 [tilespmem:s22], [sflag:$0x3], $0x80, s9, s30, $0xb8;
	[tilespmem:$0x1E000] =	vst v63  }
0x2b4: {  	_ =	swait.ge [sflag:s2], $0x4000  }
0x2b5: {  	[sflag:s2] =	ssyncset.done $0x0  }
0x2b6: {  	[sflag:s2] =	ssyncadd.s32 $0xFFFFC000  }
0x2b7: {  	_ =	swait.ge [sflag:s24], $0x4000  }
0x2b8: {  	[sflag:s24] =	ssyncset.done $0x0  }
0x2b9: {  	s10 =	simm.s32 $0x200;
	[sflag:s24] =	ssyncadd.s32 $0xFFFFC000  }
0x2ba: {  	[tilespmem:s22], [sflag:$0x1] =	stream.indirect.gather [hbm4b:s4+s30], $0x80, s10, s30, $0xb8;
	[tilespmem:$0x1E000] =	vst v63  }
0x2bb: {  	s7 =	simm.s32 $0x980  }
0x2bc: {  	[spmem:s1] =	stream.indirect.scatter.add.f32 [tilespmem:s31], [sflag:$0x4], $0x80, s7, s30, $0xb8;
	[tilespmem:$0x1E000] =	vst v63  }
0x2bd: {  	_ =	swait.ge [sflag:s8], $0x4000  }
0x2be: {  	[sflag:s8] =	ssyncset.done $0x0  }
0x2bf: {  	s9 =	simm.s32 $0x280;
	[sflag:s8] =	ssyncadd.s32 $0xFFFFC000  }
0x2c0: {  	[tilespmem:s31], [sflag:$0x2] =	stream.indirect.gather [hbm4b:s4+s30], $0x80, s9, s30, $0xb8;
	[tilespmem:$0x1E000] =	vst v63  }
0x2c1: {  	_ =	swait.ge [sflag:s0], $0x4000  }
0x2c2: {  	[sflag:s0] =	ssyncset.done $0x0  }
0x2c3: {  	s10 =	simm.s32 $0xA00;
	[sflag:s0] =	ssyncadd.s32 $0xFFFFC000  }
0x2c4: {  	[spmem:s1] =	stream.indirect.scatter.add.f32 [tilespmem:s22], [sflag:$0x3], $0x80, s10, s30, $0xb8;
	[tilespmem:$0x1E000] =	vst v63  }
0x2c5: {  	_ =	swait.ge [sflag:s2], $0x4000  }
0x2c6: {  	[sflag:s2] =	ssyncset.done $0x0  }
0x2c7: {  	[sflag:s2] =	ssyncadd.s32 $0xFFFFC000  }
0x2c8: {  	_ =	swait.ge [sflag:s24], $0x4000  }
0x2c9: {  	[sflag:s24] =	ssyncset.done $0x0  }
0x2ca: {  	s7 =	simm.s32 $0x300;
	[sflag:s24] =	ssyncadd.s32 $0xFFFFC000  }
0x2cb: {  	[tilespmem:s22], [sflag:$0x1] =	stream.indirect.gather [hbm4b:s4+s30], $0x80, s7, s30, $0xb8;
	[tilespmem:$0x1E000] =	vst v63  }
0x2cc: {  	s9 =	simm.s32 $0xA80  }
0x2cd: {  	[spmem:s1] =	stream.indirect.scatter.add.f32 [tilespmem:s31], [sflag:$0x4], $0x80, s9, s30, $0xb8;
	[tilespmem:$0x1E000] =	vst v63  }
0x2ce: {  	_ =	swait.ge [sflag:s8], $0x4000  }
0x2cf: {  	[sflag:s8] =	ssyncset.done $0x0  }
0x2d0: {  	s10 =	simm.s32 $0x380;
	[sflag:s8] =	ssyncadd.s32 $0xFFFFC000  }
0x2d1: {  	[tilespmem:s31], [sflag:$0x2] =	stream.indirect.gather [hbm4b:s4+s30], $0x80, s10, s30, $0xb8;
	[tilespmem:$0x1E000] =	vst v63  }
0x2d2: {  	_ =	swait.ge [sflag:s0], $0x4000  }
0x2d3: {  	[sflag:s0] =	ssyncset.done $0x0  }
0x2d4: {  	s7 =	simm.s32 $0xB00;
	[sflag:s0] =	ssyncadd.s32 $0xFFFFC000  }
0x2d5: {  	[spmem:s1] =	stream.indirect.scatter.add.f32 [tilespmem:s22], [sflag:$0x3], $0x80, s7, s30, $0xb8;
	[tilespmem:$0x1E000] =	vst v63  }
0x2d6: {  	_ =	swait.ge [sflag:s2], $0x4000  }
0x2d7: {  	[sflag:s2] =	ssyncset.done $0x0  }
0x2d8: {  	[sflag:s2] =	ssyncadd.s32 $0xFFFFC000  }
0x2d9: {  	_ =	swait.ge [sflag:s24], $0x4000  }
0x2da: {  	[sflag:s24] =	ssyncset.done $0x0  }
0x2db: {  	s9 =	simm.s32 $0x400;
	[sflag:s24] =	ssyncadd.s32 $0xFFFFC000  }
0x2dc: {  	[tilespmem:s22], [sflag:$0x1] =	stream.indirect.gather [hbm4b:s4+s30], $0x80, s9, s30, $0xb8;
	[tilespmem:$0x1E000] =	vst v63  }
0x2dd: {  	s10 =	simm.s32 $0xB80  }
0x2de: {  	[spmem:s1] =	stream.indirect.scatter.add.f32 [tilespmem:s31], [sflag:$0x4], $0x80, s10, s30, $0xb8;
	[tilespmem:$0x1E000] =	vst v63  }
0x2df: {  	_ =	swait.ge [sflag:s8], $0x4000  }
0x2e0: {  	[sflag:s8] =	ssyncset.done $0x0  }
0x2e1: {  	s7 =	simm.s32 $0x480;
	[sflag:s8] =	ssyncadd.s32 $0xFFFFC000  }
0x2e2: {  	[tilespmem:s31], [sflag:$0x2] =	stream.indirect.gather [hbm4b:s4+s30], $0x80, s7, s30, $0xb8;
	[tilespmem:$0x1E000] =	vst v63  }
0x2e3: {  	_ =	swait.ge [sflag:s0], $0x4000  }
0x2e4: {  	[sflag:s0] =	ssyncset.done $0x0  }
0x2e5: {  	s9 =	simm.s32 $0xC00;
	[sflag:s0] =	ssyncadd.s32 $0xFFFFC000  }
0x2e6: {  	[spmem:s1] =	stream.indirect.scatter.add.f32 [tilespmem:s22], [sflag:$0x3], $0x80, s9, s30, $0xb8;
	[tilespmem:$0x1E000] =	vst v63  }
0x2e7: {  	_ =	swait.ge [sflag:s2], $0x4000  }
0x2e8: {  	[sflag:s2] =	ssyncset.done $0x0  }
0x2e9: {  	[sflag:s2] =	ssyncadd.s32 $0xFFFFC000  }
0x2ea: {  	_ =	swait.ge [sflag:s24], $0x4000  }
0x2eb: {  	[sflag:s24] =	ssyncset.done $0x0  }
0x2ec: {  	s10 =	simm.s32 $0x500;
	[sflag:s24] =	ssyncadd.s32 $0xFFFFC000  }
0x2ed: {  	[tilespmem:s22], [sflag:$0x1] =	stream.indirect.gather [hbm4b:s4+s30], $0x80, s10, s30, $0xb8;
	[tilespmem:$0x1E000] =	vst v63  }
0x2ee: {  	s7 =	simm.s32 $0xC80  }
0x2ef: {  	[spmem:s1] =	stream.indirect.scatter.add.f32 [tilespmem:s31], [sflag:$0x4], $0x80, s7, s30, $0xb8;
	[tilespmem:$0x1E000] =	vst v63  }
0x2f0: {  	_ =	swait.ge [sflag:s8], $0x4000  }
0x2f1: {  	[sflag:s8] =	ssyncset.done $0x0  }
0x2f2: {  	s9 =	simm.s32 $0x580;
	[sflag:s8] =	ssyncadd.s32 $0xFFFFC000  }
0x2f3: {  	[tilespmem:s31], [sflag:$0x2] =	stream.indirect.gather [hbm4b:s4+s30], $0x80, s9, s30, $0xb8;
	[tilespmem:$0x1E000] =	vst v63  }
0x2f4: {  	_ =	swait.ge [sflag:s0], $0x4000  }
0x2f5: {  	[sflag:s0] =	ssyncset.done $0x0  }
0x2f6: {  	s10 =	simm.s32 $0xD00;
	[sflag:s0] =	ssyncadd.s32 $0xFFFFC000  }
0x2f7: {  	[spmem:s1] =	stream.indirect.scatter.add.f32 [tilespmem:s22], [sflag:$0x3], $0x80, s10, s30, $0xb8;
	[tilespmem:$0x1E000] =	vst v63  }
0x2f8: {  	_ =	swait.ge [sflag:s2], $0x4000  }
0x2f9: {  	[sflag:s2] =	ssyncset.done $0x0  }
0x2fa: {  	[sflag:s2] =	ssyncadd.s32 $0xFFFFC000  }
0x2fb: {  	_ =	swait.ge [sflag:s24], $0x4000  }
0x2fc: {  	[sflag:s24] =	ssyncset.done $0x0  }
0x2fd: {  	s7 =	simm.s32 $0x600;
	[sflag:s24] =	ssyncadd.s32 $0xFFFFC000  }
0x2fe: {  	[tilespmem:s22], [sflag:$0x1] =	stream.indirect.gather [hbm4b:s4+s30], $0x80, s7, s30, $0xb8;
	[tilespmem:$0x1E000] =	vst v63  }
0x2ff: {  	s9 =	simm.s32 $0xD80  }
0x300: {  	[spmem:s1] =	stream.indirect.scatter.add.f32 [tilespmem:s31], [sflag:$0x4], $0x80, s9, s30, $0xb8;
	[tilespmem:$0x1E000] =	vst v63  }
0x301: {  	_ =	swait.ge [sflag:s8], $0x4000  }
0x302: {  	[sflag:s8] =	ssyncset.done $0x0  }
0x303: {  	s10 =	simm.s32 $0x680;
	[sflag:s8] =	ssyncadd.s32 $0xFFFFC000  }
0x304: {  	[tilespmem:s31], [sflag:$0x2] =	stream.indirect.gather [hbm4b:s4+s30], $0x80, s10, s30, $0xb8;
	[tilespmem:$0x1E000] =	vst v63  }
0x305: {  	_ =	swait.ge [sflag:s0], $0x4000  }
0x306: {  	[sflag:s0] =	ssyncset.done $0x0  }
0x307: {  	s7 =	simm.s32 $0xE00;
	[sflag:s0] =	ssyncadd.s32 $0xFFFFC000  }
0x308: {  	[spmem:s1] =	stream.indirect.scatter.add.f32 [tilespmem:s22], [sflag:$0x3], $0x80, s7, s30, $0xb8;
	[tilespmem:$0x1E000] =	vst v63  }
0x309: {  	_ =	swait.ge [sflag:s2], $0x4000  }
0x30a: {  	[sflag:s2] =	ssyncset.done $0x0  }
0x30b: {  	[sflag:s2] =	ssyncadd.s32 $0xFFFFC000  }
0x30c: {  	_ =	swait.ge [sflag:s24], $0x4000  }
0x30d: {  	[sflag:s24] =	ssyncset.done $0x0  }
0x30e: {  	s9 =	simm.s32 $0x700;
	[sflag:s24] =	ssyncadd.s32 $0xFFFFC000  }
0x30f: {  	[tilespmem:s22], [sflag:$0x1] =	stream.indirect.gather [hbm4b:s4+s30], $0x80, s9, s30, $0xb8;
	[tilespmem:$0x1E000] =	vst v63  }
0x310: {  	s10 =	simm.s32 $0xE80  }
0x311: {  	[spmem:s1] =	stream.indirect.scatter.add.f32 [tilespmem:s31], [sflag:$0x4], $0x80, s10, s30, $0xb8;
	[tilespmem:$0x1E000] =	vst v63  }
0x312: {  	_ =	swait.ge [sflag:s8], $0x4000  }
0x313: {  	[sflag:s8] =	ssyncset.done $0x0  }
0x314: {  	s7 =	simm.s32 $0x780;
	[sflag:s8] =	ssyncadd.s32 $0xFFFFC000  }
0x315: {  	[tilespmem:s31], [sflag:$0x2] =	stream.indirect.gather [hbm4b:s4+s30], $0x80, s7, s30, $0xb8;
	[tilespmem:$0x1E000] =	vst v63  }
0x316: {  	_ =	swait.ge [sflag:s0], $0x4000  }
0x317: {  	[sflag:s0] =	ssyncset.done $0x0  }
0x318: {  	s9 =	simm.s32 $0xF00;
	[sflag:s0] =	ssyncadd.s32 $0xFFFFC000  }
0x319: {  	[spmem:s1] =	stream.indirect.scatter.add.f32 [tilespmem:s22], [sflag:$0x3], $0x80, s9, s30, $0xb8;
	[tilespmem:$0x1E000] =	vst v63  }
0x31a: {  	_ =	swait.ge [sflag:s2], $0x4000  }
0x31b: {  	[sflag:s2] =	ssyncset.done $0x0  }
0x31c: {  	[sflag:s2] =	ssyncadd.s32 $0xFFFFC000  }
0x31d: {  	_ =	swait.ge [sflag:s24], $0x4000  }
0x31e: {  	[sflag:s24] =	ssyncset.done $0x0  }
0x31f: {  	s10 =	simm.s32 $0xF80;
	[sflag:s24] =	ssyncadd.s32 $0xFFFFC000  }
0x320: {  	[spmem:s1] =	stream.indirect.scatter.add.f32 [tilespmem:s31], [sflag:$0x4], $0x80, s10, s30, $0xb8;
	[tilespmem:$0x1E000] =	vst v63  }
0x321: {  	_ =	swait.ge [sflag:s8], $0x4000  }
0x322: {  	[sflag:s8] =	ssyncset.done $0x0  }
0x323: {  	s5 =	stileid.u32;
	[sflag:s8] =	ssyncadd.s32 $0xFFFFC000  }
0x324: {  	s7 =	sshll.u32 s5, $0x6;
	[bflag:$0x0] =	sbarrier.arrive $0xFFFF  }
0x325: {  	s7 =	sor.u32 $0x1C07, s7;
	s9 =	rddreg [dreg:$0x14]  }
0x326: {  	s5 =	rddreg [dreg:$0x12];
	s10 =	sshrl.u32 s9, $0x3;
	s9 =	simm.s32 $0x7  }
0x327: {  	[hbm:s5], [sflag:s7] =	dma.local [spmem:s10], $0x2800  }
0x328: {  	_ =	swait.ge [sflag:s9], $0x2800  }
0x329: {  	s6 =	sadd.s32 $0x1, s6;
	s10 =	rddreg [dreg:$0x13]  }
0x32a: {  	p0 =	sne.s32 s6, s10  }
.Ltmp1:
0x32b: {  	_ = 	snop;
	(pc) =	sbr.rel @p0 .LBB2_1-.Ltmp1, $3  }
0x32c: {  	_ =	sdelay $0x1  }
0x32d: {  	[sflag:s9] =	ssyncset.done $0x0  }
0x32e: {  	[sflag:s9] =	ssyncadd.s32 $0xFFFFD800  }
0x32f: {  	_ =	sfence.sel $0x180000  }
0x330: {  	[bflag:$0x0] =	sbarrier.arrive $0xFFFF  }
0x331: {  	_ =	strace $0x9000004A  }
0x332: {  	s0 =	stileid.u32;
	[bflag:$0x2] =	sbarrier.arrive $0xFFFF  }
0x333: {  	p0 =	sne.s32 s0, $0x0;
	s0 =	rddreg [dreg:$0x3]  }
0x334: {  	s0 =	sadd.s32 @!p0 $0x100000, s0  }
0x335: {  	[sflag:s0] =	ssyncadd.tile.s32 @!p0 $0x1;
	_ =	shalt  }
.Lfunc_end2:
_tile_overlayer_lowered:
.L_overlay_start_2:
0x336: {  	(tag) =	ssettag $0x2  }
0x337: {  	s0 =	rddreg [dreg:$0x0];
	s2 =	stileid.u32  }
0x338: {  	s1 =	rddreg [dreg:$0x1];
	p0 =	sne.s32 s2, $0x0  }
0x339: {  	s3 =	rddreg [dreg:$0x2];
	[bflag:$0x3] =	sbarrier.arrive $0xFFFF;
	s2 =	simm.s32 @!p0 $0x1C07  }
0x33a: {  	[timem:s3], [sflag:s2] =	dma.local @!p0 [hbm:s0], s1  }
0x33b: {  	s0 =	simm.s32 @!p0 $0x7  }
0x33c: {  	_ =	swait.ge @!p0 [sflag:s0], s1  }
0x33d: {  	s1 =	ssub.s32 @!p0 $0x0, s1;
	[sflag:s0] =	ssyncset.done @!p0 $0x0  }
0x33e: {  	[sflag:s0] =	ssyncadd.s32 @!p0 s1  }
0x33f: {  	[bflag:$0x3] =	sbarrier.arrive $0xFFFF  }
0x340: {  	_ =	shalt  }

</sc_bundles>
